<compile_context>
chip_gen: v7x
topology: tpu7x:2x2x1
jax: 0.10.2.dev20260603
libtpu: 0.0.44.dev20260713+nightly
codegen_flags: <defaults>
</compile_context>

<pallas_src>
import jax
import jax.numpy as jnp
from jax import lax
from jax.experimental import pallas as pl
from jax.experimental.pallas import tpu as pltpu
from jax.experimental.pallas import tpu_sc as plsc

_N = 10000
_D = 128
_NP = 10240
_NC = 2
_NS = 16
_NW = _NC * _NS
_CHUNK = 128
_R0 = 80
_R1 = 80
_PASS = 56
_NPASS = -(-_R0 // _PASS)
_ROWS = _NS * (_R0 + _R1)
_EROWS = _NS * _R0 + _NS * _R1 + _NPASS * _PASS
_EPAD = _EROWS * 128
_ROWS_PER_TILE = _NP // _NS


_DEGR = _ROWS // _NW


def _sc_deg_body(dst_hbm, degp_hbm, dstv, degv):
    c = lax.axis_index("c")
    s = lax.axis_index("s")
    wid = c * _NS + s

    zv = jnp.zeros((16,), jnp.float32)

    def _zdeg(i, carry):
        for cc in range(8):
            degv[i, pl.ds(cc * 16, 16)] = zv
        return carry
    lax.fori_loop(0, _NP // 128, _zdeg, 0)

    pltpu.sync_copy(dst_hbm.at[pl.ds(wid * _DEGR, _DEGR)], dstv)

    ones16 = jnp.ones((16,), jnp.float32)

    def _body(r, carry):
        for k in range(8):
            idx = dstv[r, pl.ds(k * 16, 16)]
            plsc.addupdate_scatter(
                degv,
                [lax.shift_right_logical(idx, 7),
                 lax.bitwise_and(idx, 127)],
                ones16)
        return carry
    lax.fori_loop(0, _DEGR, _body, 0)

    pltpu.sync_copy(degv, degp_hbm.at[wid])


def _sc_deg(dst):
    mesh = plsc.VectorSubcoreMesh(core_axis_name="c", subcore_axis_name="s")
    f = pl.kernel(
        _sc_deg_body,
        out_type=jax.ShapeDtypeStruct((_NW, _NP // 128, 128), jnp.float32),
        mesh=mesh,
        compiler_params=pltpu.CompilerParams(needs_layout_passes=False),
        scratch_types=[
            pltpu.VMEM((_DEGR, 128), jnp.int32),
            pltpu.VMEM((_NP // 128, 128), jnp.float32),
        ],
    )
    return f(dst)


def _sc_segsum_body(src_hbm, dst_hbm, y_hbm, degp_hbm, agg_hbm,
                    srcv, dstv, rows, acc, gsem):
    del degp_hbm
    c = lax.axis_index("c")
    s = lax.axis_index("s")

    base = jnp.where(c == 0, s * _R0, _NS * _R0 + s * _R1)
    rc = jnp.where(c == 0, _R0, _R1)

    zv = jnp.zeros((16,), jnp.float32)

    def _zrow(r, carry):
        for cc in range(8):
            rows[0, r, pl.ds(cc * 16, 16)] = zv
        return carry
    lax.fori_loop(0, _CHUNK, _zrow, 0)
    for k in range(_ROWS_PER_TILE // _CHUNK):
        pltpu.sync_copy(rows.at[0],
                        acc.at[pl.ds(s * _ROWS_PER_TILE + k * _CHUNK, _CHUNK)])

    plsc.subcore_barrier()

    def _start(r, b):
        pltpu.async_copy(y_hbm.at[srcv.at[r]], rows.at[b], gsem)

    def _wait(b):
        pltpu.make_async_copy(y_hbm.at[srcv.at[0]], rows.at[b], gsem).wait()

    for p in range(_NPASS):
        rcp = jnp.clip(rc - p * _PASS, 0, _PASS)

        @pl.when(rcp > 0)
        def _():
            pltpu.sync_copy(src_hbm.at[pl.ds(base + p * _PASS, _PASS)], srcv)
            pltpu.sync_copy(dst_hbm.at[pl.ds(base + p * _PASS, _PASS)], dstv)
            _start(0, 0)

            def _body(g, carry):
                for b in range(2):
                    r = 2 * g + b
                    _wait(b)

                    @pl.when(r + 1 < rcp)
                    def _():
                        _start(r + 1, 1 - b)

                    pltpu.sync_copy(rows.at[b], acc.at[dstv.at[r]],
                                    add=True)
                return carry
            lax.fori_loop(0, (rcp + 1) // 2, _body, 0)

    plsc.subcore_barrier()
    pltpu.sync_copy(acc.at[pl.ds(s * _ROWS_PER_TILE, _ROWS_PER_TILE)],
                    agg_hbm.at[c, pl.ds(s * _ROWS_PER_TILE, _ROWS_PER_TILE)])


def _sc_segsum(src, dst, y, degp):
    mesh = plsc.VectorSubcoreMesh(core_axis_name="c", subcore_axis_name="s")
    f = pl.kernel(
        _sc_segsum_body,
        out_type=jax.ShapeDtypeStruct((_NC, _NP, _D), jnp.float32),
        mesh=mesh,
        compiler_params=pltpu.CompilerParams(needs_layout_passes=False),
        scratch_types=[
            pltpu.VMEM((_PASS, 128), jnp.int32),
            pltpu.VMEM((_PASS, 128), jnp.int32),
            pltpu.VMEM((2, _CHUNK, _D), jnp.float32),
            pltpu.VMEM_SHARED((_NP, _D), jnp.float32),
            pltpu.SemaphoreType.DMA,
        ],
    )
    return f(src, dst, y, degp)


_BLK = 1024
_GRID = _NP // _BLK
_MMBLK = 1000
_MMGRID = _N // _MMBLK


def _mm_body(x_ref, wl_ref, wr_ref, b_ref, y_ref, z_ref):
    xb = x_ref[...]
    y_ref[...] = jnp.dot(xb, wl_ref[...], preferred_element_type=jnp.float32)
    z_ref[...] = (jnp.dot(xb, wr_ref[...], preferred_element_type=jnp.float32)
                  + b_ref[...])


def _mm(x, wl_t, wr_t, b):
    return pl.pallas_call(
        _mm_body,
        grid=(_MMGRID,),
        in_specs=[
            pl.BlockSpec((_MMBLK, _D), lambda i: (i, 0)),
            pl.BlockSpec((_D, _D), lambda i: (0, 0)),
            pl.BlockSpec((_D, _D), lambda i: (0, 0)),
            pl.BlockSpec((_D,), lambda i: (0,)),
        ],
        out_specs=[
            pl.BlockSpec((_MMBLK, _D), lambda i: (i, 0)),
            pl.BlockSpec((_MMBLK, _D), lambda i: (i, 0)),
        ],
        out_shape=[
            jax.ShapeDtypeStruct((_NP, _D), jnp.float32),
            jax.ShapeDtypeStruct((_NP, _D), jnp.float32),
        ],
    )(x, wl_t, wr_t, b)


def _combine_mm_body(agg_ref, degp_ref, z_ref, wl_ref, wr_ref, b_ref,
                     y_ref, z2_ref, invd_ref):
    deg = jnp.sum(degp_ref[...], axis=0)
    invd = 1.0 / jnp.maximum(deg, 1.0)
    h = jnp.maximum((agg_ref[0] + agg_ref[1]) * invd[:, None] + z_ref[...],
                    0.0)
    y_ref[...] = jnp.dot(h, wl_ref[...], preferred_element_type=jnp.float32)
    z2_ref[...] = (jnp.dot(h, wr_ref[...], preferred_element_type=jnp.float32)
                   + b_ref[...])
    invd_ref[...] = invd


def _combine_mm(agg, degp, z, wl_t, wr_t, b):
    return pl.pallas_call(
        _combine_mm_body,
        grid=(_GRID,),
        in_specs=[
            pl.BlockSpec((_NC, _BLK, _D), lambda i: (0, i, 0)),
            pl.BlockSpec((_NW, _BLK), lambda i: (0, i)),
            pl.BlockSpec((_BLK, _D), lambda i: (i, 0)),
            pl.BlockSpec((_D, _D), lambda i: (0, 0)),
            pl.BlockSpec((_D, _D), lambda i: (0, 0)),
            pl.BlockSpec((_D,), lambda i: (0,)),
        ],
        out_specs=[
            pl.BlockSpec((_BLK, _D), lambda i: (i, 0)),
            pl.BlockSpec((_BLK, _D), lambda i: (i, 0)),
            pl.BlockSpec((_BLK,), lambda i: (i,)),
        ],
        out_shape=[
            jax.ShapeDtypeStruct((_NP, _D), jnp.float32),
            jax.ShapeDtypeStruct((_NP, _D), jnp.float32),
            jax.ShapeDtypeStruct((_NP,), jnp.float32),
        ],
    )(agg, degp, z, wl_t, wr_t, b)


def _final_body(agg_ref, invd_ref, z_ref, out_ref):
    out_ref[...] = jnp.maximum(
        (agg_ref[0] + agg_ref[1]) * invd_ref[...][:, None] + z_ref[...], 0.0)


def _final(agg, invd, z):
    return pl.pallas_call(
        _final_body,
        grid=(_GRID,),
        in_specs=[
            pl.BlockSpec((_NC, _BLK, _D), lambda i: (0, i, 0)),
            pl.BlockSpec((_BLK,), lambda i: (i,)),
            pl.BlockSpec((_BLK, _D), lambda i: (i, 0)),
        ],
        out_specs=pl.BlockSpec((_BLK, _D), lambda i: (i, 0)),
        out_shape=jax.ShapeDtypeStruct((_NP, _D), jnp.float32),
    )(agg, invd, z)


def kernel(x, edge_index, W1l, b1l, W1r, W2l, b2l, W2r):
    e = edge_index.shape[1]
    pad = _EPAD - e
    pad_src = (jnp.arange(pad, dtype=jnp.int32) * 37) % _N
    pad_dst = _N + jnp.arange(pad, dtype=jnp.int32) % (_NP - _N)
    src = jnp.concatenate([edge_index[0], pad_src])
    dst = jnp.concatenate([edge_index[1], pad_dst])
    src = src.reshape(_EROWS, 128)
    dst = dst.reshape(_EROWS, 128)

    degp3 = _sc_deg(dst)
    degp = degp3.reshape(_NW, _NP)

    y1, z1 = _mm(x, W1l.T, W1r.T, b1l)
    agg1 = _sc_segsum(src, dst, y1, degp3)
    y2, z2, invd = _combine_mm(agg1, degp, z1, W2l.T, W2r.T, b2l)

    agg2 = _sc_segsum(src, dst, y2, degp3)
    out = _final(agg2, invd, z2)
    return out[:_N]

# --- scband reference (transcript-rebuilt; emitter-appended) ---
"""Pipeline reference for scband-gnnencoder-43525198577951 (READ-ONLY COPY).

The authoritative reference and input builder live on the scoring server;
editing this copy changes nothing except your own understanding.
"""

import jax, jax.numpy as jnp
import numpy as np

N = 10000
E = 320000
D = 128
H = 128


def setup_inputs(seed: int = 0) -> dict:
    key = jax.random.key(seed)
    ks = jax.random.split(key, 9)
    x = jax.random.normal(ks[0], (N, D), dtype=jnp.float32)
    edge_index = jax.random.randint(ks[1], (2, E), 0, N, dtype=jnp.int32)
    s1 = 1.0 / np.sqrt(D)
    s2 = 1.0 / np.sqrt(H)
    W1l = jax.random.uniform(ks[2], (H, D), dtype=jnp.float32, minval=-s1, maxval=s1)
    b1l = jax.random.uniform(ks[3], (H,), dtype=jnp.float32, minval=-s1, maxval=s1)
    W1r = jax.random.uniform(ks[4], (H, D), dtype=jnp.float32, minval=-s1, maxval=s1)
    W2l = jax.random.uniform(ks[5], (H, H), dtype=jnp.float32, minval=-s2, maxval=s2)
    b2l = jax.random.uniform(ks[6], (H,), dtype=jnp.float32, minval=-s2, maxval=s2)
    W2r = jax.random.uniform(ks[7], (H, H), dtype=jnp.float32, minval=-s2, maxval=s2)
    return {"x": x, "edge_index": edge_index, "W1l": W1l, "b1l": b1l, "W1r": W1r,
            "W2l": W2l, "b2l": b2l, "W2r": W2r}


def _sage_layer(x, edge_index, Wl, bl, Wr):
    # PyG SAGEConv with aggr='mean': out = lin_l(mean_{j in N(i)} x_j) + lin_r(x_i)
    src = edge_index[0]
    dst = edge_index[1]
    msg = jnp.take(x, src, axis=0)                      # gather: [E, D]
    agg = jax.ops.segment_sum(msg, dst, num_segments=N)  # scatter-add: [N, D]
    deg = jax.ops.segment_sum(jnp.ones((edge_index.shape[1],), dtype=x.dtype), dst, num_segments=N)
    mean = agg / jnp.clip(deg, 1.0)[:, None]
    return mean @ Wl.T + bl + x @ Wr.T


def reference(x, edge_index, W1l, b1l, W1r, W2l, b2l, W2r):
    h = jax.nn.relu(_sage_layer(x, edge_index, W1l, b1l, W1r))
    h = jax.nn.relu(_sage_layer(h, edge_index, W2l, b2l, W2r))
    return h

if __name__ == "__main__":
    import jax
    _d = setup_inputs()
    print(jax.jit(kernel)(*tuple(_d.values())))

</pallas_src>

<mosaic_0001>
#map = affine_map<(d0, d1) -> (0, 0)>
#map1 = affine_map<(d0, d1) -> (0, 0, 0)>
module attributes {stable_mosaic.version = 14 : i64} {
  func.func @_sc_segsum_body(%arg0: i32, %arg1: i32, %arg2: memref<2672x128xi32, #tpu.memory_space<hbm>>, %arg3: memref<2672x128xi32, #tpu.memory_space<hbm>>, %arg4: memref<10240x128xf32, #tpu.memory_space<hbm>>, %arg5: memref<32x80x128xf32, #tpu.memory_space<hbm>>, %arg6: memref<2x10240x128xf32, #tpu.memory_space<hbm>>, %arg7: memref<56x128xi32, #tpu.memory_space<vmem>>, %arg8: memref<56x128xi32, #tpu.memory_space<vmem>>, %arg9: memref<2x128x128xf32, #tpu.memory_space<vmem>>, %arg10: memref<10240x128xf32, #tpu.memory_space<vmem_shared>>, %arg11: memref<!tpu.dma_semaphore, #tpu.memory_space<semaphore_mem>>) attributes {dimension_semantics = [#tpu.dimension_semantics<core_parallel>, #tpu.dimension_semantics<subcore_parallel>], iteration_bounds = array<i64: 2, 16>, scalar_prefetch = 0 : i64, scratch_operands = 5 : i64, tpu.core_type = #tpu.core_type<sc_vector_subcore>, window_params = [{transform_indices = #map}, {transform_indices = #map}, {transform_indices = #map}, {transform_indices = #map1}, {transform_indices = #map1}]} {
    %eq3A = arith.constant 0 : i32
    %eq3A_0 = arith.cmpi eq, %arg0, %eq3A : i32
    %mul3A = arith.constant 80 : i32
    %mul3A_1 = arith.muli %arg1, %mul3A : i32
    %mul3A_2 = arith.constant 80 : i32
    %mul3A_3 = arith.muli %arg1, %mul3A_2 : i32
    %add3A = arith.constant 1280 : i32
    %add3A_4 = arith.addi %add3A, %mul3A_3 : i32
    %select_n3A = arith.select %eq3A_0, %mul3A_1, %add3A_4 : i32
    %eq3A_5 = arith.constant 0 : i32
    %eq3A_6 = arith.cmpi eq, %arg0, %eq3A_5 : i32
    %jit3A = arith.constant 80 : i32
    %jit3A_7 = arith.constant 80 : i32
    %select_n3A_8 = arith.select %eq3A_6, %jit3A, %jit3A_7 : i32
    %broadcast_in_dim3A = arith.constant 0.000000e+00 : f32
    %broadcast_in_dim3A_9 = vector.broadcast %broadcast_in_dim3A : f32 to vector<16xf32>
    %scan3A = arith.constant 0 : i32
    %scan3A_10 = arith.constant 0 : i32
    %scan3A_11 = arith.constant 128 : i32
    %scan3A_12 = arith.addi %scan3A_10, %scan3A_11 : i32
    %scan3A_13 = arith.constant 1 : i32
    scf.for %scan3A_60 = %scan3A_10 to %scan3A_12 step %scan3A_13  : i32 {
      %swap3A = arith.constant 0 : i32
      %swap3A_61 = arith.index_cast %swap3A : i32 to index
      %swap3A_62 = arith.index_cast %scan3A_60 : i32 to index
      %swap3A_63 = arith.constant 0 : index
      %swap3A_64 = tpu.vector_load %arg9[%swap3A_61, %swap3A_62, %swap3A_63] {strides = array<i32>} : memref<2x128x128xf32, #tpu.memory_space<vmem>>, vector<16xf32>,
      tpu.vector_store %arg9[%swap3A_61, %swap3A_62, %swap3A_63], %broadcast_in_dim3A_9 {strides = array<i32>} : memref<2x128x128xf32, #tpu.memory_space<vmem>>, vector<16xf32>,
      %swap3A_65 = arith.constant 0 : i32
      %swap3A_66 = arith.index_cast %swap3A_65 : i32 to index
      %swap3A_67 = arith.index_cast %scan3A_60 : i32 to index
      %swap3A_68 = arith.constant 16 : index
      %swap3A_69 = tpu.vector_load %arg9[%swap3A_66, %swap3A_67, %swap3A_68] {strides = array<i32>} : memref<2x128x128xf32, #tpu.memory_space<vmem>>, vector<16xf32>,
      tpu.vector_store %arg9[%swap3A_66, %swap3A_67, %swap3A_68], %broadcast_in_dim3A_9 {strides = array<i32>} : memref<2x128x128xf32, #tpu.memory_space<vmem>>, vector<16xf32>,
      %swap3A_70 = arith.constant 0 : i32
      %swap3A_71 = arith.index_cast %swap3A_70 : i32 to index
      %swap3A_72 = arith.index_cast %scan3A_60 : i32 to index
      %swap3A_73 = arith.constant 32 : index
      %swap3A_74 = tpu.vector_load %arg9[%swap3A_71, %swap3A_72, %swap3A_73] {strides = array<i32>} : memref<2x128x128xf32, #tpu.memory_space<vmem>>, vector<16xf32>,
      tpu.vector_store %arg9[%swap3A_71, %swap3A_72, %swap3A_73], %broadcast_in_dim3A_9 {strides = array<i32>} : memref<2x128x128xf32, #tpu.memory_space<vmem>>, vector<16xf32>,
      %swap3A_75 = arith.constant 0 : i32
      %swap3A_76 = arith.index_cast %swap3A_75 : i32 to index
      %swap3A_77 = arith.index_cast %scan3A_60 : i32 to index
      %swap3A_78 = arith.constant 48 : index
      %swap3A_79 = tpu.vector_load %arg9[%swap3A_76, %swap3A_77, %swap3A_78] {strides = array<i32>} : memref<2x128x128xf32, #tpu.memory_space<vmem>>, vector<16xf32>,
      tpu.vector_store %arg9[%swap3A_76, %swap3A_77, %swap3A_78], %broadcast_in_dim3A_9 {strides = array<i32>} : memref<2x128x128xf32, #tpu.memory_space<vmem>>, vector<16xf32>,
      %swap3A_80 = arith.constant 0 : i32
      %swap3A_81 = arith.index_cast %swap3A_80 : i32 to index
      %swap3A_82 = arith.index_cast %scan3A_60 : i32 to index
      %swap3A_83 = arith.constant 64 : index
      %swap3A_84 = tpu.vector_load %arg9[%swap3A_81, %swap3A_82, %swap3A_83] {strides = array<i32>} : memref<2x128x128xf32, #tpu.memory_space<vmem>>, vector<16xf32>,
      tpu.vector_store %arg9[%swap3A_81, %swap3A_82, %swap3A_83], %broadcast_in_dim3A_9 {strides = array<i32>} : memref<2x128x128xf32, #tpu.memory_space<vmem>>, vector<16xf32>,
      %swap3A_85 = arith.constant 0 : i32
      %swap3A_86 = arith.index_cast %swap3A_85 : i32 to index
      %swap3A_87 = arith.index_cast %scan3A_60 : i32 to index
      %swap3A_88 = arith.constant 80 : index
      %swap3A_89 = tpu.vector_load %arg9[%swap3A_86, %swap3A_87, %swap3A_88] {strides = array<i32>} : memref<2x128x128xf32, #tpu.memory_space<vmem>>, vector<16xf32>,
      tpu.vector_store %arg9[%swap3A_86, %swap3A_87, %swap3A_88], %broadcast_in_dim3A_9 {strides = array<i32>} : memref<2x128x128xf32, #tpu.memory_space<vmem>>, vector<16xf32>,
      %swap3A_90 = arith.constant 0 : i32
      %swap3A_91 = arith.index_cast %swap3A_90 : i32 to index
      %swap3A_92 = arith.index_cast %scan3A_60 : i32 to index
      %swap3A_93 = arith.constant 96 : index
      %swap3A_94 = tpu.vector_load %arg9[%swap3A_91, %swap3A_92, %swap3A_93] {strides = array<i32>} : memref<2x128x128xf32, #tpu.memory_space<vmem>>, vector<16xf32>,
      tpu.vector_store %arg9[%swap3A_91, %swap3A_92, %swap3A_93], %broadcast_in_dim3A_9 {strides = array<i32>} : memref<2x128x128xf32, #tpu.memory_space<vmem>>, vector<16xf32>,
      %swap3A_95 = arith.constant 0 : i32
      %swap3A_96 = arith.index_cast %swap3A_95 : i32 to index
      %swap3A_97 = arith.index_cast %scan3A_60 : i32 to index
      %swap3A_98 = arith.constant 112 : index
      %swap3A_99 = tpu.vector_load %arg9[%swap3A_96, %swap3A_97, %swap3A_98] {strides = array<i32>} : memref<2x128x128xf32, #tpu.memory_space<vmem>>, vector<16xf32>,
      tpu.vector_store %arg9[%swap3A_96, %swap3A_97, %swap3A_98], %broadcast_in_dim3A_9 {strides = array<i32>} : memref<2x128x128xf32, #tpu.memory_space<vmem>>, vector<16xf32>,
    }
    %scan3A_14 = arith.constant 128 : i32
    %mul3A_15 = arith.constant 640 : i32
    %mul3A_16 = arith.muli %arg1, %mul3A_15 : i32
    %add3A_17 = arith.constant 0 : i32
    %add3A_18 = arith.addi %mul3A_16, %add3A_17 : i32
    %run_scoped3A = arith.constant 0 : i32
    "tpu.region"() ({
      %run_scoped3A_60 = tpu.sem_alloc : memref<!tpu.dma_semaphore, #tpu.memory_space<semaphore_mem>>
      %dma_start3A = arith.constant 0 : i32
      %dma_start3A_61 = arith.constant 0 : i32
      %dma_start3A_62 = tpu.memref_slice %arg9[%run_scoped3A, %dma_start3A, %dma_start3A_61] : memref<2x128x128xf32, #tpu.memory_space<vmem>> -> memref<1x128x128xf32, #tpu.memory_space<vmem>>
      %dma_start3A_63 = tpu.memref_squeeze %dma_start3A_62 : memref<1x128x128xf32, #tpu.memory_space<vmem>> -> memref<128x128xf32, #tpu.memory_space<vmem>>
      %dma_start3A_64 = arith.constant 0 : i32
      %dma_start3A_65 = tpu.memref_slice %arg10[%add3A_18, %dma_start3A_64] : memref<10240x128xf32, #tpu.memory_space<vmem_shared>> -> memref<128x128xf32, #tpu.memory_space<vmem_shared>>
      %dma_start3A_66 = arith.constant 0 : i32
      %dma_start3A_67 = tpu.memref_slice %arg10[%add3A_18, %dma_start3A_66] : memref<10240x128xf32, #tpu.memory_space<vmem_shared>> -> memref<128x128xf32, #tpu.memory_space<vmem_shared>>
      %dma_start3A_68 = arith.constant 0 : i32
      %dma_start3A_69 = arith.constant 0 : i32
      %dma_start3A_70 = tpu.memref_slice %arg9[%run_scoped3A, %dma_start3A_68, %dma_start3A_69] : memref<2x128x128xf32, #tpu.memory_space<vmem>> -> memref<1x128x128xf32, #tpu.memory_space<vmem>>
      %dma_start3A_71 = tpu.memref_squeeze %dma_start3A_70 : memref<1x128x128xf32, #tpu.memory_space<vmem>> -> memref<128x128xf32, #tpu.memory_space<vmem>>
      tpu.enqueue_dma source(%dma_start3A_71 : memref<128x128xf32, #tpu.memory_space<vmem>>) target(%dma_start3A_67 : memref<128x128xf32, #tpu.memory_space<vmem_shared>>) target_semaphore(%run_scoped3A_60 : memref<!tpu.dma_semaphore, #tpu.memory_space<semaphore_mem>>)
      %dma_wait3A = arith.constant 0 : i32
      %dma_wait3A_72 = arith.constant 0 : i32
      %dma_wait3A_73 = tpu.memref_slice %arg9[%run_scoped3A, %dma_wait3A, %dma_wait3A_72] : memref<2x128x128xf32, #tpu.memory_space<vmem>> -> memref<1x128x128xf32, #tpu.memory_space<vmem>>
      %dma_wait3A_74 = tpu.memref_squeeze %dma_wait3A_73 : memref<1x128x128xf32, #tpu.memory_space<vmem>> -> memref<128x128xf32, #tpu.memory_space<vmem>>
      %dma_wait3A_75 = arith.constant 0 : i32
      %dma_wait3A_76 = tpu.memref_slice %arg10[%add3A_18, %dma_wait3A_75] : memref<10240x128xf32, #tpu.memory_space<vmem_shared>> -> memref<128x128xf32, #tpu.memory_space<vmem_shared>>
      %dma_wait3A_77 = arith.constant 0 : i32
      %dma_wait3A_78 = tpu.memref_slice %arg10[%add3A_18, %dma_wait3A_77] : memref<10240x128xf32, #tpu.memory_space<vmem_shared>> -> memref<128x128xf32, #tpu.memory_space<vmem_shared>>
      %dma_wait3A_79 = arith.constant 0 : i32
      %dma_wait3A_80 = arith.constant 0 : i32
      %dma_wait3A_81 = tpu.memref_slice %arg9[%run_scoped3A, %dma_wait3A_79, %dma_wait3A_80] : memref<2x128x128xf32, #tpu.memory_space<vmem>> -> memref<1x128x128xf32, #tpu.memory_space<vmem>>
      %dma_wait3A_82 = tpu.memref_squeeze %dma_wait3A_81 : memref<1x128x128xf32, #tpu.memory_space<vmem>> -> memref<128x128xf32, #tpu.memory_space<vmem>>
      tpu.wait_dma2 semaphore(%run_scoped3A_60 : memref<!tpu.dma_semaphore, #tpu.memory_space<semaphore_mem>>) src(%dma_wait3A_82 : memref<128x128xf32, #tpu.memory_space<vmem>>) dst(%dma_wait3A_78 : memref<128x128xf32, #tpu.memory_space<vmem_shared>>)
      tpu.yield
    }) : () -> ()
    %mul3A_19 = arith.constant 640 : i32
    %mul3A_20 = arith.muli %arg1, %mul3A_19 : i32
    %add3A_21 = arith.constant 128 : i32
    %add3A_22 = arith.addi %mul3A_20, %add3A_21 : i32
    %run_scoped3A_23 = arith.constant 0 : i32
    "tpu.region"() ({
      %run_scoped3A_60 = tpu.sem_alloc : memref<!tpu.dma_semaphore, #tpu.memory_space<semaphore_mem>>
      %dma_start3A = arith.constant 0 : i32
      %dma_start3A_61 = arith.constant 0 : i32
      %dma_start3A_62 = tpu.memref_slice %arg9[%run_scoped3A_23, %dma_start3A, %dma_start3A_61] : memref<2x128x128xf32, #tpu.memory_space<vmem>> -> memref<1x128x128xf32, #tpu.memory_space<vmem>>
      %dma_start3A_63 = tpu.memref_squeeze %dma_start3A_62 : memref<1x128x128xf32, #tpu.memory_space<vmem>> -> memref<128x128xf32, #tpu.memory_space<vmem>>
      %dma_start3A_64 = arith.constant 0 : i32
      %dma_start3A_65 = tpu.memref_slice %arg10[%add3A_22, %dma_start3A_64] : memref<10240x128xf32, #tpu.memory_space<vmem_shared>> -> memref<128x128xf32, #tpu.memory_space<vmem_shared>>
      %dma_start3A_66 = arith.constant 0 : i32
      %dma_start3A_67 = tpu.memref_slice %arg10[%add3A_22, %dma_start3A_66] : memref<10240x128xf32, #tpu.memory_space<vmem_shared>> -> memref<128x128xf32, #tpu.memory_space<vmem_shared>>
      %dma_start3A_68 = arith.constant 0 : i32
      %dma_start3A_69 = arith.constant 0 : i32
      %dma_start3A_70 = tpu.memref_slice %arg9[%run_scoped3A_23, %dma_start3A_68, %dma_start3A_69] : memref<2x128x128xf32, #tpu.memory_space<vmem>> -> memref<1x128x128xf32, #tpu.memory_space<vmem>>
      %dma_start3A_71 = tpu.memref_squeeze %dma_start3A_70 : memref<1x128x128xf32, #tpu.memory_space<vmem>> -> memref<128x128xf32, #tpu.memory_space<vmem>>
      tpu.enqueue_dma source(%dma_start3A_71 : memref<128x128xf32, #tpu.memory_space<vmem>>) target(%dma_start3A_67 : memref<128x128xf32, #tpu.memory_space<vmem_shared>>) target_semaphore(%run_scoped3A_60 : memref<!tpu.dma_semaphore, #tpu.memory_space<semaphore_mem>>)
      %dma_wait3A = arith.constant 0 : i32
      %dma_wait3A_72 = arith.constant 0 : i32
      %dma_wait3A_73 = tpu.memref_slice %arg9[%run_scoped3A_23, %dma_wait3A, %dma_wait3A_72] : memref<2x128x128xf32, #tpu.memory_space<vmem>> -> memref<1x128x128xf32, #tpu.memory_space<vmem>>
      %dma_wait3A_74 = tpu.memref_squeeze %dma_wait3A_73 : memref<1x128x128xf32, #tpu.memory_space<vmem>> -> memref<128x128xf32, #tpu.memory_space<vmem>>
      %dma_wait3A_75 = arith.constant 0 : i32
      %dma_wait3A_76 = tpu.memref_slice %arg10[%add3A_22, %dma_wait3A_75] : memref<10240x128xf32, #tpu.memory_space<vmem_shared>> -> memref<128x128xf32, #tpu.memory_space<vmem_shared>>
      %dma_wait3A_77 = arith.constant 0 : i32
      %dma_wait3A_78 = tpu.memref_slice %arg10[%add3A_22, %dma_wait3A_77] : memref<10240x128xf32, #tpu.memory_space<vmem_shared>> -> memref<128x128xf32, #tpu.memory_space<vmem_shared>>
      %dma_wait3A_79 = arith.constant 0 : i32
      %dma_wait3A_80 = arith.constant 0 : i32
      %dma_wait3A_81 = tpu.memref_slice %arg9[%run_scoped3A_23, %dma_wait3A_79, %dma_wait3A_80] : memref<2x128x128xf32, #tpu.memory_space<vmem>> -> memref<1x128x128xf32, #tpu.memory_space<vmem>>
      %dma_wait3A_82 = tpu.memref_squeeze %dma_wait3A_81 : memref<1x128x128xf32, #tpu.memory_space<vmem>> -> memref<128x128xf32, #tpu.memory_space<vmem>>
      tpu.wait_dma2 semaphore(%run_scoped3A_60 : memref<!tpu.dma_semaphore, #tpu.memory_space<semaphore_mem>>) src(%dma_wait3A_82 : memref<128x128xf32, #tpu.memory_space<vmem>>) dst(%dma_wait3A_78 : memref<128x128xf32, #tpu.memory_space<vmem_shared>>)
      tpu.yield
    }) : () -> ()
    %mul3A_24 = arith.constant 640 : i32
    %mul3A_25 = arith.muli %arg1, %mul3A_24 : i32
    %add3A_26 = arith.constant 256 : i32
    %add3A_27 = arith.addi %mul3A_25, %add3A_26 : i32
    %run_scoped3A_28 = arith.constant 0 : i32
    "tpu.region"() ({
      %run_scoped3A_60 = tpu.sem_alloc : memref<!tpu.dma_semaphore, #tpu.memory_space<semaphore_mem>>
      %dma_start3A = arith.constant 0 : i32
      %dma_start3A_61 = arith.constant 0 : i32
      %dma_start3A_62 = tpu.memref_slice %arg9[%run_scoped3A_28, %dma_start3A, %dma_start3A_61] : memref<2x128x128xf32, #tpu.memory_space<vmem>> -> memref<1x128x128xf32, #tpu.memory_space<vmem>>
      %dma_start3A_63 = tpu.memref_squeeze %dma_start3A_62 : memref<1x128x128xf32, #tpu.memory_space<vmem>> -> memref<128x128xf32, #tpu.memory_space<vmem>>
      %dma_start3A_64 = arith.constant 0 : i32
      %dma_start3A_65 = tpu.memref_slice %arg10[%add3A_27, %dma_start3A_64] : memref<10240x128xf32, #tpu.memory_space<vmem_shared>> -> memref<128x128xf32, #tpu.memory_space<vmem_shared>>
      %dma_start3A_66 = arith.constant 0 : i32
      %dma_start3A_67 = tpu.memref_slice %arg10[%add3A_27, %dma_start3A_66] : memref<10240x128xf32, #tpu.memory_space<vmem_shared>> -> memref<128x128xf32, #tpu.memory_space<vmem_shared>>
      %dma_start3A_68 = arith.constant 0 : i32
      %dma_start3A_69 = arith.constant 0 : i32
      %dma_start3A_70 = tpu.memref_slice %arg9[%run_scoped3A_28, %dma_start3A_68, %dma_start3A_69] : memref<2x128x128xf32, #tpu.memory_space<vmem>> -> memref<1x128x128xf32, #tpu.memory_space<vmem>>
      %dma_start3A_71 = tpu.memref_squeeze %dma_start3A_70 : memref<1x128x128xf32, #tpu.memory_space<vmem>> -> memref<128x128xf32, #tpu.memory_space<vmem>>
      tpu.enqueue_dma source(%dma_start3A_71 : memref<128x128xf32, #tpu.memory_space<vmem>>) target(%dma_start3A_67 : memref<128x128xf32, #tpu.memory_space<vmem_shared>>) target_semaphore(%run_scoped3A_60 : memref<!tpu.dma_semaphore, #tpu.memory_space<semaphore_mem>>)
      %dma_wait3A = arith.constant 0 : i32
      %dma_wait3A_72 = arith.constant 0 : i32
      %dma_wait3A_73 = tpu.memref_slice %arg9[%run_scoped3A_28, %dma_wait3A, %dma_wait3A_72] : memref<2x128x128xf32, #tpu.memory_space<vmem>> -> memref<1x128x128xf32, #tpu.memory_space<vmem>>
      %dma_wait3A_74 = tpu.memref_squeeze %dma_wait3A_73 : memref<1x128x128xf32, #tpu.memory_space<vmem>> -> memref<128x128xf32, #tpu.memory_space<vmem>>
      %dma_wait3A_75 = arith.constant 0 : i32
      %dma_wait3A_76 = tpu.memref_slice %arg10[%add3A_27, %dma_wait3A_75] : memref<10240x128xf32, #tpu.memory_space<vmem_shared>> -> memref<128x128xf32, #tpu.memory_space<vmem_shared>>
      %dma_wait3A_77 = arith.constant 0 : i32
      %dma_wait3A_78 = tpu.memref_slice %arg10[%add3A_27, %dma_wait3A_77] : memref<10240x128xf32, #tpu.memory_space<vmem_shared>> -> memref<128x128xf32, #tpu.memory_space<vmem_shared>>
      %dma_wait3A_79 = arith.constant 0 : i32
      %dma_wait3A_80 = arith.constant 0 : i32
      %dma_wait3A_81 = tpu.memref_slice %arg9[%run_scoped3A_28, %dma_wait3A_79, %dma_wait3A_80] : memref<2x128x128xf32, #tpu.memory_space<vmem>> -> memref<1x128x128xf32, #tpu.memory_space<vmem>>
      %dma_wait3A_82 = tpu.memref_squeeze %dma_wait3A_81 : memref<1x128x128xf32, #tpu.memory_space<vmem>> -> memref<128x128xf32, #tpu.memory_space<vmem>>
      tpu.wait_dma2 semaphore(%run_scoped3A_60 : memref<!tpu.dma_semaphore, #tpu.memory_space<semaphore_mem>>) src(%dma_wait3A_82 : memref<128x128xf32, #tpu.memory_space<vmem>>) dst(%dma_wait3A_78 : memref<128x128xf32, #tpu.memory_space<vmem_shared>>)
      tpu.yield
    }) : () -> ()
    %mul3A_29 = arith.constant 640 : i32
    %mul3A_30 = arith.muli %arg1, %mul3A_29 : i32
    %add3A_31 = arith.constant 384 : i32
    %add3A_32 = arith.addi %mul3A_30, %add3A_31 : i32
    %run_scoped3A_33 = arith.constant 0 : i32
    "tpu.region"() ({
      %run_scoped3A_60 = tpu.sem_alloc : memref<!tpu.dma_semaphore, #tpu.memory_space<semaphore_mem>>
      %dma_start3A = arith.constant 0 : i32
      %dma_start3A_61 = arith.constant 0 : i32
      %dma_start3A_62 = tpu.memref_slice %arg9[%run_scoped3A_33, %dma_start3A, %dma_start3A_61] : memref<2x128x128xf32, #tpu.memory_space<vmem>> -> memref<1x128x128xf32, #tpu.memory_space<vmem>>
      %dma_start3A_63 = tpu.memref_squeeze %dma_start3A_62 : memref<1x128x128xf32, #tpu.memory_space<vmem>> -> memref<128x128xf32, #tpu.memory_space<vmem>>
      %dma_start3A_64 = arith.constant 0 : i32
      %dma_start3A_65 = tpu.memref_slice %arg10[%add3A_32, %dma_start3A_64] : memref<10240x128xf32, #tpu.memory_space<vmem_shared>> -> memref<128x128xf32, #tpu.memory_space<vmem_shared>>
      %dma_start3A_66 = arith.constant 0 : i32
      %dma_start3A_67 = tpu.memref_slice %arg10[%add3A_32, %dma_start3A_66] : memref<10240x128xf32, #tpu.memory_space<vmem_shared>> -> memref<128x128xf32, #tpu.memory_space<vmem_shared>>
      %dma_start3A_68 = arith.constant 0 : i32
      %dma_start3A_69 = arith.constant 0 : i32
      %dma_start3A_70 = tpu.memref_slice %arg9[%run_scoped3A_33, %dma_start3A_68, %dma_start3A_69] : memref<2x128x128xf32, #tpu.memory_space<vmem>> -> memref<1x128x128xf32, #tpu.memory_space<vmem>>
      %dma_start3A_71 = tpu.memref_squeeze %dma_start3A_70 : memref<1x128x128xf32, #tpu.memory_space<vmem>> -> memref<128x128xf32, #tpu.memory_space<vmem>>
      tpu.enqueue_dma source(%dma_start3A_71 : memref<128x128xf32, #tpu.memory_space<vmem>>) target(%dma_start3A_67 : memref<128x128xf32, #tpu.memory_space<vmem_shared>>) target_semaphore(%run_scoped3A_60 : memref<!tpu.dma_semaphore, #tpu.memory_space<semaphore_mem>>)
      %dma_wait3A = arith.constant 0 : i32
      %dma_wait3A_72 = arith.constant 0 : i32
      %dma_wait3A_73 = tpu.memref_slice %arg9[%run_scoped3A_33, %dma_wait3A, %dma_wait3A_72] : memref<2x128x128xf32, #tpu.memory_space<vmem>> -> memref<1x128x128xf32, #tpu.memory_space<vmem>>
      %dma_wait3A_74 = tpu.memref_squeeze %dma_wait3A_73 : memref<1x128x128xf32, #tpu.memory_space<vmem>> -> memref<128x128xf32, #tpu.memory_space<vmem>>
      %dma_wait3A_75 = arith.constant 0 : i32
      %dma_wait3A_76 = tpu.memref_slice %arg10[%add3A_32, %dma_wait3A_75] : memref<10240x128xf32, #tpu.memory_space<vmem_shared>> -> memref<128x128xf32, #tpu.memory_space<vmem_shared>>
      %dma_wait3A_77 = arith.constant 0 : i32
      %dma_wait3A_78 = tpu.memref_slice %arg10[%add3A_32, %dma_wait3A_77] : memref<10240x128xf32, #tpu.memory_space<vmem_shared>> -> memref<128x128xf32, #tpu.memory_space<vmem_shared>>
      %dma_wait3A_79 = arith.constant 0 : i32
      %dma_wait3A_80 = arith.constant 0 : i32
      %dma_wait3A_81 = tpu.memref_slice %arg9[%run_scoped3A_33, %dma_wait3A_79, %dma_wait3A_80] : memref<2x128x128xf32, #tpu.memory_space<vmem>> -> memref<1x128x128xf32, #tpu.memory_space<vmem>>
      %dma_wait3A_82 = tpu.memref_squeeze %dma_wait3A_81 : memref<1x128x128xf32, #tpu.memory_space<vmem>> -> memref<128x128xf32, #tpu.memory_space<vmem>>
      tpu.wait_dma2 semaphore(%run_scoped3A_60 : memref<!tpu.dma_semaphore, #tpu.memory_space<semaphore_mem>>) src(%dma_wait3A_82 : memref<128x128xf32, #tpu.memory_space<vmem>>) dst(%dma_wait3A_78 : memref<128x128xf32, #tpu.memory_space<vmem_shared>>)
      tpu.yield
    }) : () -> ()
    %mul3A_34 = arith.constant 640 : i32
    %mul3A_35 = arith.muli %arg1, %mul3A_34 : i32
    %add3A_36 = arith.constant 512 : i32
    %add3A_37 = arith.addi %mul3A_35, %add3A_36 : i32
    %run_scoped3A_38 = arith.constant 0 : i32
    "tpu.region"() ({
      %run_scoped3A_60 = tpu.sem_alloc : memref<!tpu.dma_semaphore, #tpu.memory_space<semaphore_mem>>
      %dma_start3A = arith.constant 0 : i32
      %dma_start3A_61 = arith.constant 0 : i32
      %dma_start3A_62 = tpu.memref_slice %arg9[%run_scoped3A_38, %dma_start3A, %dma_start3A_61] : memref<2x128x128xf32, #tpu.memory_space<vmem>> -> memref<1x128x128xf32, #tpu.memory_space<vmem>>
      %dma_start3A_63 = tpu.memref_squeeze %dma_start3A_62 : memref<1x128x128xf32, #tpu.memory_space<vmem>> -> memref<128x128xf32, #tpu.memory_space<vmem>>
      %dma_start3A_64 = arith.constant 0 : i32
      %dma_start3A_65 = tpu.memref_slice %arg10[%add3A_37, %dma_start3A_64] : memref<10240x128xf32, #tpu.memory_space<vmem_shared>> -> memref<128x128xf32, #tpu.memory_space<vmem_shared>>
      %dma_start3A_66 = arith.constant 0 : i32
      %dma_start3A_67 = tpu.memref_slice %arg10[%add3A_37, %dma_start3A_66] : memref<10240x128xf32, #tpu.memory_space<vmem_shared>> -> memref<128x128xf32, #tpu.memory_space<vmem_shared>>
      %dma_start3A_68 = arith.constant 0 : i32
      %dma_start3A_69 = arith.constant 0 : i32
      %dma_start3A_70 = tpu.memref_slice %arg9[%run_scoped3A_38, %dma_start3A_68, %dma_start3A_69] : memref<2x128x128xf32, #tpu.memory_space<vmem>> -> memref<1x128x128xf32, #tpu.memory_space<vmem>>
      %dma_start3A_71 = tpu.memref_squeeze %dma_start3A_70 : memref<1x128x128xf32, #tpu.memory_space<vmem>> -> memref<128x128xf32, #tpu.memory_space<vmem>>
      tpu.enqueue_dma source(%dma_start3A_71 : memref<128x128xf32, #tpu.memory_space<vmem>>) target(%dma_start3A_67 : memref<128x128xf32, #tpu.memory_space<vmem_shared>>) target_semaphore(%run_scoped3A_60 : memref<!tpu.dma_semaphore, #tpu.memory_space<semaphore_mem>>)
      %dma_wait3A = arith.constant 0 : i32
      %dma_wait3A_72 = arith.constant 0 : i32
      %dma_wait3A_73 = tpu.memref_slice %arg9[%run_scoped3A_38, %dma_wait3A, %dma_wait3A_72] : memref<2x128x128xf32, #tpu.memory_space<vmem>> -> memref<1x128x128xf32, #tpu.memory_space<vmem>>
      %dma_wait3A_74 = tpu.memref_squeeze %dma_wait3A_73 : memref<1x128x128xf32, #tpu.memory_space<vmem>> -> memref<128x128xf32, #tpu.memory_space<vmem>>
      %dma_wait3A_75 = arith.constant 0 : i32
      %dma_wait3A_76 = tpu.memref_slice %arg10[%add3A_37, %dma_wait3A_75] : memref<10240x128xf32, #tpu.memory_space<vmem_shared>> -> memref<128x128xf32, #tpu.memory_space<vmem_shared>>
      %dma_wait3A_77 = arith.constant 0 : i32
      %dma_wait3A_78 = tpu.memref_slice %arg10[%add3A_37, %dma_wait3A_77] : memref<10240x128xf32, #tpu.memory_space<vmem_shared>> -> memref<128x128xf32, #tpu.memory_space<vmem_shared>>
      %dma_wait3A_79 = arith.constant 0 : i32
      %dma_wait3A_80 = arith.constant 0 : i32
      %dma_wait3A_81 = tpu.memref_slice %arg9[%run_scoped3A_38, %dma_wait3A_79, %dma_wait3A_80] : memref<2x128x128xf32, #tpu.memory_space<vmem>> -> memref<1x128x128xf32, #tpu.memory_space<vmem>>
      %dma_wait3A_82 = tpu.memref_squeeze %dma_wait3A_81 : memref<1x128x128xf32, #tpu.memory_space<vmem>> -> memref<128x128xf32, #tpu.memory_space<vmem>>
      tpu.wait_dma2 semaphore(%run_scoped3A_60 : memref<!tpu.dma_semaphore, #tpu.memory_space<semaphore_mem>>) src(%dma_wait3A_82 : memref<128x128xf32, #tpu.memory_space<vmem>>) dst(%dma_wait3A_78 : memref<128x128xf32, #tpu.memory_space<vmem_shared>>)
      tpu.yield
    }) : () -> ()
    %barrier3A = arith.constant 0 : index
    tpu.barrier barrier_id(%barrier3A)
    %sub3A = arith.constant 0 : i32
    %sub3A_39 = arith.subi %select_n3A_8, %sub3A : i32
    %jit3A_40 = arith.constant 0 : i32
    %jit3A_41 = arith.constant 56 : i32
    %max3A = arith.maxsi %jit3A_40, %sub3A_39 : i32
    %min3A = arith.minsi %jit3A_41, %max3A : i32
    %gt3A = arith.constant 0 : i32
    %gt3A_42 = arith.cmpi sgt, %min3A, %gt3A : i32
    %convert_element_type3A = arith.extui %gt3A_42 : i1 to i32
    %cond3A = arith.constant 0 : i32
    %cond3A_43 = arith.cmpi ne, %convert_element_type3A, %cond3A : i32
    scf.if %cond3A_43 {
      %add3A_60 = arith.constant 0 : i32
      %add3A_61 = arith.addi %select_n3A, %add3A_60 : i32
      "tpu.region"() ({
        %run_scoped3A_105 = tpu.sem_alloc : memref<!tpu.dma_semaphore, #tpu.memory_space<semaphore_mem>>
        %dma_start3A_106 = arith.constant 0 : i32
        %dma_start3A_107 = tpu.memref_slice %arg2[%add3A_61, %dma_start3A_106] : memref<2672x128xi32, #tpu.memory_space<hbm>> -> memref<56x128xi32, #tpu.memory_space<hbm>>
        %dma_start3A_108 = arith.constant 0 : i32
        %dma_start3A_109 = tpu.memref_slice %arg2[%add3A_61, %dma_start3A_108] : memref<2672x128xi32, #tpu.memory_space<hbm>> -> memref<56x128xi32, #tpu.memory_space<hbm>>
        tpu.enqueue_dma source(%dma_start3A_109 : memref<56x128xi32, #tpu.memory_space<hbm>>) target(%arg7 : memref<56x128xi32, #tpu.memory_space<vmem>>) target_semaphore(%run_scoped3A_105 : memref<!tpu.dma_semaphore, #tpu.memory_space<semaphore_mem>>)
        %dma_wait3A = arith.constant 0 : i32
        %dma_wait3A_110 = tpu.memref_slice %arg2[%add3A_61, %dma_wait3A] : memref<2672x128xi32, #tpu.memory_space<hbm>> -> memref<56x128xi32, #tpu.memory_space<hbm>>
        %dma_wait3A_111 = arith.constant 0 : i32
        %dma_wait3A_112 = tpu.memref_slice %arg2[%add3A_61, %dma_wait3A_111] : memref<2672x128xi32, #tpu.memory_space<hbm>> -> memref<56x128xi32, #tpu.memory_space<hbm>>
        tpu.wait_dma2 semaphore(%run_scoped3A_105 : memref<!tpu.dma_semaphore, #tpu.memory_space<semaphore_mem>>) src(%dma_wait3A_112 : memref<56x128xi32, #tpu.memory_space<hbm>>) dst(%arg7 : memref<56x128xi32, #tpu.memory_space<vmem>>)
        tpu.yield
      }) : () -> ()
      %add3A_62 = arith.constant 0 : i32
      %add3A_63 = arith.addi %select_n3A, %add3A_62 : i32
      "tpu.region"() ({
        %run_scoped3A_105 = tpu.sem_alloc : memref<!tpu.dma_semaphore, #tpu.memory_space<semaphore_mem>>
        %dma_start3A_106 = arith.constant 0 : i32
        %dma_start3A_107 = tpu.memref_slice %arg3[%add3A_63, %dma_start3A_106] : memref<2672x128xi32, #tpu.memory_space<hbm>> -> memref<56x128xi32, #tpu.memory_space<hbm>>
        %dma_start3A_108 = arith.constant 0 : i32
        %dma_start3A_109 = tpu.memref_slice %arg3[%add3A_63, %dma_start3A_108] : memref<2672x128xi32, #tpu.memory_space<hbm>> -> memref<56x128xi32, #tpu.memory_space<hbm>>
        tpu.enqueue_dma source(%dma_start3A_109 : memref<56x128xi32, #tpu.memory_space<hbm>>) target(%arg8 : memref<56x128xi32, #tpu.memory_space<vmem>>) target_semaphore(%run_scoped3A_105 : memref<!tpu.dma_semaphore, #tpu.memory_space<semaphore_mem>>)
        %dma_wait3A = arith.constant 0 : i32
        %dma_wait3A_110 = tpu.memref_slice %arg3[%add3A_63, %dma_wait3A] : memref<2672x128xi32, #tpu.memory_space<hbm>> -> memref<56x128xi32, #tpu.memory_space<hbm>>
        %dma_wait3A_111 = arith.constant 0 : i32
        %dma_wait3A_112 = tpu.memref_slice %arg3[%add3A_63, %dma_wait3A_111] : memref<2672x128xi32, #tpu.memory_space<hbm>> -> memref<56x128xi32, #tpu.memory_space<hbm>>
        tpu.wait_dma2 semaphore(%run_scoped3A_105 : memref<!tpu.dma_semaphore, #tpu.memory_space<semaphore_mem>>) src(%dma_wait3A_112 : memref<56x128xi32, #tpu.memory_space<hbm>>) dst(%arg8 : memref<56x128xi32, #tpu.memory_space<vmem>>)
        tpu.yield
      }) : () -> ()
      %dma_start3A = arith.constant 0 : i32
      %dma_start3A_64 = arith.constant 0 : i32
      %dma_start3A_65 = arith.constant 0 : i32
      %dma_start3A_66 = arith.constant 0 : i32
      %dma_start3A_67 = tpu.memref_slice %arg9[%dma_start3A_64, %dma_start3A_65, %dma_start3A_66] : memref<2x128x128xf32, #tpu.memory_space<vmem>> -> memref<1x128x128xf32, #tpu.memory_space<vmem>>
      %dma_start3A_68 = tpu.memref_squeeze %dma_start3A_67 : memref<1x128x128xf32, #tpu.memory_space<vmem>> -> memref<128x128xf32, #tpu.memory_space<vmem>>
      %dma_start3A_69 = arith.constant 0 : i32
      %dma_start3A_70 = tpu.memref_slice %arg7[%dma_start3A, %dma_start3A_69] : memref<56x128xi32, #tpu.memory_space<vmem>> -> memref<1x128xi32, #tpu.memory_space<vmem>>
      %dma_start3A_71 = tpu.memref_squeeze %dma_start3A_70 : memref<1x128xi32, #tpu.memory_space<vmem>> -> memref<128xi32, #tpu.memory_space<vmem>>
      %dma_start3A_72 = arith.constant 0 : i32
      %dma_start3A_73 = arith.constant 0 : i32
      %dma_start3A_74 = tpu.memref_slice %arg4[%dma_start3A_72, %dma_start3A_73] : memref<10240x128xf32, #tpu.memory_space<hbm>> -> memref<10240x128xf32, #tpu.memory_space<hbm>>
      tpu.enqueue_indirect_dma source(%dma_start3A_74 : memref<10240x128xf32, #tpu.memory_space<hbm>>) target(%dma_start3A_68 : memref<128x128xf32, #tpu.memory_space<vmem>>) offsets(%dma_start3A_71 : memref<128xi32, #tpu.memory_space<vmem>>) semaphore(%arg11 : memref<!tpu.dma_semaphore, #tpu.memory_space<semaphore_mem>>)
      %add3A_75 = arith.constant 1 : i32
      %add3A_76 = arith.addi %min3A, %add3A_75 : i32
      %jit3A_77 = arith.constant 2 : i32
      %div3A = arith.divsi %add3A_76, %jit3A_77 : i32
      %sign3A = arith.constant 0 : i32
      %sign3A_78 = arith.cmpi sgt, %add3A_76, %sign3A : i32
      %sign3A_79 = arith.extui %sign3A_78 : i1 to i32
      %sign3A_80 = arith.constant 0 : i32
      %sign3A_81 = arith.cmpi slt, %add3A_76, %sign3A_80 : i32
      %sign3A_82 = arith.extui %sign3A_81 : i1 to i32
      %sign3A_83 = arith.subi %sign3A_79, %sign3A_82 : i32
      %sign3A_84 = arith.constant 0 : i32
      %sign3A_85 = arith.cmpi sgt, %jit3A_77, %sign3A_84 : i32
      %sign3A_86 = arith.extui %sign3A_85 : i1 to i32
      %sign3A_87 = arith.constant 0 : i32
      %sign3A_88 = arith.cmpi slt, %jit3A_77, %sign3A_87 : i32
      %sign3A_89 = arith.extui %sign3A_88 : i1 to i32
      %sign3A_90 = arith.subi %sign3A_86, %sign3A_89 : i32
      %ne3A = arith.cmpi ne, %sign3A_83, %sign3A_90 : i32
      %rem3A = arith.remsi %add3A_76, %jit3A_77 : i32
      %ne3A_91 = arith.constant 0 : i32
      %ne3A_92 = arith.cmpi ne, %rem3A, %ne3A_91 : i32
      %and3A = arith.andi %ne3A, %ne3A_92 : i1
      %sub3A_93 = arith.constant 1 : i32
      %sub3A_94 = arith.subi %div3A, %sub3A_93 : i32
      %select_n3A_95 = arith.select %and3A, %sub3A_94, %div3A : i32
      %while3A = arith.constant 0 : i32
      %while3A_96 = arith.constant 0 : i32
      %while3A_97 = arith.subi %select_n3A_95, %while3A_96 : i32
      %while3A_98 = arith.addi %while3A_96, %while3A_97 : i32
      %while3A_99 = arith.constant 1 : i32
      %while3A_100 = arith.divsi %while3A_97, %while3A_99 : i32
      %while3A_101 = arith.muli %while3A_100, %while3A_99 : i32
      %while3A_102 = arith.addi %while3A_96, %while3A_101 : i32
      %while3A_103 = arith.constant 1 : i32
      scf.for %while3A_105 = %while3A_96 to %while3A_102 step %while3A_103  : i32 {
        %mul3A_106 = arith.constant 2 : i32
        %mul3A_107 = arith.muli %mul3A_106, %while3A_105 : i32
        %add3A_108 = arith.constant 0 : i32
        %add3A_109 = arith.addi %mul3A_107, %add3A_108 : i32
        %dma_wait3A = arith.constant 0 : i32
        %dma_wait3A_110 = arith.constant 0 : i32
        %dma_wait3A_111 = arith.constant 0 : i32
        %dma_wait3A_112 = arith.constant 0 : i32
        %dma_wait3A_113 = tpu.memref_slice %arg9[%dma_wait3A_110, %dma_wait3A_111, %dma_wait3A_112] : memref<2x128x128xf32, #tpu.memory_space<vmem>> -> memref<1x128x128xf32, #tpu.memory_space<vmem>>
        %dma_wait3A_114 = tpu.memref_squeeze %dma_wait3A_113 : memref<1x128x128xf32, #tpu.memory_space<vmem>> -> memref<128x128xf32, #tpu.memory_space<vmem>>
        %dma_wait3A_115 = arith.constant 0 : i32
        %dma_wait3A_116 = tpu.memref_slice %arg7[%dma_wait3A, %dma_wait3A_115] : memref<56x128xi32, #tpu.memory_space<vmem>> -> memref<1x128xi32, #tpu.memory_space<vmem>>
        %dma_wait3A_117 = tpu.memref_squeeze %dma_wait3A_116 : memref<1x128xi32, #tpu.memory_space<vmem>> -> memref<128xi32, #tpu.memory_space<vmem>>
        %dma_wait3A_118 = arith.constant 0 : i32
        %dma_wait3A_119 = arith.constant 0 : i32
        %dma_wait3A_120 = tpu.memref_slice %arg4[%dma_wait3A_118, %dma_wait3A_119] : memref<10240x128xf32, #tpu.memory_space<hbm>> -> memref<10240x128xf32, #tpu.memory_space<hbm>>
        tpu.wait_indirect_dma semaphore(%arg11 : memref<!tpu.dma_semaphore, #tpu.memory_space<semaphore_mem>>) src(%dma_wait3A_120 : memref<10240x128xf32, #tpu.memory_space<hbm>>) dst(%dma_wait3A_114 : memref<128x128xf32, #tpu.memory_space<vmem>>)
        %add3A_121 = arith.constant 1 : i32
        %add3A_122 = arith.addi %add3A_109, %add3A_121 : i32
        %lt3A = arith.cmpi slt, %add3A_122, %min3A : i32
        %convert_element_type3A_123 = arith.extui %lt3A : i1 to i32
        %cond3A_124 = arith.constant 0 : i32
        %cond3A_125 = arith.cmpi ne, %convert_element_type3A_123, %cond3A_124 : i32
        scf.if %cond3A_125 {
          %add3A_150 = arith.constant 1 : i32
          %add3A_151 = arith.addi %add3A_109, %add3A_150 : i32
          %dma_start3A_152 = arith.constant 1 : i32
          %dma_start3A_153 = arith.constant 0 : i32
          %dma_start3A_154 = arith.constant 0 : i32
          %dma_start3A_155 = tpu.memref_slice %arg9[%dma_start3A_152, %dma_start3A_153, %dma_start3A_154] : memref<2x128x128xf32, #tpu.memory_space<vmem>> -> memref<1x128x128xf32, #tpu.memory_space<vmem>>
          %dma_start3A_156 = tpu.memref_squeeze %dma_start3A_155 : memref<1x128x128xf32, #tpu.memory_space<vmem>> -> memref<128x128xf32, #tpu.memory_space<vmem>>
          %dma_start3A_157 = arith.constant 0 : i32
          %dma_start3A_158 = tpu.memref_slice %arg7[%add3A_151, %dma_start3A_157] : memref<56x128xi32, #tpu.memory_space<vmem>> -> memref<1x128xi32, #tpu.memory_space<vmem>>
          %dma_start3A_159 = tpu.memref_squeeze %dma_start3A_158 : memref<1x128xi32, #tpu.memory_space<vmem>> -> memref<128xi32, #tpu.memory_space<vmem>>
          %dma_start3A_160 = arith.constant 0 : i32
          %dma_start3A_161 = arith.constant 0 : i32
          %dma_start3A_162 = tpu.memref_slice %arg4[%dma_start3A_160, %dma_start3A_161] : memref<10240x128xf32, #tpu.memory_space<hbm>> -> memref<10240x128xf32, #tpu.memory_space<hbm>>
          tpu.enqueue_indirect_dma source(%dma_start3A_162 : memref<10240x128xf32, #tpu.memory_space<hbm>>) target(%dma_start3A_156 : memref<128x128xf32, #tpu.memory_space<vmem>>) offsets(%dma_start3A_159 : memref<128xi32, #tpu.memory_space<vmem>>) semaphore(%arg11 : memref<!tpu.dma_semaphore, #tpu.memory_space<semaphore_mem>>)
        } else {
        }
        %run_scoped3A_126 = arith.constant 0 : i32
        "tpu.region"() ({
          %run_scoped3A_150 = tpu.sem_alloc : memref<!tpu.dma_semaphore, #tpu.memory_space<semaphore_mem>>
          %dma_start3A_151 = arith.constant 0 : i32
          %dma_start3A_152 = arith.constant 0 : i32
          %dma_start3A_153 = tpu.memref_slice %arg9[%run_scoped3A_126, %dma_start3A_151, %dma_start3A_152] : memref<2x128x128xf32, #tpu.memory_space<vmem>> -> memref<1x128x128xf32, #tpu.memory_space<vmem>>
          %dma_start3A_154 = tpu.memref_squeeze %dma_start3A_153 : memref<1x128x128xf32, #tpu.memory_space<vmem>> -> memref<128x128xf32, #tpu.memory_space<vmem>>
          %dma_start3A_155 = arith.constant 0 : i32
          %dma_start3A_156 = tpu.memref_slice %arg8[%add3A_109, %dma_start3A_155] : memref<56x128xi32, #tpu.memory_space<vmem>> -> memref<1x128xi32, #tpu.memory_space<vmem>>
          %dma_start3A_157 = tpu.memref_squeeze %dma_start3A_156 : memref<1x128xi32, #tpu.memory_space<vmem>> -> memref<128xi32, #tpu.memory_space<vmem>>
          %dma_start3A_158 = arith.constant 0 : i32
          %dma_start3A_159 = arith.constant 0 : i32
          %dma_start3A_160 = tpu.memref_slice %arg10[%dma_start3A_158, %dma_start3A_159] : memref<10240x128xf32, #tpu.memory_space<vmem_shared>> -> memref<10240x128xf32, #tpu.memory_space<vmem_shared>>
          tpu.enqueue_indirect_dma source(%dma_start3A_154 : memref<128x128xf32, #tpu.memory_space<vmem>>) target(%dma_start3A_160 : memref<10240x128xf32, #tpu.memory_space<vmem_shared>>) offsets(%dma_start3A_157 : memref<128xi32, #tpu.memory_space<vmem>>) semaphore(%run_scoped3A_150 : memref<!tpu.dma_semaphore, #tpu.memory_space<semaphore_mem>>) {add = true}
          %dma_wait3A_161 = arith.constant 0 : i32
          %dma_wait3A_162 = arith.constant 0 : i32
          %dma_wait3A_163 = tpu.memref_slice %arg9[%run_scoped3A_126, %dma_wait3A_161, %dma_wait3A_162] : memref<2x128x128xf32, #tpu.memory_space<vmem>> -> memref<1x128x128xf32, #tpu.memory_space<vmem>>
          %dma_wait3A_164 = tpu.memref_squeeze %dma_wait3A_163 : memref<1x128x128xf32, #tpu.memory_space<vmem>> -> memref<128x128xf32, #tpu.memory_space<vmem>>
          %dma_wait3A_165 = arith.constant 0 : i32
          %dma_wait3A_166 = tpu.memref_slice %arg8[%add3A_109, %dma_wait3A_165] : memref<56x128xi32, #tpu.memory_space<vmem>> -> memref<1x128xi32, #tpu.memory_space<vmem>>
          %dma_wait3A_167 = tpu.memref_squeeze %dma_wait3A_166 : memref<1x128xi32, #tpu.memory_space<vmem>> -> memref<128xi32, #tpu.memory_space<vmem>>
          %dma_wait3A_168 = arith.constant 0 : i32
          %dma_wait3A_169 = arith.constant 0 : i32
          %dma_wait3A_170 = tpu.memref_slice %arg10[%dma_wait3A_168, %dma_wait3A_169] : memref<10240x128xf32, #tpu.memory_space<vmem_shared>> -> memref<10240x128xf32, #tpu.memory_space<vmem_shared>>
          tpu.wait_indirect_dma semaphore(%run_scoped3A_150 : memref<!tpu.dma_semaphore, #tpu.memory_space<semaphore_mem>>) src(%dma_wait3A_164 : memref<128x128xf32, #tpu.memory_space<vmem>>) dst(%dma_wait3A_170 : memref<10240x128xf32, #tpu.memory_space<vmem_shared>>)
          tpu.yield
        }) : () -> ()
        %mul3A_127 = arith.constant 2 : i32
        %mul3A_128 = arith.muli %mul3A_127, %while3A_105 : i32
        %add3A_129 = arith.constant 1 : i32
        %add3A_130 = arith.addi %mul3A_128, %add3A_129 : i32
        %dma_wait3A_131 = arith.constant 0 : i32
        %dma_wait3A_132 = arith.constant 1 : i32
        %dma_wait3A_133 = arith.constant 0 : i32
        %dma_wait3A_134 = arith.constant 0 : i32
        %dma_wait3A_135 = tpu.memref_slice %arg9[%dma_wait3A_132, %dma_wait3A_133, %dma_wait3A_134] : memref<2x128x128xf32, #tpu.memory_space<vmem>> -> memref<1x128x128xf32, #tpu.memory_space<vmem>>
        %dma_wait3A_136 = tpu.memref_squeeze %dma_wait3A_135 : memref<1x128x128xf32, #tpu.memory_space<vmem>> -> memref<128x128xf32, #tpu.memory_space<vmem>>
        %dma_wait3A_137 = arith.constant 0 : i32
        %dma_wait3A_138 = tpu.memref_slice %arg7[%dma_wait3A_131, %dma_wait3A_137] : memref<56x128xi32, #tpu.memory_space<vmem>> -> memref<1x128xi32, #tpu.memory_space<vmem>>
        %dma_wait3A_139 = tpu.memref_squeeze %dma_wait3A_138 : memref<1x128xi32, #tpu.memory_space<vmem>> -> memref<128xi32, #tpu.memory_space<vmem>>
        %dma_wait3A_140 = arith.constant 0 : i32
        %dma_wait3A_141 = arith.constant 0 : i32
        %dma_wait3A_142 = tpu.memref_slice %arg4[%dma_wait3A_140, %dma_wait3A_141] : memref<10240x128xf32, #tpu.memory_space<hbm>> -> memref<10240x128xf32, #tpu.memory_space<hbm>>
        tpu.wait_indirect_dma semaphore(%arg11 : memref<!tpu.dma_semaphore, #tpu.memory_space<semaphore_mem>>) src(%dma_wait3A_142 : memref<10240x128xf32, #tpu.memory_space<hbm>>) dst(%dma_wait3A_136 : memref<128x128xf32, #tpu.memory_space<vmem>>)
        %add3A_143 = arith.constant 1 : i32
        %add3A_144 = arith.addi %add3A_130, %add3A_143 : i32
        %lt3A_145 = arith.cmpi slt, %add3A_144, %min3A : i32
        %convert_element_type3A_146 = arith.extui %lt3A_145 : i1 to i32
        %cond3A_147 = arith.constant 0 : i32
        %cond3A_148 = arith.cmpi ne, %convert_element_type3A_146, %cond3A_147 : i32
        scf.if %cond3A_148 {
          %add3A_150 = arith.constant 1 : i32
          %add3A_151 = arith.addi %add3A_130, %add3A_150 : i32
          %dma_start3A_152 = arith.constant 0 : i32
          %dma_start3A_153 = arith.constant 0 : i32
          %dma_start3A_154 = arith.constant 0 : i32
          %dma_start3A_155 = tpu.memref_slice %arg9[%dma_start3A_152, %dma_start3A_153, %dma_start3A_154] : memref<2x128x128xf32, #tpu.memory_space<vmem>> -> memref<1x128x128xf32, #tpu.memory_space<vmem>>
          %dma_start3A_156 = tpu.memref_squeeze %dma_start3A_155 : memref<1x128x128xf32, #tpu.memory_space<vmem>> -> memref<128x128xf32, #tpu.memory_space<vmem>>
          %dma_start3A_157 = arith.constant 0 : i32
          %dma_start3A_158 = tpu.memref_slice %arg7[%add3A_151, %dma_start3A_157] : memref<56x128xi32, #tpu.memory_space<vmem>> -> memref<1x128xi32, #tpu.memory_space<vmem>>
          %dma_start3A_159 = tpu.memref_squeeze %dma_start3A_158 : memref<1x128xi32, #tpu.memory_space<vmem>> -> memref<128xi32, #tpu.memory_space<vmem>>
          %dma_start3A_160 = arith.constant 0 : i32
          %dma_start3A_161 = arith.constant 0 : i32
          %dma_start3A_162 = tpu.memref_slice %arg4[%dma_start3A_160, %dma_start3A_161] : memref<10240x128xf32, #tpu.memory_space<hbm>> -> memref<10240x128xf32, #tpu.memory_space<hbm>>
          tpu.enqueue_indirect_dma source(%dma_start3A_162 : memref<10240x128xf32, #tpu.memory_space<hbm>>) target(%dma_start3A_156 : memref<128x128xf32, #tpu.memory_space<vmem>>) offsets(%dma_start3A_159 : memref<128xi32, #tpu.memory_space<vmem>>) semaphore(%arg11 : memref<!tpu.dma_semaphore, #tpu.memory_space<semaphore_mem>>)
        } else {
        }
        %run_scoped3A_149 = arith.constant 1 : i32
        "tpu.region"() ({
          %run_scoped3A_150 = tpu.sem_alloc : memref<!tpu.dma_semaphore, #tpu.memory_space<semaphore_mem>>
          %dma_start3A_151 = arith.constant 0 : i32
          %dma_start3A_152 = arith.constant 0 : i32
          %dma_start3A_153 = tpu.memref_slice %arg9[%run_scoped3A_149, %dma_start3A_151, %dma_start3A_152] : memref<2x128x128xf32, #tpu.memory_space<vmem>> -> memref<1x128x128xf32, #tpu.memory_space<vmem>>
          %dma_start3A_154 = tpu.memref_squeeze %dma_start3A_153 : memref<1x128x128xf32, #tpu.memory_space<vmem>> -> memref<128x128xf32, #tpu.memory_space<vmem>>
          %dma_start3A_155 = arith.constant 0 : i32
          %dma_start3A_156 = tpu.memref_slice %arg8[%add3A_130, %dma_start3A_155] : memref<56x128xi32, #tpu.memory_space<vmem>> -> memref<1x128xi32, #tpu.memory_space<vmem>>
          %dma_start3A_157 = tpu.memref_squeeze %dma_start3A_156 : memref<1x128xi32, #tpu.memory_space<vmem>> -> memref<128xi32, #tpu.memory_space<vmem>>
          %dma_start3A_158 = arith.constant 0 : i32
          %dma_start3A_159 = arith.constant 0 : i32
          %dma_start3A_160 = tpu.memref_slice %arg10[%dma_start3A_158, %dma_start3A_159] : memref<10240x128xf32, #tpu.memory_space<vmem_shared>> -> memref<10240x128xf32, #tpu.memory_space<vmem_shared>>
          tpu.enqueue_indirect_dma source(%dma_start3A_154 : memref<128x128xf32, #tpu.memory_space<vmem>>) target(%dma_start3A_160 : memref<10240x128xf32, #tpu.memory_space<vmem_shared>>) offsets(%dma_start3A_157 : memref<128xi32, #tpu.memory_space<vmem>>) semaphore(%run_scoped3A_150 : memref<!tpu.dma_semaphore, #tpu.memory_space<semaphore_mem>>) {add = true}
          %dma_wait3A_161 = arith.constant 0 : i32
          %dma_wait3A_162 = arith.constant 0 : i32
          %dma_wait3A_163 = tpu.memref_slice %arg9[%run_scoped3A_149, %dma_wait3A_161, %dma_wait3A_162] : memref<2x128x128xf32, #tpu.memory_space<vmem>> -> memref<1x128x128xf32, #tpu.memory_space<vmem>>
          %dma_wait3A_164 = tpu.memref_squeeze %dma_wait3A_163 : memref<1x128x128xf32, #tpu.memory_space<vmem>> -> memref<128x128xf32, #tpu.memory_space<vmem>>
          %dma_wait3A_165 = arith.constant 0 : i32
          %dma_wait3A_166 = tpu.memref_slice %arg8[%add3A_130, %dma_wait3A_165] : memref<56x128xi32, #tpu.memory_space<vmem>> -> memref<1x128xi32, #tpu.memory_space<vmem>>
          %dma_wait3A_167 = tpu.memref_squeeze %dma_wait3A_166 : memref<1x128xi32, #tpu.memory_space<vmem>> -> memref<128xi32, #tpu.memory_space<vmem>>
          %dma_wait3A_168 = arith.constant 0 : i32
          %dma_wait3A_169 = arith.constant 0 : i32
          %dma_wait3A_170 = tpu.memref_slice %arg10[%dma_wait3A_168, %dma_wait3A_169] : memref<10240x128xf32, #tpu.memory_space<vmem_shared>> -> memref<10240x128xf32, #tpu.memory_space<vmem_shared>>
          tpu.wait_indirect_dma semaphore(%run_scoped3A_150 : memref<!tpu.dma_semaphore, #tpu.memory_space<semaphore_mem>>) src(%dma_wait3A_164 : memref<128x128xf32, #tpu.memory_space<vmem>>) dst(%dma_wait3A_170 : memref<10240x128xf32, #tpu.memory_space<vmem_shared>>)
          tpu.yield
        }) : () -> ()
      }
      %while3A_104 = arith.constant 1 : i32
      scf.for %while3A_105 = %while3A_102 to %while3A_98 step %while3A_104  : i32 {
        %mul3A_106 = arith.constant 2 : i32
        %mul3A_107 = arith.muli %mul3A_106, %while3A_105 : i32
        %add3A_108 = arith.constant 0 : i32
        %add3A_109 = arith.addi %mul3A_107, %add3A_108 : i32
        %dma_wait3A = arith.constant 0 : i32
        %dma_wait3A_110 = arith.constant 0 : i32
        %dma_wait3A_111 = arith.constant 0 : i32
        %dma_wait3A_112 = arith.constant 0 : i32
        %dma_wait3A_113 = tpu.memref_slice %arg9[%dma_wait3A_110, %dma_wait3A_111, %dma_wait3A_112] : memref<2x128x128xf32, #tpu.memory_space<vmem>> -> memref<1x128x128xf32, #tpu.memory_space<vmem>>
        %dma_wait3A_114 = tpu.memref_squeeze %dma_wait3A_113 : memref<1x128x128xf32, #tpu.memory_space<vmem>> -> memref<128x128xf32, #tpu.memory_space<vmem>>
        %dma_wait3A_115 = arith.constant 0 : i32
        %dma_wait3A_116 = tpu.memref_slice %arg7[%dma_wait3A, %dma_wait3A_115] : memref<56x128xi32, #tpu.memory_space<vmem>> -> memref<1x128xi32, #tpu.memory_space<vmem>>
        %dma_wait3A_117 = tpu.memref_squeeze %dma_wait3A_116 : memref<1x128xi32, #tpu.memory_space<vmem>> -> memref<128xi32, #tpu.memory_space<vmem>>
        %dma_wait3A_118 = arith.constant 0 : i32
        %dma_wait3A_119 = arith.constant 0 : i32
        %dma_wait3A_120 = tpu.memref_slice %arg4[%dma_wait3A_118, %dma_wait3A_119] : memref<10240x128xf32, #tpu.memory_space<hbm>> -> memref<10240x128xf32, #tpu.memory_space<hbm>>
        tpu.wait_indirect_dma semaphore(%arg11 : memref<!tpu.dma_semaphore, #tpu.memory_space<semaphore_mem>>) src(%dma_wait3A_120 : memref<10240x128xf32, #tpu.memory_space<hbm>>) dst(%dma_wait3A_114 : memref<128x128xf32, #tpu.memory_space<vmem>>)
        %add3A_121 = arith.constant 1 : i32
        %add3A_122 = arith.addi %add3A_109, %add3A_121 : i32
        %lt3A = arith.cmpi slt, %add3A_122, %min3A : i32
        %convert_element_type3A_123 = arith.extui %lt3A : i1 to i32
        %cond3A_124 = arith.constant 0 : i32
        %cond3A_125 = arith.cmpi ne, %convert_element_type3A_123, %cond3A_124 : i32
        scf.if %cond3A_125 {
          %add3A_150 = arith.constant 1 : i32
          %add3A_151 = arith.addi %add3A_109, %add3A_150 : i32
          %dma_start3A_152 = arith.constant 1 : i32
          %dma_start3A_153 = arith.constant 0 : i32
          %dma_start3A_154 = arith.constant 0 : i32
          %dma_start3A_155 = tpu.memref_slice %arg9[%dma_start3A_152, %dma_start3A_153, %dma_start3A_154] : memref<2x128x128xf32, #tpu.memory_space<vmem>> -> memref<1x128x128xf32, #tpu.memory_space<vmem>>
          %dma_start3A_156 = tpu.memref_squeeze %dma_start3A_155 : memref<1x128x128xf32, #tpu.memory_space<vmem>> -> memref<128x128xf32, #tpu.memory_space<vmem>>
          %dma_start3A_157 = arith.constant 0 : i32
          %dma_start3A_158 = tpu.memref_slice %arg7[%add3A_151, %dma_start3A_157] : memref<56x128xi32, #tpu.memory_space<vmem>> -> memref<1x128xi32, #tpu.memory_space<vmem>>
          %dma_start3A_159 = tpu.memref_squeeze %dma_start3A_158 : memref<1x128xi32, #tpu.memory_space<vmem>> -> memref<128xi32, #tpu.memory_space<vmem>>
          %dma_start3A_160 = arith.constant 0 : i32
          %dma_start3A_161 = arith.constant 0 : i32
          %dma_start3A_162 = tpu.memref_slice %arg4[%dma_start3A_160, %dma_start3A_161] : memref<10240x128xf32, #tpu.memory_space<hbm>> -> memref<10240x128xf32, #tpu.memory_space<hbm>>
          tpu.enqueue_indirect_dma source(%dma_start3A_162 : memref<10240x128xf32, #tpu.memory_space<hbm>>) target(%dma_start3A_156 : memref<128x128xf32, #tpu.memory_space<vmem>>) offsets(%dma_start3A_159 : memref<128xi32, #tpu.memory_space<vmem>>) semaphore(%arg11 : memref<!tpu.dma_semaphore, #tpu.memory_space<semaphore_mem>>)
        } else {
        }
        %run_scoped3A_126 = arith.constant 0 : i32
        "tpu.region"() ({
          %run_scoped3A_150 = tpu.sem_alloc : memref<!tpu.dma_semaphore, #tpu.memory_space<semaphore_mem>>
          %dma_start3A_151 = arith.constant 0 : i32
          %dma_start3A_152 = arith.constant 0 : i32
          %dma_start3A_153 = tpu.memref_slice %arg9[%run_scoped3A_126, %dma_start3A_151, %dma_start3A_152] : memref<2x128x128xf32, #tpu.memory_space<vmem>> -> memref<1x128x128xf32, #tpu.memory_space<vmem>>
          %dma_start3A_154 = tpu.memref_squeeze %dma_start3A_153 : memref<1x128x128xf32, #tpu.memory_space<vmem>> -> memref<128x128xf32, #tpu.memory_space<vmem>>
          %dma_start3A_155 = arith.constant 0 : i32
          %dma_start3A_156 = tpu.memref_slice %arg8[%add3A_109, %dma_start3A_155] : memref<56x128xi32, #tpu.memory_space<vmem>> -> memref<1x128xi32, #tpu.memory_space<vmem>>
          %dma_start3A_157 = tpu.memref_squeeze %dma_start3A_156 : memref<1x128xi32, #tpu.memory_space<vmem>> -> memref<128xi32, #tpu.memory_space<vmem>>
          %dma_start3A_158 = arith.constant 0 : i32
          %dma_start3A_159 = arith.constant 0 : i32
          %dma_start3A_160 = tpu.memref_slice %arg10[%dma_start3A_158, %dma_start3A_159] : memref<10240x128xf32, #tpu.memory_space<vmem_shared>> -> memref<10240x128xf32, #tpu.memory_space<vmem_shared>>
          tpu.enqueue_indirect_dma source(%dma_start3A_154 : memref<128x128xf32, #tpu.memory_space<vmem>>) target(%dma_start3A_160 : memref<10240x128xf32, #tpu.memory_space<vmem_shared>>) offsets(%dma_start3A_157 : memref<128xi32, #tpu.memory_space<vmem>>) semaphore(%run_scoped3A_150 : memref<!tpu.dma_semaphore, #tpu.memory_space<semaphore_mem>>) {add = true}
          %dma_wait3A_161 = arith.constant 0 : i32
          %dma_wait3A_162 = arith.constant 0 : i32
          %dma_wait3A_163 = tpu.memref_slice %arg9[%run_scoped3A_126, %dma_wait3A_161, %dma_wait3A_162] : memref<2x128x128xf32, #tpu.memory_space<vmem>> -> memref<1x128x128xf32, #tpu.memory_space<vmem>>
          %dma_wait3A_164 = tpu.memref_squeeze %dma_wait3A_163 : memref<1x128x128xf32, #tpu.memory_space<vmem>> -> memref<128x128xf32, #tpu.memory_space<vmem>>
          %dma_wait3A_165 = arith.constant 0 : i32
          %dma_wait3A_166 = tpu.memref_slice %arg8[%add3A_109, %dma_wait3A_165] : memref<56x128xi32, #tpu.memory_space<vmem>> -> memref<1x128xi32, #tpu.memory_space<vmem>>
          %dma_wait3A_167 = tpu.memref_squeeze %dma_wait3A_166 : memref<1x128xi32, #tpu.memory_space<vmem>> -> memref<128xi32, #tpu.memory_space<vmem>>
          %dma_wait3A_168 = arith.constant 0 : i32
          %dma_wait3A_169 = arith.constant 0 : i32
          %dma_wait3A_170 = tpu.memref_slice %arg10[%dma_wait3A_168, %dma_wait3A_169] : memref<10240x128xf32, #tpu.memory_space<vmem_shared>> -> memref<10240x128xf32, #tpu.memory_space<vmem_shared>>
          tpu.wait_indirect_dma semaphore(%run_scoped3A_150 : memref<!tpu.dma_semaphore, #tpu.memory_space<semaphore_mem>>) src(%dma_wait3A_164 : memref<128x128xf32, #tpu.memory_space<vmem>>) dst(%dma_wait3A_170 : memref<10240x128xf32, #tpu.memory_space<vmem_shared>>)
          tpu.yield
        }) : () -> ()
        %mul3A_127 = arith.constant 2 : i32
        %mul3A_128 = arith.muli %mul3A_127, %while3A_105 : i32
        %add3A_129 = arith.constant 1 : i32
        %add3A_130 = arith.addi %mul3A_128, %add3A_129 : i32
        %dma_wait3A_131 = arith.constant 0 : i32
        %dma_wait3A_132 = arith.constant 1 : i32
        %dma_wait3A_133 = arith.constant 0 : i32
        %dma_wait3A_134 = arith.constant 0 : i32
        %dma_wait3A_135 = tpu.memref_slice %arg9[%dma_wait3A_132, %dma_wait3A_133, %dma_wait3A_134] : memref<2x128x128xf32, #tpu.memory_space<vmem>> -> memref<1x128x128xf32, #tpu.memory_space<vmem>>
        %dma_wait3A_136 = tpu.memref_squeeze %dma_wait3A_135 : memref<1x128x128xf32, #tpu.memory_space<vmem>> -> memref<128x128xf32, #tpu.memory_space<vmem>>
        %dma_wait3A_137 = arith.constant 0 : i32
        %dma_wait3A_138 = tpu.memref_slice %arg7[%dma_wait3A_131, %dma_wait3A_137] : memref<56x128xi32, #tpu.memory_space<vmem>> -> memref<1x128xi32, #tpu.memory_space<vmem>>
        %dma_wait3A_139 = tpu.memref_squeeze %dma_wait3A_138 : memref<1x128xi32, #tpu.memory_space<vmem>> -> memref<128xi32, #tpu.memory_space<vmem>>
        %dma_wait3A_140 = arith.constant 0 : i32
        %dma_wait3A_141 = arith.constant 0 : i32
        %dma_wait3A_142 = tpu.memref_slice %arg4[%dma_wait3A_140, %dma_wait3A_141] : memref<10240x128xf32, #tpu.memory_space<hbm>> -> memref<10240x128xf32, #tpu.memory_space<hbm>>
        tpu.wait_indirect_dma semaphore(%arg11 : memref<!tpu.dma_semaphore, #tpu.memory_space<semaphore_mem>>) src(%dma_wait3A_142 : memref<10240x128xf32, #tpu.memory_space<hbm>>) dst(%dma_wait3A_136 : memref<128x128xf32, #tpu.memory_space<vmem>>)
        %add3A_143 = arith.constant 1 : i32
        %add3A_144 = arith.addi %add3A_130, %add3A_143 : i32
        %lt3A_145 = arith.cmpi slt, %add3A_144, %min3A : i32
        %convert_element_type3A_146 = arith.extui %lt3A_145 : i1 to i32
        %cond3A_147 = arith.constant 0 : i32
        %cond3A_148 = arith.cmpi ne, %convert_element_type3A_146, %cond3A_147 : i32
        scf.if %cond3A_148 {
          %add3A_150 = arith.constant 1 : i32
          %add3A_151 = arith.addi %add3A_130, %add3A_150 : i32
          %dma_start3A_152 = arith.constant 0 : i32
          %dma_start3A_153 = arith.constant 0 : i32
          %dma_start3A_154 = arith.constant 0 : i32
          %dma_start3A_155 = tpu.memref_slice %arg9[%dma_start3A_152, %dma_start3A_153, %dma_start3A_154] : memref<2x128x128xf32, #tpu.memory_space<vmem>> -> memref<1x128x128xf32, #tpu.memory_space<vmem>>
          %dma_start3A_156 = tpu.memref_squeeze %dma_start3A_155 : memref<1x128x128xf32, #tpu.memory_space<vmem>> -> memref<128x128xf32, #tpu.memory_space<vmem>>
          %dma_start3A_157 = arith.constant 0 : i32
          %dma_start3A_158 = tpu.memref_slice %arg7[%add3A_151, %dma_start3A_157] : memref<56x128xi32, #tpu.memory_space<vmem>> -> memref<1x128xi32, #tpu.memory_space<vmem>>
          %dma_start3A_159 = tpu.memref_squeeze %dma_start3A_158 : memref<1x128xi32, #tpu.memory_space<vmem>> -> memref<128xi32, #tpu.memory_space<vmem>>
          %dma_start3A_160 = arith.constant 0 : i32
          %dma_start3A_161 = arith.constant 0 : i32
          %dma_start3A_162 = tpu.memref_slice %arg4[%dma_start3A_160, %dma_start3A_161] : memref<10240x128xf32, #tpu.memory_space<hbm>> -> memref<10240x128xf32, #tpu.memory_space<hbm>>
          tpu.enqueue_indirect_dma source(%dma_start3A_162 : memref<10240x128xf32, #tpu.memory_space<hbm>>) target(%dma_start3A_156 : memref<128x128xf32, #tpu.memory_space<vmem>>) offsets(%dma_start3A_159 : memref<128xi32, #tpu.memory_space<vmem>>) semaphore(%arg11 : memref<!tpu.dma_semaphore, #tpu.memory_space<semaphore_mem>>)
        } else {
        }
        %run_scoped3A_149 = arith.constant 1 : i32
        "tpu.region"() ({
          %run_scoped3A_150 = tpu.sem_alloc : memref<!tpu.dma_semaphore, #tpu.memory_space<semaphore_mem>>
          %dma_start3A_151 = arith.constant 0 : i32
          %dma_start3A_152 = arith.constant 0 : i32
          %dma_start3A_153 = tpu.memref_slice %arg9[%run_scoped3A_149, %dma_start3A_151, %dma_start3A_152] : memref<2x128x128xf32, #tpu.memory_space<vmem>> -> memref<1x128x128xf32, #tpu.memory_space<vmem>>
          %dma_start3A_154 = tpu.memref_squeeze %dma_start3A_153 : memref<1x128x128xf32, #tpu.memory_space<vmem>> -> memref<128x128xf32, #tpu.memory_space<vmem>>
          %dma_start3A_155 = arith.constant 0 : i32
          %dma_start3A_156 = tpu.memref_slice %arg8[%add3A_130, %dma_start3A_155] : memref<56x128xi32, #tpu.memory_space<vmem>> -> memref<1x128xi32, #tpu.memory_space<vmem>>
          %dma_start3A_157 = tpu.memref_squeeze %dma_start3A_156 : memref<1x128xi32, #tpu.memory_space<vmem>> -> memref<128xi32, #tpu.memory_space<vmem>>
          %dma_start3A_158 = arith.constant 0 : i32
          %dma_start3A_159 = arith.constant 0 : i32
          %dma_start3A_160 = tpu.memref_slice %arg10[%dma_start3A_158, %dma_start3A_159] : memref<10240x128xf32, #tpu.memory_space<vmem_shared>> -> memref<10240x128xf32, #tpu.memory_space<vmem_shared>>
          tpu.enqueue_indirect_dma source(%dma_start3A_154 : memref<128x128xf32, #tpu.memory_space<vmem>>) target(%dma_start3A_160 : memref<10240x128xf32, #tpu.memory_space<vmem_shared>>) offsets(%dma_start3A_157 : memref<128xi32, #tpu.memory_space<vmem>>) semaphore(%run_scoped3A_150 : memref<!tpu.dma_semaphore, #tpu.memory_space<semaphore_mem>>) {add = true}
          %dma_wait3A_161 = arith.constant 0 : i32
          %dma_wait3A_162 = arith.constant 0 : i32
          %dma_wait3A_163 = tpu.memref_slice %arg9[%run_scoped3A_149, %dma_wait3A_161, %dma_wait3A_162] : memref<2x128x128xf32, #tpu.memory_space<vmem>> -> memref<1x128x128xf32, #tpu.memory_space<vmem>>
          %dma_wait3A_164 = tpu.memref_squeeze %dma_wait3A_163 : memref<1x128x128xf32, #tpu.memory_space<vmem>> -> memref<128x128xf32, #tpu.memory_space<vmem>>
          %dma_wait3A_165 = arith.constant 0 : i32
          %dma_wait3A_166 = tpu.memref_slice %arg8[%add3A_130, %dma_wait3A_165] : memref<56x128xi32, #tpu.memory_space<vmem>> -> memref<1x128xi32, #tpu.memory_space<vmem>>
          %dma_wait3A_167 = tpu.memref_squeeze %dma_wait3A_166 : memref<1x128xi32, #tpu.memory_space<vmem>> -> memref<128xi32, #tpu.memory_space<vmem>>
          %dma_wait3A_168 = arith.constant 0 : i32
          %dma_wait3A_169 = arith.constant 0 : i32
          %dma_wait3A_170 = tpu.memref_slice %arg10[%dma_wait3A_168, %dma_wait3A_169] : memref<10240x128xf32, #tpu.memory_space<vmem_shared>> -> memref<10240x128xf32, #tpu.memory_space<vmem_shared>>
          tpu.wait_indirect_dma semaphore(%run_scoped3A_150 : memref<!tpu.dma_semaphore, #tpu.memory_space<semaphore_mem>>) src(%dma_wait3A_164 : memref<128x128xf32, #tpu.memory_space<vmem>>) dst(%dma_wait3A_170 : memref<10240x128xf32, #tpu.memory_space<vmem_shared>>)
          tpu.yield
        }) : () -> ()
      }
    } else {
    }
    %sub3A_44 = arith.constant 56 : i32
    %sub3A_45 = arith.subi %select_n3A_8, %sub3A_44 : i32
    %jit3A_46 = arith.constant 0 : i32
    %jit3A_47 = arith.constant 56 : i32
    %max3A_48 = arith.maxsi %jit3A_46, %sub3A_45 : i32
    %min3A_49 = arith.minsi %jit3A_47, %max3A_48 : i32
    %gt3A_50 = arith.constant 0 : i32
    %gt3A_51 = arith.cmpi sgt, %min3A_49, %gt3A_50 : i32
    %convert_element_type3A_52 = arith.extui %gt3A_51 : i1 to i32
    %cond3A_53 = arith.constant 0 : i32
    %cond3A_54 = arith.cmpi ne, %convert_element_type3A_52, %cond3A_53 : i32
    scf.if %cond3A_54 {
      %add3A_60 = arith.constant 56 : i32
      %add3A_61 = arith.addi %select_n3A, %add3A_60 : i32
      "tpu.region"() ({
        %run_scoped3A_105 = tpu.sem_alloc : memref<!tpu.dma_semaphore, #tpu.memory_space<semaphore_mem>>
        %dma_start3A_106 = arith.constant 0 : i32
        %dma_start3A_107 = tpu.memref_slice %arg2[%add3A_61, %dma_start3A_106] : memref<2672x128xi32, #tpu.memory_space<hbm>> -> memref<56x128xi32, #tpu.memory_space<hbm>>
        %dma_start3A_108 = arith.constant 0 : i32
        %dma_start3A_109 = tpu.memref_slice %arg2[%add3A_61, %dma_start3A_108] : memref<2672x128xi32, #tpu.memory_space<hbm>> -> memref<56x128xi32, #tpu.memory_space<hbm>>
        tpu.enqueue_dma source(%dma_start3A_109 : memref<56x128xi32, #tpu.memory_space<hbm>>) target(%arg7 : memref<56x128xi32, #tpu.memory_space<vmem>>) target_semaphore(%run_scoped3A_105 : memref<!tpu.dma_semaphore, #tpu.memory_space<semaphore_mem>>)
        %dma_wait3A = arith.constant 0 : i32
        %dma_wait3A_110 = tpu.memref_slice %arg2[%add3A_61, %dma_wait3A] : memref<2672x128xi32, #tpu.memory_space<hbm>> -> memref<56x128xi32, #tpu.memory_space<hbm>>
        %dma_wait3A_111 = arith.constant 0 : i32
        %dma_wait3A_112 = tpu.memref_slice %arg2[%add3A_61, %dma_wait3A_111] : memref<2672x128xi32, #tpu.memory_space<hbm>> -> memref<56x128xi32, #tpu.memory_space<hbm>>
        tpu.wait_dma2 semaphore(%run_scoped3A_105 : memref<!tpu.dma_semaphore, #tpu.memory_space<semaphore_mem>>) src(%dma_wait3A_112 : memref<56x128xi32, #tpu.memory_space<hbm>>) dst(%arg7 : memref<56x128xi32, #tpu.memory_space<vmem>>)
        tpu.yield
      }) : () -> ()
      %add3A_62 = arith.constant 56 : i32
      %add3A_63 = arith.addi %select_n3A, %add3A_62 : i32
      "tpu.region"() ({
        %run_scoped3A_105 = tpu.sem_alloc : memref<!tpu.dma_semaphore, #tpu.memory_space<semaphore_mem>>
        %dma_start3A_106 = arith.constant 0 : i32
        %dma_start3A_107 = tpu.memref_slice %arg3[%add3A_63, %dma_start3A_106] : memref<2672x128xi32, #tpu.memory_space<hbm>> -> memref<56x128xi32, #tpu.memory_space<hbm>>
        %dma_start3A_108 = arith.constant 0 : i32
        %dma_start3A_109 = tpu.memref_slice %arg3[%add3A_63, %dma_start3A_108] : memref<2672x128xi32, #tpu.memory_space<hbm>> -> memref<56x128xi32, #tpu.memory_space<hbm>>
        tpu.enqueue_dma source(%dma_start3A_109 : memref<56x128xi32, #tpu.memory_space<hbm>>) target(%arg8 : memref<56x128xi32, #tpu.memory_space<vmem>>) target_semaphore(%run_scoped3A_105 : memref<!tpu.dma_semaphore, #tpu.memory_space<semaphore_mem>>)
        %dma_wait3A = arith.constant 0 : i32
        %dma_wait3A_110 = tpu.memref_slice %arg3[%add3A_63, %dma_wait3A] : memref<2672x128xi32, #tpu.memory_space<hbm>> -> memref<56x128xi32, #tpu.memory_space<hbm>>
        %dma_wait3A_111 = arith.constant 0 : i32
        %dma_wait3A_112 = tpu.memref_slice %arg3[%add3A_63, %dma_wait3A_111] : memref<2672x128xi32, #tpu.memory_space<hbm>> -> memref<56x128xi32, #tpu.memory_space<hbm>>
        tpu.wait_dma2 semaphore(%run_scoped3A_105 : memref<!tpu.dma_semaphore, #tpu.memory_space<semaphore_mem>>) src(%dma_wait3A_112 : memref<56x128xi32, #tpu.memory_space<hbm>>) dst(%arg8 : memref<56x128xi32, #tpu.memory_space<vmem>>)
        tpu.yield
      }) : () -> ()
      %dma_start3A = arith.constant 0 : i32
      %dma_start3A_64 = arith.constant 0 : i32
      %dma_start3A_65 = arith.constant 0 : i32
      %dma_start3A_66 = arith.constant 0 : i32
      %dma_start3A_67 = tpu.memref_slice %arg9[%dma_start3A_64, %dma_start3A_65, %dma_start3A_66] : memref<2x128x128xf32, #tpu.memory_space<vmem>> -> memref<1x128x128xf32, #tpu.memory_space<vmem>>
      %dma_start3A_68 = tpu.memref_squeeze %dma_start3A_67 : memref<1x128x128xf32, #tpu.memory_space<vmem>> -> memref<128x128xf32, #tpu.memory_space<vmem>>
      %dma_start3A_69 = arith.constant 0 : i32
      %dma_start3A_70 = tpu.memref_slice %arg7[%dma_start3A, %dma_start3A_69] : memref<56x128xi32, #tpu.memory_space<vmem>> -> memref<1x128xi32, #tpu.memory_space<vmem>>
      %dma_start3A_71 = tpu.memref_squeeze %dma_start3A_70 : memref<1x128xi32, #tpu.memory_space<vmem>> -> memref<128xi32, #tpu.memory_space<vmem>>
      %dma_start3A_72 = arith.constant 0 : i32
      %dma_start3A_73 = arith.constant 0 : i32
      %dma_start3A_74 = tpu.memref_slice %arg4[%dma_start3A_72, %dma_start3A_73] : memref<10240x128xf32, #tpu.memory_space<hbm>> -> memref<10240x128xf32, #tpu.memory_space<hbm>>
      tpu.enqueue_indirect_dma source(%dma_start3A_74 : memref<10240x128xf32, #tpu.memory_space<hbm>>) target(%dma_start3A_68 : memref<128x128xf32, #tpu.memory_space<vmem>>) offsets(%dma_start3A_71 : memref<128xi32, #tpu.memory_space<vmem>>) semaphore(%arg11 : memref<!tpu.dma_semaphore, #tpu.memory_space<semaphore_mem>>)
      %add3A_75 = arith.constant 1 : i32
      %add3A_76 = arith.addi %min3A_49, %add3A_75 : i32
      %jit3A_77 = arith.constant 2 : i32
      %div3A = arith.divsi %add3A_76, %jit3A_77 : i32
      %sign3A = arith.constant 0 : i32
      %sign3A_78 = arith.cmpi sgt, %add3A_76, %sign3A : i32
      %sign3A_79 = arith.extui %sign3A_78 : i1 to i32
      %sign3A_80 = arith.constant 0 : i32
      %sign3A_81 = arith.cmpi slt, %add3A_76, %sign3A_80 : i32
      %sign3A_82 = arith.extui %sign3A_81 : i1 to i32
      %sign3A_83 = arith.subi %sign3A_79, %sign3A_82 : i32
      %sign3A_84 = arith.constant 0 : i32
      %sign3A_85 = arith.cmpi sgt, %jit3A_77, %sign3A_84 : i32
      %sign3A_86 = arith.extui %sign3A_85 : i1 to i32
      %sign3A_87 = arith.constant 0 : i32
      %sign3A_88 = arith.cmpi slt, %jit3A_77, %sign3A_87 : i32
      %sign3A_89 = arith.extui %sign3A_88 : i1 to i32
      %sign3A_90 = arith.subi %sign3A_86, %sign3A_89 : i32
      %ne3A = arith.cmpi ne, %sign3A_83, %sign3A_90 : i32
      %rem3A = arith.remsi %add3A_76, %jit3A_77 : i32
      %ne3A_91 = arith.constant 0 : i32
      %ne3A_92 = arith.cmpi ne, %rem3A, %ne3A_91 : i32
      %and3A = arith.andi %ne3A, %ne3A_92 : i1
      %sub3A_93 = arith.constant 1 : i32
      %sub3A_94 = arith.subi %div3A, %sub3A_93 : i32
      %select_n3A_95 = arith.select %and3A, %sub3A_94, %div3A : i32
      %while3A = arith.constant 0 : i32
      %while3A_96 = arith.constant 0 : i32
      %while3A_97 = arith.subi %select_n3A_95, %while3A_96 : i32
      %while3A_98 = arith.addi %while3A_96, %while3A_97 : i32
      %while3A_99 = arith.constant 1 : i32
      %while3A_100 = arith.divsi %while3A_97, %while3A_99 : i32
      %while3A_101 = arith.muli %while3A_100, %while3A_99 : i32
      %while3A_102 = arith.addi %while3A_96, %while3A_101 : i32
      %while3A_103 = arith.constant 1 : i32
      scf.for %while3A_105 = %while3A_96 to %while3A_102 step %while3A_103  : i32 {
        %mul3A_106 = arith.constant 2 : i32
        %mul3A_107 = arith.muli %mul3A_106, %while3A_105 : i32
        %add3A_108 = arith.constant 0 : i32
        %add3A_109 = arith.addi %mul3A_107, %add3A_108 : i32
        %dma_wait3A = arith.constant 0 : i32
        %dma_wait3A_110 = arith.constant 0 : i32
        %dma_wait3A_111 = arith.constant 0 : i32
        %dma_wait3A_112 = arith.constant 0 : i32
        %dma_wait3A_113 = tpu.memref_slice %arg9[%dma_wait3A_110, %dma_wait3A_111, %dma_wait3A_112] : memref<2x128x128xf32, #tpu.memory_space<vmem>> -> memref<1x128x128xf32, #tpu.memory_space<vmem>>
        %dma_wait3A_114 = tpu.memref_squeeze %dma_wait3A_113 : memref<1x128x128xf32, #tpu.memory_space<vmem>> -> memref<128x128xf32, #tpu.memory_space<vmem>>
        %dma_wait3A_115 = arith.constant 0 : i32
        %dma_wait3A_116 = tpu.memref_slice %arg7[%dma_wait3A, %dma_wait3A_115] : memref<56x128xi32, #tpu.memory_space<vmem>> -> memref<1x128xi32, #tpu.memory_space<vmem>>
        %dma_wait3A_117 = tpu.memref_squeeze %dma_wait3A_116 : memref<1x128xi32, #tpu.memory_space<vmem>> -> memref<128xi32, #tpu.memory_space<vmem>>
        %dma_wait3A_118 = arith.constant 0 : i32
        %dma_wait3A_119 = arith.constant 0 : i32
        %dma_wait3A_120 = tpu.memref_slice %arg4[%dma_wait3A_118, %dma_wait3A_119] : memref<10240x128xf32, #tpu.memory_space<hbm>> -> memref<10240x128xf32, #tpu.memory_space<hbm>>
        tpu.wait_indirect_dma semaphore(%arg11 : memref<!tpu.dma_semaphore, #tpu.memory_space<semaphore_mem>>) src(%dma_wait3A_120 : memref<10240x128xf32, #tpu.memory_space<hbm>>) dst(%dma_wait3A_114 : memref<128x128xf32, #tpu.memory_space<vmem>>)
        %add3A_121 = arith.constant 1 : i32
        %add3A_122 = arith.addi %add3A_109, %add3A_121 : i32
        %lt3A = arith.cmpi slt, %add3A_122, %min3A_49 : i32
        %convert_element_type3A_123 = arith.extui %lt3A : i1 to i32
        %cond3A_124 = arith.constant 0 : i32
        %cond3A_125 = arith.cmpi ne, %convert_element_type3A_123, %cond3A_124 : i32
        scf.if %cond3A_125 {
          %add3A_150 = arith.constant 1 : i32
          %add3A_151 = arith.addi %add3A_109, %add3A_150 : i32
          %dma_start3A_152 = arith.constant 1 : i32
          %dma_start3A_153 = arith.constant 0 : i32
          %dma_start3A_154 = arith.constant 0 : i32
          %dma_start3A_155 = tpu.memref_slice %arg9[%dma_start3A_152, %dma_start3A_153, %dma_start3A_154] : memref<2x128x128xf32, #tpu.memory_space<vmem>> -> memref<1x128x128xf32, #tpu.memory_space<vmem>>
          %dma_start3A_156 = tpu.memref_squeeze %dma_start3A_155 : memref<1x128x128xf32, #tpu.memory_space<vmem>> -> memref<128x128xf32, #tpu.memory_space<vmem>>
          %dma_start3A_157 = arith.constant 0 : i32
          %dma_start3A_158 = tpu.memref_slice %arg7[%add3A_151, %dma_start3A_157] : memref<56x128xi32, #tpu.memory_space<vmem>> -> memref<1x128xi32, #tpu.memory_space<vmem>>
          %dma_start3A_159 = tpu.memref_squeeze %dma_start3A_158 : memref<1x128xi32, #tpu.memory_space<vmem>> -> memref<128xi32, #tpu.memory_space<vmem>>
          %dma_start3A_160 = arith.constant 0 : i32
          %dma_start3A_161 = arith.constant 0 : i32
          %dma_start3A_162 = tpu.memref_slice %arg4[%dma_start3A_160, %dma_start3A_161] : memref<10240x128xf32, #tpu.memory_space<hbm>> -> memref<10240x128xf32, #tpu.memory_space<hbm>>
          tpu.enqueue_indirect_dma source(%dma_start3A_162 : memref<10240x128xf32, #tpu.memory_space<hbm>>) target(%dma_start3A_156 : memref<128x128xf32, #tpu.memory_space<vmem>>) offsets(%dma_start3A_159 : memref<128xi32, #tpu.memory_space<vmem>>) semaphore(%arg11 : memref<!tpu.dma_semaphore, #tpu.memory_space<semaphore_mem>>)
        } else {
        }
        %run_scoped3A_126 = arith.constant 0 : i32
        "tpu.region"() ({
          %run_scoped3A_150 = tpu.sem_alloc : memref<!tpu.dma_semaphore, #tpu.memory_space<semaphore_mem>>
          %dma_start3A_151 = arith.constant 0 : i32
          %dma_start3A_152 = arith.constant 0 : i32
          %dma_start3A_153 = tpu.memref_slice %arg9[%run_scoped3A_126, %dma_start3A_151, %dma_start3A_152] : memref<2x128x128xf32, #tpu.memory_space<vmem>> -> memref<1x128x128xf32, #tpu.memory_space<vmem>>
          %dma_start3A_154 = tpu.memref_squeeze %dma_start3A_153 : memref<1x128x128xf32, #tpu.memory_space<vmem>> -> memref<128x128xf32, #tpu.memory_space<vmem>>
          %dma_start3A_155 = arith.constant 0 : i32
          %dma_start3A_156 = tpu.memref_slice %arg8[%add3A_109, %dma_start3A_155] : memref<56x128xi32, #tpu.memory_space<vmem>> -> memref<1x128xi32, #tpu.memory_space<vmem>>
          %dma_start3A_157 = tpu.memref_squeeze %dma_start3A_156 : memref<1x128xi32, #tpu.memory_space<vmem>> -> memref<128xi32, #tpu.memory_space<vmem>>
          %dma_start3A_158 = arith.constant 0 : i32
          %dma_start3A_159 = arith.constant 0 : i32
          %dma_start3A_160 = tpu.memref_slice %arg10[%dma_start3A_158, %dma_start3A_159] : memref<10240x128xf32, #tpu.memory_space<vmem_shared>> -> memref<10240x128xf32, #tpu.memory_space<vmem_shared>>
          tpu.enqueue_indirect_dma source(%dma_start3A_154 : memref<128x128xf32, #tpu.memory_space<vmem>>) target(%dma_start3A_160 : memref<10240x128xf32, #tpu.memory_space<vmem_shared>>) offsets(%dma_start3A_157 : memref<128xi32, #tpu.memory_space<vmem>>) semaphore(%run_scoped3A_150 : memref<!tpu.dma_semaphore, #tpu.memory_space<semaphore_mem>>) {add = true}
          %dma_wait3A_161 = arith.constant 0 : i32
          %dma_wait3A_162 = arith.constant 0 : i32
          %dma_wait3A_163 = tpu.memref_slice %arg9[%run_scoped3A_126, %dma_wait3A_161, %dma_wait3A_162] : memref<2x128x128xf32, #tpu.memory_space<vmem>> -> memref<1x128x128xf32, #tpu.memory_space<vmem>>
          %dma_wait3A_164 = tpu.memref_squeeze %dma_wait3A_163 : memref<1x128x128xf32, #tpu.memory_space<vmem>> -> memref<128x128xf32, #tpu.memory_space<vmem>>
          %dma_wait3A_165 = arith.constant 0 : i32
          %dma_wait3A_166 = tpu.memref_slice %arg8[%add3A_109, %dma_wait3A_165] : memref<56x128xi32, #tpu.memory_space<vmem>> -> memref<1x128xi32, #tpu.memory_space<vmem>>
          %dma_wait3A_167 = tpu.memref_squeeze %dma_wait3A_166 : memref<1x128xi32, #tpu.memory_space<vmem>> -> memref<128xi32, #tpu.memory_space<vmem>>
          %dma_wait3A_168 = arith.constant 0 : i32
          %dma_wait3A_169 = arith.constant 0 : i32
          %dma_wait3A_170 = tpu.memref_slice %arg10[%dma_wait3A_168, %dma_wait3A_169] : memref<10240x128xf32, #tpu.memory_space<vmem_shared>> -> memref<10240x128xf32, #tpu.memory_space<vmem_shared>>
          tpu.wait_indirect_dma semaphore(%run_scoped3A_150 : memref<!tpu.dma_semaphore, #tpu.memory_space<semaphore_mem>>) src(%dma_wait3A_164 : memref<128x128xf32, #tpu.memory_space<vmem>>) dst(%dma_wait3A_170 : memref<10240x128xf32, #tpu.memory_space<vmem_shared>>)
          tpu.yield
        }) : () -> ()
        %mul3A_127 = arith.constant 2 : i32
        %mul3A_128 = arith.muli %mul3A_127, %while3A_105 : i32
        %add3A_129 = arith.constant 1 : i32
        %add3A_130 = arith.addi %mul3A_128, %add3A_129 : i32
        %dma_wait3A_131 = arith.constant 0 : i32
        %dma_wait3A_132 = arith.constant 1 : i32
        %dma_wait3A_133 = arith.constant 0 : i32
        %dma_wait3A_134 = arith.constant 0 : i32
        %dma_wait3A_135 = tpu.memref_slice %arg9[%dma_wait3A_132, %dma_wait3A_133, %dma_wait3A_134] : memref<2x128x128xf32, #tpu.memory_space<vmem>> -> memref<1x128x128xf32, #tpu.memory_space<vmem>>
        %dma_wait3A_136 = tpu.memref_squeeze %dma_wait3A_135 : memref<1x128x128xf32, #tpu.memory_space<vmem>> -> memref<128x128xf32, #tpu.memory_space<vmem>>
        %dma_wait3A_137 = arith.constant 0 : i32
        %dma_wait3A_138 = tpu.memref_slice %arg7[%dma_wait3A_131, %dma_wait3A_137] : memref<56x128xi32, #tpu.memory_space<vmem>> -> memref<1x128xi32, #tpu.memory_space<vmem>>
        %dma_wait3A_139 = tpu.memref_squeeze %dma_wait3A_138 : memref<1x128xi32, #tpu.memory_space<vmem>> -> memref<128xi32, #tpu.memory_space<vmem>>
        %dma_wait3A_140 = arith.constant 0 : i32
        %dma_wait3A_141 = arith.constant 0 : i32
        %dma_wait3A_142 = tpu.memref_slice %arg4[%dma_wait3A_140, %dma_wait3A_141] : memref<10240x128xf32, #tpu.memory_space<hbm>> -> memref<10240x128xf32, #tpu.memory_space<hbm>>
        tpu.wait_indirect_dma semaphore(%arg11 : memref<!tpu.dma_semaphore, #tpu.memory_space<semaphore_mem>>) src(%dma_wait3A_142 : memref<10240x128xf32, #tpu.memory_space<hbm>>) dst(%dma_wait3A_136 : memref<128x128xf32, #tpu.memory_space<vmem>>)
        %add3A_143 = arith.constant 1 : i32
        %add3A_144 = arith.addi %add3A_130, %add3A_143 : i32
        %lt3A_145 = arith.cmpi slt, %add3A_144, %min3A_49 : i32
        %convert_element_type3A_146 = arith.extui %lt3A_145 : i1 to i32
        %cond3A_147 = arith.constant 0 : i32
        %cond3A_148 = arith.cmpi ne, %convert_element_type3A_146, %cond3A_147 : i32
        scf.if %cond3A_148 {
          %add3A_150 = arith.constant 1 : i32
          %add3A_151 = arith.addi %add3A_130, %add3A_150 : i32
          %dma_start3A_152 = arith.constant 0 : i32
          %dma_start3A_153 = arith.constant 0 : i32
          %dma_start3A_154 = arith.constant 0 : i32
          %dma_start3A_155 = tpu.memref_slice %arg9[%dma_start3A_152, %dma_start3A_153, %dma_start3A_154] : memref<2x128x128xf32, #tpu.memory_space<vmem>> -> memref<1x128x128xf32, #tpu.memory_space<vmem>>
          %dma_start3A_156 = tpu.memref_squeeze %dma_start3A_155 : memref<1x128x128xf32, #tpu.memory_space<vmem>> -> memref<128x128xf32, #tpu.memory_space<vmem>>
          %dma_start3A_157 = arith.constant 0 : i32
          %dma_start3A_158 = tpu.memref_slice %arg7[%add3A_151, %dma_start3A_157] : memref<56x128xi32, #tpu.memory_space<vmem>> -> memref<1x128xi32, #tpu.memory_space<vmem>>
          %dma_start3A_159 = tpu.memref_squeeze %dma_start3A_158 : memref<1x128xi32, #tpu.memory_space<vmem>> -> memref<128xi32, #tpu.memory_space<vmem>>
          %dma_start3A_160 = arith.constant 0 : i32
          %dma_start3A_161 = arith.constant 0 : i32
          %dma_start3A_162 = tpu.memref_slice %arg4[%dma_start3A_160, %dma_start3A_161] : memref<10240x128xf32, #tpu.memory_space<hbm>> -> memref<10240x128xf32, #tpu.memory_space<hbm>>
          tpu.enqueue_indirect_dma source(%dma_start3A_162 : memref<10240x128xf32, #tpu.memory_space<hbm>>) target(%dma_start3A_156 : memref<128x128xf32, #tpu.memory_space<vmem>>) offsets(%dma_start3A_159 : memref<128xi32, #tpu.memory_space<vmem>>) semaphore(%arg11 : memref<!tpu.dma_semaphore, #tpu.memory_space<semaphore_mem>>)
        } else {
        }
        %run_scoped3A_149 = arith.constant 1 : i32
        "tpu.region"() ({
          %run_scoped3A_150 = tpu.sem_alloc : memref<!tpu.dma_semaphore, #tpu.memory_space<semaphore_mem>>
          %dma_start3A_151 = arith.constant 0 : i32
          %dma_start3A_152 = arith.constant 0 : i32
          %dma_start3A_153 = tpu.memref_slice %arg9[%run_scoped3A_149, %dma_start3A_151, %dma_start3A_152] : memref<2x128x128xf32, #tpu.memory_space<vmem>> -> memref<1x128x128xf32, #tpu.memory_space<vmem>>
          %dma_start3A_154 = tpu.memref_squeeze %dma_start3A_153 : memref<1x128x128xf32, #tpu.memory_space<vmem>> -> memref<128x128xf32, #tpu.memory_space<vmem>>
          %dma_start3A_155 = arith.constant 0 : i32
          %dma_start3A_156 = tpu.memref_slice %arg8[%add3A_130, %dma_start3A_155] : memref<56x128xi32, #tpu.memory_space<vmem>> -> memref<1x128xi32, #tpu.memory_space<vmem>>
          %dma_start3A_157 = tpu.memref_squeeze %dma_start3A_156 : memref<1x128xi32, #tpu.memory_space<vmem>> -> memref<128xi32, #tpu.memory_space<vmem>>
          %dma_start3A_158 = arith.constant 0 : i32
          %dma_start3A_159 = arith.constant 0 : i32
          %dma_start3A_160 = tpu.memref_slice %arg10[%dma_start3A_158, %dma_start3A_159] : memref<10240x128xf32, #tpu.memory_space<vmem_shared>> -> memref<10240x128xf32, #tpu.memory_space<vmem_shared>>
          tpu.enqueue_indirect_dma source(%dma_start3A_154 : memref<128x128xf32, #tpu.memory_space<vmem>>) target(%dma_start3A_160 : memref<10240x128xf32, #tpu.memory_space<vmem_shared>>) offsets(%dma_start3A_157 : memref<128xi32, #tpu.memory_space<vmem>>) semaphore(%run_scoped3A_150 : memref<!tpu.dma_semaphore, #tpu.memory_space<semaphore_mem>>) {add = true}
          %dma_wait3A_161 = arith.constant 0 : i32
          %dma_wait3A_162 = arith.constant 0 : i32
          %dma_wait3A_163 = tpu.memref_slice %arg9[%run_scoped3A_149, %dma_wait3A_161, %dma_wait3A_162] : memref<2x128x128xf32, #tpu.memory_space<vmem>> -> memref<1x128x128xf32, #tpu.memory_space<vmem>>
          %dma_wait3A_164 = tpu.memref_squeeze %dma_wait3A_163 : memref<1x128x128xf32, #tpu.memory_space<vmem>> -> memref<128x128xf32, #tpu.memory_space<vmem>>
          %dma_wait3A_165 = arith.constant 0 : i32
          %dma_wait3A_166 = tpu.memref_slice %arg8[%add3A_130, %dma_wait3A_165] : memref<56x128xi32, #tpu.memory_space<vmem>> -> memref<1x128xi32, #tpu.memory_space<vmem>>
          %dma_wait3A_167 = tpu.memref_squeeze %dma_wait3A_166 : memref<1x128xi32, #tpu.memory_space<vmem>> -> memref<128xi32, #tpu.memory_space<vmem>>
          %dma_wait3A_168 = arith.constant 0 : i32
          %dma_wait3A_169 = arith.constant 0 : i32
          %dma_wait3A_170 = tpu.memref_slice %arg10[%dma_wait3A_168, %dma_wait3A_169] : memref<10240x128xf32, #tpu.memory_space<vmem_shared>> -> memref<10240x128xf32, #tpu.memory_space<vmem_shared>>
          tpu.wait_indirect_dma semaphore(%run_scoped3A_150 : memref<!tpu.dma_semaphore, #tpu.memory_space<semaphore_mem>>) src(%dma_wait3A_164 : memref<128x128xf32, #tpu.memory_space<vmem>>) dst(%dma_wait3A_170 : memref<10240x128xf32, #tpu.memory_space<vmem_shared>>)
          tpu.yield
        }) : () -> ()
      }
      %while3A_104 = arith.constant 1 : i32
      scf.for %while3A_105 = %while3A_102 to %while3A_98 step %while3A_104  : i32 {
        %mul3A_106 = arith.constant 2 : i32
        %mul3A_107 = arith.muli %mul3A_106, %while3A_105 : i32
        %add3A_108 = arith.constant 0 : i32
        %add3A_109 = arith.addi %mul3A_107, %add3A_108 : i32
        %dma_wait3A = arith.constant 0 : i32
        %dma_wait3A_110 = arith.constant 0 : i32
        %dma_wait3A_111 = arith.constant 0 : i32
        %dma_wait3A_112 = arith.constant 0 : i32
        %dma_wait3A_113 = tpu.memref_slice %arg9[%dma_wait3A_110, %dma_wait3A_111, %dma_wait3A_112] : memref<2x128x128xf32, #tpu.memory_space<vmem>> -> memref<1x128x128xf32, #tpu.memory_space<vmem>>
        %dma_wait3A_114 = tpu.memref_squeeze %dma_wait3A_113 : memref<1x128x128xf32, #tpu.memory_space<vmem>> -> memref<128x128xf32, #tpu.memory_space<vmem>>
        %dma_wait3A_115 = arith.constant 0 : i32
        %dma_wait3A_116 = tpu.memref_slice %arg7[%dma_wait3A, %dma_wait3A_115] : memref<56x128xi32, #tpu.memory_space<vmem>> -> memref<1x128xi32, #tpu.memory_space<vmem>>
        %dma_wait3A_117 = tpu.memref_squeeze %dma_wait3A_116 : memref<1x128xi32, #tpu.memory_space<vmem>> -> memref<128xi32, #tpu.memory_space<vmem>>
        %dma_wait3A_118 = arith.constant 0 : i32
        %dma_wait3A_119 = arith.constant 0 : i32
        %dma_wait3A_120 = tpu.memref_slice %arg4[%dma_wait3A_118, %dma_wait3A_119] : memref<10240x128xf32, #tpu.memory_space<hbm>> -> memref<10240x128xf32, #tpu.memory_space<hbm>>
        tpu.wait_indirect_dma semaphore(%arg11 : memref<!tpu.dma_semaphore, #tpu.memory_space<semaphore_mem>>) src(%dma_wait3A_120 : memref<10240x128xf32, #tpu.memory_space<hbm>>) dst(%dma_wait3A_114 : memref<128x128xf32, #tpu.memory_space<vmem>>)
        %add3A_121 = arith.constant 1 : i32
        %add3A_122 = arith.addi %add3A_109, %add3A_121 : i32
        %lt3A = arith.cmpi slt, %add3A_122, %min3A_49 : i32
        %convert_element_type3A_123 = arith.extui %lt3A : i1 to i32
        %cond3A_124 = arith.constant 0 : i32
        %cond3A_125 = arith.cmpi ne, %convert_element_type3A_123, %cond3A_124 : i32
        scf.if %cond3A_125 {
          %add3A_150 = arith.constant 1 : i32
          %add3A_151 = arith.addi %add3A_109, %add3A_150 : i32
          %dma_start3A_152 = arith.constant 1 : i32
          %dma_start3A_153 = arith.constant 0 : i32
          %dma_start3A_154 = arith.constant 0 : i32
          %dma_start3A_155 = tpu.memref_slice %arg9[%dma_start3A_152, %dma_start3A_153, %dma_start3A_154] : memref<2x128x128xf32, #tpu.memory_space<vmem>> -> memref<1x128x128xf32, #tpu.memory_space<vmem>>
          %dma_start3A_156 = tpu.memref_squeeze %dma_start3A_155 : memref<1x128x128xf32, #tpu.memory_space<vmem>> -> memref<128x128xf32, #tpu.memory_space<vmem>>
          %dma_start3A_157 = arith.constant 0 : i32
          %dma_start3A_158 = tpu.memref_slice %arg7[%add3A_151, %dma_start3A_157] : memref<56x128xi32, #tpu.memory_space<vmem>> -> memref<1x128xi32, #tpu.memory_space<vmem>>
          %dma_start3A_159 = tpu.memref_squeeze %dma_start3A_158 : memref<1x128xi32, #tpu.memory_space<vmem>> -> memref<128xi32, #tpu.memory_space<vmem>>
          %dma_start3A_160 = arith.constant 0 : i32
          %dma_start3A_161 = arith.constant 0 : i32
          %dma_start3A_162 = tpu.memref_slice %arg4[%dma_start3A_160, %dma_start3A_161] : memref<10240x128xf32, #tpu.memory_space<hbm>> -> memref<10240x128xf32, #tpu.memory_space<hbm>>
          tpu.enqueue_indirect_dma source(%dma_start3A_162 : memref<10240x128xf32, #tpu.memory_space<hbm>>) target(%dma_start3A_156 : memref<128x128xf32, #tpu.memory_space<vmem>>) offsets(%dma_start3A_159 : memref<128xi32, #tpu.memory_space<vmem>>) semaphore(%arg11 : memref<!tpu.dma_semaphore, #tpu.memory_space<semaphore_mem>>)
        } else {
        }
        %run_scoped3A_126 = arith.constant 0 : i32
        "tpu.region"() ({
          %run_scoped3A_150 = tpu.sem_alloc : memref<!tpu.dma_semaphore, #tpu.memory_space<semaphore_mem>>
          %dma_start3A_151 = arith.constant 0 : i32
          %dma_start3A_152 = arith.constant 0 : i32
          %dma_start3A_153 = tpu.memref_slice %arg9[%run_scoped3A_126, %dma_start3A_151, %dma_start3A_152] : memref<2x128x128xf32, #tpu.memory_space<vmem>> -> memref<1x128x128xf32, #tpu.memory_space<vmem>>
          %dma_start3A_154 = tpu.memref_squeeze %dma_start3A_153 : memref<1x128x128xf32, #tpu.memory_space<vmem>> -> memref<128x128xf32, #tpu.memory_space<vmem>>
          %dma_start3A_155 = arith.constant 0 : i32
          %dma_start3A_156 = tpu.memref_slice %arg8[%add3A_109, %dma_start3A_155] : memref<56x128xi32, #tpu.memory_space<vmem>> -> memref<1x128xi32, #tpu.memory_space<vmem>>
          %dma_start3A_157 = tpu.memref_squeeze %dma_start3A_156 : memref<1x128xi32, #tpu.memory_space<vmem>> -> memref<128xi32, #tpu.memory_space<vmem>>
          %dma_start3A_158 = arith.constant 0 : i32
          %dma_start3A_159 = arith.constant 0 : i32
          %dma_start3A_160 = tpu.memref_slice %arg10[%dma_start3A_158, %dma_start3A_159] : memref<10240x128xf32, #tpu.memory_space<vmem_shared>> -> memref<10240x128xf32, #tpu.memory_space<vmem_shared>>
          tpu.enqueue_indirect_dma source(%dma_start3A_154 : memref<128x128xf32, #tpu.memory_space<vmem>>) target(%dma_start3A_160 : memref<10240x128xf32, #tpu.memory_space<vmem_shared>>) offsets(%dma_start3A_157 : memref<128xi32, #tpu.memory_space<vmem>>) semaphore(%run_scoped3A_150 : memref<!tpu.dma_semaphore, #tpu.memory_space<semaphore_mem>>) {add = true}
          %dma_wait3A_161 = arith.constant 0 : i32
          %dma_wait3A_162 = arith.constant 0 : i32
          %dma_wait3A_163 = tpu.memref_slice %arg9[%run_scoped3A_126, %dma_wait3A_161, %dma_wait3A_162] : memref<2x128x128xf32, #tpu.memory_space<vmem>> -> memref<1x128x128xf32, #tpu.memory_space<vmem>>
          %dma_wait3A_164 = tpu.memref_squeeze %dma_wait3A_163 : memref<1x128x128xf32, #tpu.memory_space<vmem>> -> memref<128x128xf32, #tpu.memory_space<vmem>>
          %dma_wait3A_165 = arith.constant 0 : i32
          %dma_wait3A_166 = tpu.memref_slice %arg8[%add3A_109, %dma_wait3A_165] : memref<56x128xi32, #tpu.memory_space<vmem>> -> memref<1x128xi32, #tpu.memory_space<vmem>>
          %dma_wait3A_167 = tpu.memref_squeeze %dma_wait3A_166 : memref<1x128xi32, #tpu.memory_space<vmem>> -> memref<128xi32, #tpu.memory_space<vmem>>
          %dma_wait3A_168 = arith.constant 0 : i32
          %dma_wait3A_169 = arith.constant 0 : i32
          %dma_wait3A_170 = tpu.memref_slice %arg10[%dma_wait3A_168, %dma_wait3A_169] : memref<10240x128xf32, #tpu.memory_space<vmem_shared>> -> memref<10240x128xf32, #tpu.memory_space<vmem_shared>>
          tpu.wait_indirect_dma semaphore(%run_scoped3A_150 : memref<!tpu.dma_semaphore, #tpu.memory_space<semaphore_mem>>) src(%dma_wait3A_164 : memref<128x128xf32, #tpu.memory_space<vmem>>) dst(%dma_wait3A_170 : memref<10240x128xf32, #tpu.memory_space<vmem_shared>>)
          tpu.yield
        }) : () -> ()
        %mul3A_127 = arith.constant 2 : i32
        %mul3A_128 = arith.muli %mul3A_127, %while3A_105 : i32
        %add3A_129 = arith.constant 1 : i32
        %add3A_130 = arith.addi %mul3A_128, %add3A_129 : i32
        %dma_wait3A_131 = arith.constant 0 : i32
        %dma_wait3A_132 = arith.constant 1 : i32
        %dma_wait3A_133 = arith.constant 0 : i32
        %dma_wait3A_134 = arith.constant 0 : i32
        %dma_wait3A_135 = tpu.memref_slice %arg9[%dma_wait3A_132, %dma_wait3A_133, %dma_wait3A_134] : memref<2x128x128xf32, #tpu.memory_space<vmem>> -> memref<1x128x128xf32, #tpu.memory_space<vmem>>
        %dma_wait3A_136 = tpu.memref_squeeze %dma_wait3A_135 : memref<1x128x128xf32, #tpu.memory_space<vmem>> -> memref<128x128xf32, #tpu.memory_space<vmem>>
        %dma_wait3A_137 = arith.constant 0 : i32
        %dma_wait3A_138 = tpu.memref_slice %arg7[%dma_wait3A_131, %dma_wait3A_137] : memref<56x128xi32, #tpu.memory_space<vmem>> -> memref<1x128xi32, #tpu.memory_space<vmem>>
        %dma_wait3A_139 = tpu.memref_squeeze %dma_wait3A_138 : memref<1x128xi32, #tpu.memory_space<vmem>> -> memref<128xi32, #tpu.memory_space<vmem>>
        %dma_wait3A_140 = arith.constant 0 : i32
        %dma_wait3A_141 = arith.constant 0 : i32
        %dma_wait3A_142 = tpu.memref_slice %arg4[%dma_wait3A_140, %dma_wait3A_141] : memref<10240x128xf32, #tpu.memory_space<hbm>> -> memref<10240x128xf32, #tpu.memory_space<hbm>>
        tpu.wait_indirect_dma semaphore(%arg11 : memref<!tpu.dma_semaphore, #tpu.memory_space<semaphore_mem>>) src(%dma_wait3A_142 : memref<10240x128xf32, #tpu.memory_space<hbm>>) dst(%dma_wait3A_136 : memref<128x128xf32, #tpu.memory_space<vmem>>)
        %add3A_143 = arith.constant 1 : i32
        %add3A_144 = arith.addi %add3A_130, %add3A_143 : i32
        %lt3A_145 = arith.cmpi slt, %add3A_144, %min3A_49 : i32
        %convert_element_type3A_146 = arith.extui %lt3A_145 : i1 to i32
        %cond3A_147 = arith.constant 0 : i32
        %cond3A_148 = arith.cmpi ne, %convert_element_type3A_146, %cond3A_147 : i32
        scf.if %cond3A_148 {
          %add3A_150 = arith.constant 1 : i32
          %add3A_151 = arith.addi %add3A_130, %add3A_150 : i32
          %dma_start3A_152 = arith.constant 0 : i32
          %dma_start3A_153 = arith.constant 0 : i32
          %dma_start3A_154 = arith.constant 0 : i32
          %dma_start3A_155 = tpu.memref_slice %arg9[%dma_start3A_152, %dma_start3A_153, %dma_start3A_154] : memref<2x128x128xf32, #tpu.memory_space<vmem>> -> memref<1x128x128xf32, #tpu.memory_space<vmem>>
          %dma_start3A_156 = tpu.memref_squeeze %dma_start3A_155 : memref<1x128x128xf32, #tpu.memory_space<vmem>> -> memref<128x128xf32, #tpu.memory_space<vmem>>
          %dma_start3A_157 = arith.constant 0 : i32
          %dma_start3A_158 = tpu.memref_slice %arg7[%add3A_151, %dma_start3A_157] : memref<56x128xi32, #tpu.memory_space<vmem>> -> memref<1x128xi32, #tpu.memory_space<vmem>>
          %dma_start3A_159 = tpu.memref_squeeze %dma_start3A_158 : memref<1x128xi32, #tpu.memory_space<vmem>> -> memref<128xi32, #tpu.memory_space<vmem>>
          %dma_start3A_160 = arith.constant 0 : i32
          %dma_start3A_161 = arith.constant 0 : i32
          %dma_start3A_162 = tpu.memref_slice %arg4[%dma_start3A_160, %dma_start3A_161] : memref<10240x128xf32, #tpu.memory_space<hbm>> -> memref<10240x128xf32, #tpu.memory_space<hbm>>
          tpu.enqueue_indirect_dma source(%dma_start3A_162 : memref<10240x128xf32, #tpu.memory_space<hbm>>) target(%dma_start3A_156 : memref<128x128xf32, #tpu.memory_space<vmem>>) offsets(%dma_start3A_159 : memref<128xi32, #tpu.memory_space<vmem>>) semaphore(%arg11 : memref<!tpu.dma_semaphore, #tpu.memory_space<semaphore_mem>>)
        } else {
        }
        %run_scoped3A_149 = arith.constant 1 : i32
        "tpu.region"() ({
          %run_scoped3A_150 = tpu.sem_alloc : memref<!tpu.dma_semaphore, #tpu.memory_space<semaphore_mem>>
          %dma_start3A_151 = arith.constant 0 : i32
          %dma_start3A_152 = arith.constant 0 : i32
          %dma_start3A_153 = tpu.memref_slice %arg9[%run_scoped3A_149, %dma_start3A_151, %dma_start3A_152] : memref<2x128x128xf32, #tpu.memory_space<vmem>> -> memref<1x128x128xf32, #tpu.memory_space<vmem>>
          %dma_start3A_154 = tpu.memref_squeeze %dma_start3A_153 : memref<1x128x128xf32, #tpu.memory_space<vmem>> -> memref<128x128xf32, #tpu.memory_space<vmem>>
          %dma_start3A_155 = arith.constant 0 : i32
          %dma_start3A_156 = tpu.memref_slice %arg8[%add3A_130, %dma_start3A_155] : memref<56x128xi32, #tpu.memory_space<vmem>> -> memref<1x128xi32, #tpu.memory_space<vmem>>
          %dma_start3A_157 = tpu.memref_squeeze %dma_start3A_156 : memref<1x128xi32, #tpu.memory_space<vmem>> -> memref<128xi32, #tpu.memory_space<vmem>>
          %dma_start3A_158 = arith.constant 0 : i32
          %dma_start3A_159 = arith.constant 0 : i32
          %dma_start3A_160 = tpu.memref_slice %arg10[%dma_start3A_158, %dma_start3A_159] : memref<10240x128xf32, #tpu.memory_space<vmem_shared>> -> memref<10240x128xf32, #tpu.memory_space<vmem_shared>>
          tpu.enqueue_indirect_dma source(%dma_start3A_154 : memref<128x128xf32, #tpu.memory_space<vmem>>) target(%dma_start3A_160 : memref<10240x128xf32, #tpu.memory_space<vmem_shared>>) offsets(%dma_start3A_157 : memref<128xi32, #tpu.memory_space<vmem>>) semaphore(%run_scoped3A_150 : memref<!tpu.dma_semaphore, #tpu.memory_space<semaphore_mem>>) {add = true}
          %dma_wait3A_161 = arith.constant 0 : i32
          %dma_wait3A_162 = arith.constant 0 : i32
          %dma_wait3A_163 = tpu.memref_slice %arg9[%run_scoped3A_149, %dma_wait3A_161, %dma_wait3A_162] : memref<2x128x128xf32, #tpu.memory_space<vmem>> -> memref<1x128x128xf32, #tpu.memory_space<vmem>>
          %dma_wait3A_164 = tpu.memref_squeeze %dma_wait3A_163 : memref<1x128x128xf32, #tpu.memory_space<vmem>> -> memref<128x128xf32, #tpu.memory_space<vmem>>
          %dma_wait3A_165 = arith.constant 0 : i32
          %dma_wait3A_166 = tpu.memref_slice %arg8[%add3A_130, %dma_wait3A_165] : memref<56x128xi32, #tpu.memory_space<vmem>> -> memref<1x128xi32, #tpu.memory_space<vmem>>
          %dma_wait3A_167 = tpu.memref_squeeze %dma_wait3A_166 : memref<1x128xi32, #tpu.memory_space<vmem>> -> memref<128xi32, #tpu.memory_space<vmem>>
          %dma_wait3A_168 = arith.constant 0 : i32
          %dma_wait3A_169 = arith.constant 0 : i32
          %dma_wait3A_170 = tpu.memref_slice %arg10[%dma_wait3A_168, %dma_wait3A_169] : memref<10240x128xf32, #tpu.memory_space<vmem_shared>> -> memref<10240x128xf32, #tpu.memory_space<vmem_shared>>
          tpu.wait_indirect_dma semaphore(%run_scoped3A_150 : memref<!tpu.dma_semaphore, #tpu.memory_space<semaphore_mem>>) src(%dma_wait3A_164 : memref<128x128xf32, #tpu.memory_space<vmem>>) dst(%dma_wait3A_170 : memref<10240x128xf32, #tpu.memory_space<vmem_shared>>)
          tpu.yield
        }) : () -> ()
      }
    } else {
    }
    %barrier3A_55 = arith.constant 0 : index
    tpu.barrier barrier_id(%barrier3A_55)
    %mul3A_56 = arith.constant 640 : i32
    %mul3A_57 = arith.muli %arg1, %mul3A_56 : i32
    %mul3A_58 = arith.constant 640 : i32
    %mul3A_59 = arith.muli %arg1, %mul3A_58 : i32
    "tpu.region"() ({
      %run_scoped3A_60 = tpu.sem_alloc : memref<!tpu.dma_semaphore, #tpu.memory_space<semaphore_mem>>
      %dma_start3A = arith.constant 0 : i32
      %dma_start3A_61 = tpu.memref_slice %arg6[%arg0, %mul3A_59, %dma_start3A] : memref<2x10240x128xf32, #tpu.memory_space<hbm>> -> memref<1x640x128xf32, #tpu.memory_space<hbm>>
      %dma_start3A_62 = tpu.memref_squeeze %dma_start3A_61 : memref<1x640x128xf32, #tpu.memory_space<hbm>> -> memref<640x128xf32, #tpu.memory_space<hbm>>
      %dma_start3A_63 = arith.constant 0 : i32
      %dma_start3A_64 = tpu.memref_slice %arg10[%mul3A_57, %dma_start3A_63] : memref<10240x128xf32, #tpu.memory_space<vmem_shared>> -> memref<640x128xf32, #tpu.memory_space<vmem_shared>>
      tpu.enqueue_dma source(%dma_start3A_64 : memref<640x128xf32, #tpu.memory_space<vmem_shared>>) target(%dma_start3A_62 : memref<640x128xf32, #tpu.memory_space<hbm>>) target_semaphore(%run_scoped3A_60 : memref<!tpu.dma_semaphore, #tpu.memory_space<semaphore_mem>>)
      %dma_wait3A = arith.constant 0 : i32
      %dma_wait3A_65 = tpu.memref_slice %arg6[%arg0, %mul3A_59, %dma_wait3A] : memref<2x10240x128xf32, #tpu.memory_space<hbm>> -> memref<1x640x128xf32, #tpu.memory_space<hbm>>
      %dma_wait3A_66 = tpu.memref_squeeze %dma_wait3A_65 : memref<1x640x128xf32, #tpu.memory_space<hbm>> -> memref<640x128xf32, #tpu.memory_space<hbm>>
      %dma_wait3A_67 = arith.constant 0 : i32
      %dma_wait3A_68 = tpu.memref_slice %arg10[%mul3A_57, %dma_wait3A_67] : memref<10240x128xf32, #tpu.memory_space<vmem_shared>> -> memref<640x128xf32, #tpu.memory_space<vmem_shared>>
      tpu.wait_dma2 semaphore(%run_scoped3A_60 : memref<!tpu.dma_semaphore, #tpu.memory_space<semaphore_mem>>) src(%dma_wait3A_68 : memref<640x128xf32, #tpu.memory_space<vmem_shared>>) dst(%dma_wait3A_66 : memref<640x128xf32, #tpu.memory_space<hbm>>)
      tpu.yield
    }) : () -> ()
    return
  }
}

#map = affine_map<(d0, d1) -> (0, 0)>
#map1 = affine_map<(d0, d1) -> (0, 0, 0)>
module attributes {stable_mosaic.version = 14 : i64} {
  func.func @_sc_segsum_body(%arg0: i32, %arg1: i32, %arg2: memref<2672x128xi32, #tpu.memory_space<hbm>>, %arg3: memref<2672x128xi32, #tpu.memory_space<hbm>>, %arg4: memref<10240x128xf32, #tpu.memory_space<hbm>>, %arg5: memref<32x80x128xf32, #tpu.memory_space<hbm>>, %arg6: memref<2x10240x128xf32, #tpu.memory_space<hbm>>, %arg7: memref<56x128xi32, #tpu.memory_space<vmem>>, %arg8: memref<56x128xi32, #tpu.memory_space<vmem>>, %arg9: memref<2x128x128xf32, #tpu.memory_space<vmem>>, %arg10: memref<10240x128xf32, #tpu.memory_space<vmem_shared>>, %arg11: memref<!tpu.dma_semaphore, #tpu.memory_space<semaphore_mem>>) attributes {dimension_semantics = [#tpu.dimension_semantics<core_parallel>, #tpu.dimension_semantics<subcore_parallel>], iteration_bounds = array<i64: 2, 16>, scalar_prefetch = 0 : i64, scratch_operands = 5 : i64, tpu.core_type = #tpu.core_type<sc_vector_subcore>, window_params = [{transform_indices = #map}, {transform_indices = #map}, {transform_indices = #map}, {transform_indices = #map1}, {transform_indices = #map1}]} {
    %eq3A = arith.constant 0 : i32
    %eq3A_0 = arith.cmpi eq, %arg0, %eq3A : i32
    %mul3A = arith.constant 80 : i32
    %mul3A_1 = arith.muli %arg1, %mul3A : i32
    %mul3A_2 = arith.constant 80 : i32
    %mul3A_3 = arith.muli %arg1, %mul3A_2 : i32
    %add3A = arith.constant 1280 : i32
    %add3A_4 = arith.addi %add3A, %mul3A_3 : i32
    %select_n3A = arith.select %eq3A_0, %mul3A_1, %add3A_4 : i32
    %eq3A_5 = arith.constant 0 : i32
    %eq3A_6 = arith.cmpi eq, %arg0, %eq3A_5 : i32
    %jit3A = arith.constant 80 : i32
    %jit3A_7 = arith.constant 80 : i32
    %select_n3A_8 = arith.select %eq3A_6, %jit3A, %jit3A_7 : i32
    %broadcast_in_dim3A = arith.constant 0.000000e+00 : f32
    %broadcast_in_dim3A_9 = vector.broadcast %broadcast_in_dim3A : f32 to vector<16xf32>
    %scan3A = arith.constant 0 : i32
    %scan3A_10 = arith.constant 0 : i32
    %scan3A_11 = arith.constant 128 : i32
    %scan3A_12 = arith.addi %scan3A_10, %scan3A_11 : i32
    %scan3A_13 = arith.constant 1 : i32
    scf.for %scan3A_60 = %scan3A_10 to %scan3A_12 step %scan3A_13  : i32 {
      %swap3A = arith.constant 0 : i32
      %swap3A_61 = arith.index_cast %swap3A : i32 to index
      %swap3A_62 = arith.index_cast %scan3A_60 : i32 to index
      %swap3A_63 = arith.constant 0 : index
      %swap3A_64 = tpu.vector_load %arg9[%swap3A_61, %swap3A_62, %swap3A_63] {strides = array<i32>} : memref<2x128x128xf32, #tpu.memory_space<vmem>>, vector<16xf32>,
      tpu.vector_store %arg9[%swap3A_61, %swap3A_62, %swap3A_63], %broadcast_in_dim3A_9 {strides = array<i32>} : memref<2x128x128xf32, #tpu.memory_space<vmem>>, vector<16xf32>,
      %swap3A_65 = arith.constant 0 : i32
      %swap3A_66 = arith.index_cast %swap3A_65 : i32 to index
      %swap3A_67 = arith.index_cast %scan3A_60 : i32 to index
      %swap3A_68 = arith.constant 16 : index
      %swap3A_69 = tpu.vector_load %arg9[%swap3A_66, %swap3A_67, %swap3A_68] {strides = array<i32>} : memref<2x128x128xf32, #tpu.memory_space<vmem>>, vector<16xf32>,
      tpu.vector_store %arg9[%swap3A_66, %swap3A_67, %swap3A_68], %broadcast_in_dim3A_9 {strides = array<i32>} : memref<2x128x128xf32, #tpu.memory_space<vmem>>, vector<16xf32>,
      %swap3A_70 = arith.constant 0 : i32
      %swap3A_71 = arith.index_cast %swap3A_70 : i32 to index
      %swap3A_72 = arith.index_cast %scan3A_60 : i32 to index
      %swap3A_73 = arith.constant 32 : index
      %swap3A_74 = tpu.vector_load %arg9[%swap3A_71, %swap3A_72, %swap3A_73] {strides = array<i32>} : memref<2x128x128xf32, #tpu.memory_space<vmem>>, vector<16xf32>,
      tpu.vector_store %arg9[%swap3A_71, %swap3A_72, %swap3A_73], %broadcast_in_dim3A_9 {strides = array<i32>} : memref<2x128x128xf32, #tpu.memory_space<vmem>>, vector<16xf32>,
      %swap3A_75 = arith.constant 0 : i32
      %swap3A_76 = arith.index_cast %swap3A_75 : i32 to index
      %swap3A_77 = arith.index_cast %scan3A_60 : i32 to index
      %swap3A_78 = arith.constant 48 : index
      %swap3A_79 = tpu.vector_load %arg9[%swap3A_76, %swap3A_77, %swap3A_78] {strides = array<i32>} : memref<2x128x128xf32, #tpu.memory_space<vmem>>, vector<16xf32>,
      tpu.vector_store %arg9[%swap3A_76, %swap3A_77, %swap3A_78], %broadcast_in_dim3A_9 {strides = array<i32>} : memref<2x128x128xf32, #tpu.memory_space<vmem>>, vector<16xf32>,
      %swap3A_80 = arith.constant 0 : i32
      %swap3A_81 = arith.index_cast %swap3A_80 : i32 to index
      %swap3A_82 = arith.index_cast %scan3A_60 : i32 to index
      %swap3A_83 = arith.constant 64 : index
      %swap3A_84 = tpu.vector_load %arg9[%swap3A_81, %swap3A_82, %swap3A_83] {strides = array<i32>} : memref<2x128x128xf32, #tpu.memory_space<vmem>>, vector<16xf32>,
      tpu.vector_store %arg9[%swap3A_81, %swap3A_82, %swap3A_83], %broadcast_in_dim3A_9 {strides = array<i32>} : memref<2x128x128xf32, #tpu.memory_space<vmem>>, vector<16xf32>,
      %swap3A_85 = arith.constant 0 : i32
      %swap3A_86 = arith.index_cast %swap3A_85 : i32 to index
      %swap3A_87 = arith.index_cast %scan3A_60 : i32 to index
      %swap3A_88 = arith.constant 80 : index
      %swap3A_89 = tpu.vector_load %arg9[%swap3A_86, %swap3A_87, %swap3A_88] {strides = array<i32>} : memref<2x128x128xf32, #tpu.memory_space<vmem>>, vector<16xf32>,
      tpu.vector_store %arg9[%swap3A_86, %swap3A_87, %swap3A_88], %broadcast_in_dim3A_9 {strides = array<i32>} : memref<2x128x128xf32, #tpu.memory_space<vmem>>, vector<16xf32>,
      %swap3A_90 = arith.constant 0 : i32
      %swap3A_91 = arith.index_cast %swap3A_90 : i32 to index
      %swap3A_92 = arith.index_cast %scan3A_60 : i32 to index
      %swap3A_93 = arith.constant 96 : index
      %swap3A_94 = tpu.vector_load %arg9[%swap3A_91, %swap3A_92, %swap3A_93] {strides = array<i32>} : memref<2x128x128xf32, #tpu.memory_space<vmem>>, vector<16xf32>,
      tpu.vector_store %arg9[%swap3A_91, %swap3A_92, %swap3A_93], %broadcast_in_dim3A_9 {strides = array<i32>} : memref<2x128x128xf32, #tpu.memory_space<vmem>>, vector<16xf32>,
      %swap3A_95 = arith.constant 0 : i32
      %swap3A_96 = arith.index_cast %swap3A_95 : i32 to index
      %swap3A_97 = arith.index_cast %scan3A_60 : i32 to index
      %swap3A_98 = arith.constant 112 : index
      %swap3A_99 = tpu.vector_load %arg9[%swap3A_96, %swap3A_97, %swap3A_98] {strides = array<i32>} : memref<2x128x128xf32, #tpu.memory_space<vmem>>, vector<16xf32>,
      tpu.vector_store %arg9[%swap3A_96, %swap3A_97, %swap3A_98], %broadcast_in_dim3A_9 {strides = array<i32>} : memref<2x128x128xf32, #tpu.memory_space<vmem>>, vector<16xf32>,
    }
    %scan3A_14 = arith.constant 128 : i32
    %mul3A_15 = arith.constant 640 : i32
    %mul3A_16 = arith.muli %arg1, %mul3A_15 : i32
    %add3A_17 = arith.constant 0 : i32
    %add3A_18 = arith.addi %mul3A_16, %add3A_17 : i32
    %run_scoped3A = arith.constant 0 : i32
    "tpu.region"() ({
      %run_scoped3A_60 = tpu.sem_alloc : memref<!tpu.dma_semaphore, #tpu.memory_space<semaphore_mem>>
      %dma_start3A = arith.constant 0 : i32
      %dma_start3A_61 = arith.constant 0 : i32
      %dma_start3A_62 = tpu.memref_slice %arg9[%run_scoped3A, %dma_start3A, %dma_start3A_61] : memref<2x128x128xf32, #tpu.memory_space<vmem>> -> memref<1x128x128xf32, #tpu.memory_space<vmem>>
      %dma_start3A_63 = tpu.memref_squeeze %dma_start3A_62 : memref<1x128x128xf32, #tpu.memory_space<vmem>> -> memref<128x128xf32, #tpu.memory_space<vmem>>
      %dma_start3A_64 = arith.constant 0 : i32
      %dma_start3A_65 = tpu.memref_slice %arg10[%add3A_18, %dma_start3A_64] : memref<10240x128xf32, #tpu.memory_space<vmem_shared>> -> memref<128x128xf32, #tpu.memory_space<vmem_shared>>
      %dma_start3A_66 = arith.constant 0 : i32
      %dma_start3A_67 = tpu.memref_slice %arg10[%add3A_18, %dma_start3A_66] : memref<10240x128xf32, #tpu.memory_space<vmem_shared>> -> memref<128x128xf32, #tpu.memory_space<vmem_shared>>
      %dma_start3A_68 = arith.constant 0 : i32
      %dma_start3A_69 = arith.constant 0 : i32
      %dma_start3A_70 = tpu.memref_slice %arg9[%run_scoped3A, %dma_start3A_68, %dma_start3A_69] : memref<2x128x128xf32, #tpu.memory_space<vmem>> -> memref<1x128x128xf32, #tpu.memory_space<vmem>>
      %dma_start3A_71 = tpu.memref_squeeze %dma_start3A_70 : memref<1x128x128xf32, #tpu.memory_space<vmem>> -> memref<128x128xf32, #tpu.memory_space<vmem>>
      tpu.enqueue_dma source(%dma_start3A_71 : memref<128x128xf32, #tpu.memory_space<vmem>>) target(%dma_start3A_67 : memref<128x128xf32, #tpu.memory_space<vmem_shared>>) target_semaphore(%run_scoped3A_60 : memref<!tpu.dma_semaphore, #tpu.memory_space<semaphore_mem>>)
      %dma_wait3A = arith.constant 0 : i32
      %dma_wait3A_72 = arith.constant 0 : i32
      %dma_wait3A_73 = tpu.memref_slice %arg9[%run_scoped3A, %dma_wait3A, %dma_wait3A_72] : memref<2x128x128xf32, #tpu.memory_space<vmem>> -> memref<1x128x128xf32, #tpu.memory_space<vmem>>
      %dma_wait3A_74 = tpu.memref_squeeze %dma_wait3A_73 : memref<1x128x128xf32, #tpu.memory_space<vmem>> -> memref<128x128xf32, #tpu.memory_space<vmem>>
      %dma_wait3A_75 = arith.constant 0 : i32
      %dma_wait3A_76 = tpu.memref_slice %arg10[%add3A_18, %dma_wait3A_75] : memref<10240x128xf32, #tpu.memory_space<vmem_shared>> -> memref<128x128xf32, #tpu.memory_space<vmem_shared>>
      %dma_wait3A_77 = arith.constant 0 : i32
      %dma_wait3A_78 = tpu.memref_slice %arg10[%add3A_18, %dma_wait3A_77] : memref<10240x128xf32, #tpu.memory_space<vmem_shared>> -> memref<128x128xf32, #tpu.memory_space<vmem_shared>>
      %dma_wait3A_79 = arith.constant 0 : i32
      %dma_wait3A_80 = arith.constant 0 : i32
      %dma_wait3A_81 = tpu.memref_slice %arg9[%run_scoped3A, %dma_wait3A_79, %dma_wait3A_80] : memref<2x128x128xf32, #tpu.memory_space<vmem>> -> memref<1x128x128xf32, #tpu.memory_space<vmem>>
      %dma_wait3A_82 = tpu.memref_squeeze %dma_wait3A_81 : memref<1x128x128xf32, #tpu.memory_space<vmem>> -> memref<128x128xf32, #tpu.memory_space<vmem>>
      tpu.wait_dma2 semaphore(%run_scoped3A_60 : memref<!tpu.dma_semaphore, #tpu.memory_space<semaphore_mem>>) src(%dma_wait3A_82 : memref<128x128xf32, #tpu.memory_space<vmem>>) dst(%dma_wait3A_78 : memref<128x128xf32, #tpu.memory_space<vmem_shared>>)
      tpu.yield
    }) : () -> ()
    %mul3A_19 = arith.constant 640 : i32
    %mul3A_20 = arith.muli %arg1, %mul3A_19 : i32
    %add3A_21 = arith.constant 128 : i32
    %add3A_22 = arith.addi %mul3A_20, %add3A_21 : i32
    %run_scoped3A_23 = arith.constant 0 : i32
    "tpu.region"() ({
      %run_scoped3A_60 = tpu.sem_alloc : memref<!tpu.dma_semaphore, #tpu.memory_space<semaphore_mem>>
      %dma_start3A = arith.constant 0 : i32
      %dma_start3A_61 = arith.constant 0 : i32
      %dma_start3A_62 = tpu.memref_slice %arg9[%run_scoped3A_23, %dma_start3A, %dma_start3A_61] : memref<2x128x128xf32, #tpu.memory_space<vmem>> -> memref<1x128x128xf32, #tpu.memory_space<vmem>>
      %dma_start3A_63 = tpu.memref_squeeze %dma_start3A_62 : memref<1x128x128xf32, #tpu.memory_space<vmem>> -> memref<128x128xf32, #tpu.memory_space<vmem>>
      %dma_start3A_64 = arith.constant 0 : i32
      %dma_start3A_65 = tpu.memref_slice %arg10[%add3A_22, %dma_start3A_64] : memref<10240x128xf32, #tpu.memory_space<vmem_shared>> -> memref<128x128xf32, #tpu.memory_space<vmem_shared>>
      %dma_start3A_66 = arith.constant 0 : i32
      %dma_start3A_67 = tpu.memref_slice %arg10[%add3A_22, %dma_start3A_66] : memref<10240x128xf32, #tpu.memory_space<vmem_shared>> -> memref<128x128xf32, #tpu.memory_space<vmem_shared>>
      %dma_start3A_68 = arith.constant 0 : i32
      %dma_start3A_69 = arith.constant 0 : i32
      %dma_start3A_70 = tpu.memref_slice %arg9[%run_scoped3A_23, %dma_start3A_68, %dma_start3A_69] : memref<2x128x128xf32, #tpu.memory_space<vmem>> -> memref<1x128x128xf32, #tpu.memory_space<vmem>>
      %dma_start3A_71 = tpu.memref_squeeze %dma_start3A_70 : memref<1x128x128xf32, #tpu.memory_space<vmem>> -> memref<128x128xf32, #tpu.memory_space<vmem>>
      tpu.enqueue_dma source(%dma_start3A_71 : memref<128x128xf32, #tpu.memory_space<vmem>>) target(%dma_start3A_67 : memref<128x128xf32, #tpu.memory_space<vmem_shared>>) target_semaphore(%run_scoped3A_60 : memref<!tpu.dma_semaphore, #tpu.memory_space<semaphore_mem>>)
      %dma_wait3A = arith.constant 0 : i32
      %dma_wait3A_72 = arith.constant 0 : i32
      %dma_wait3A_73 = tpu.memref_slice %arg9[%run_scoped3A_23, %dma_wait3A, %dma_wait3A_72] : memref<2x128x128xf32, #tpu.memory_space<vmem>> -> memref<1x128x128xf32, #tpu.memory_space<vmem>>
      %dma_wait3A_74 = tpu.memref_squeeze %dma_wait3A_73 : memref<1x128x128xf32, #tpu.memory_space<vmem>> -> memref<128x128xf32, #tpu.memory_space<vmem>>
      %dma_wait3A_75 = arith.constant 0 : i32
      %dma_wait3A_76 = tpu.memref_slice %arg10[%add3A_22, %dma_wait3A_75] : memref<10240x128xf32, #tpu.memory_space<vmem_shared>> -> memref<128x128xf32, #tpu.memory_space<vmem_shared>>
      %dma_wait3A_77 = arith.constant 0 : i32
      %dma_wait3A_78 = tpu.memref_slice %arg10[%add3A_22, %dma_wait3A_77] : memref<10240x128xf32, #tpu.memory_space<vmem_shared>> -> memref<128x128xf32, #tpu.memory_space<vmem_shared>>
      %dma_wait3A_79 = arith.constant 0 : i32
      %dma_wait3A_80 = arith.constant 0 : i32
      %dma_wait3A_81 = tpu.memref_slice %arg9[%run_scoped3A_23, %dma_wait3A_79, %dma_wait3A_80] : memref<2x128x128xf32, #tpu.memory_space<vmem>> -> memref<1x128x128xf32, #tpu.memory_space<vmem>>
      %dma_wait3A_82 = tpu.memref_squeeze %dma_wait3A_81 : memref<1x128x128xf32, #tpu.memory_space<vmem>> -> memref<128x128xf32, #tpu.memory_space<vmem>>
      tpu.wait_dma2 semaphore(%run_scoped3A_60 : memref<!tpu.dma_semaphore, #tpu.memory_space<semaphore_mem>>) src(%dma_wait3A_82 : memref<128x128xf32, #tpu.memory_space<vmem>>) dst(%dma_wait3A_78 : memref<128x128xf32, #tpu.memory_space<vmem_shared>>)
      tpu.yield
    }) : () -> ()
    %mul3A_24 = arith.constant 640 : i32
    %mul3A_25 = arith.muli %arg1, %mul3A_24 : i32
    %add3A_26 = arith.constant 256 : i32
    %add3A_27 = arith.addi %mul3A_25, %add3A_26 : i32
    %run_scoped3A_28 = arith.constant 0 : i32
    "tpu.region"() ({
      %run_scoped3A_60 = tpu.sem_alloc : memref<!tpu.dma_semaphore, #tpu.memory_space<semaphore_mem>>
      %dma_start3A = arith.constant 0 : i32
      %dma_start3A_61 = arith.constant 0 : i32
      %dma_start3A_62 = tpu.memref_slice %arg9[%run_scoped3A_28, %dma_start3A, %dma_start3A_61] : memref<2x128x128xf32, #tpu.memory_space<vmem>> -> memref<1x128x128xf32, #tpu.memory_space<vmem>>
      %dma_start3A_63 = tpu.memref_squeeze %dma_start3A_62 : memref<1x128x128xf32, #tpu.memory_space<vmem>> -> memref<128x128xf32, #tpu.memory_space<vmem>>
      %dma_start3A_64 = arith.constant 0 : i32
      %dma_start3A_65 = tpu.memref_slice %arg10[%add3A_27, %dma_start3A_64] : memref<10240x128xf32, #tpu.memory_space<vmem_shared>> -> memref<128x128xf32, #tpu.memory_space<vmem_shared>>
      %dma_start3A_66 = arith.constant 0 : i32
      %dma_start3A_67 = tpu.memref_slice %arg10[%add3A_27, %dma_start3A_66] : memref<10240x128xf32, #tpu.memory_space<vmem_shared>> -> memref<128x128xf32, #tpu.memory_space<vmem_shared>>
      %dma_start3A_68 = arith.constant 0 : i32
      %dma_start3A_69 = arith.constant 0 : i32
      %dma_start3A_70 = tpu.memref_slice %arg9[%run_scoped3A_28, %dma_start3A_68, %dma_start3A_69] : memref<2x128x128xf32, #tpu.memory_space<vmem>> -> memref<1x128x128xf32, #tpu.memory_space<vmem>>
      %dma_start3A_71 = tpu.memref_squeeze %dma_start3A_70 : memref<1x128x128xf32, #tpu.memory_space<vmem>> -> memref<128x128xf32, #tpu.memory_space<vmem>>
      tpu.enqueue_dma source(%dma_start3A_71 : memref<128x128xf32, #tpu.memory_space<vmem>>) target(%dma_start3A_67 : memref<128x128xf32, #tpu.memory_space<vmem_shared>>) target_semaphore(%run_scoped3A_60 : memref<!tpu.dma_semaphore, #tpu.memory_space<semaphore_mem>>)
      %dma_wait3A = arith.constant 0 : i32
      %dma_wait3A_72 = arith.constant 0 : i32
      %dma_wait3A_73 = tpu.memref_slice %arg9[%run_scoped3A_28, %dma_wait3A, %dma_wait3A_72] : memref<2x128x128xf32, #tpu.memory_space<vmem>> -> memref<1x128x128xf32, #tpu.memory_space<vmem>>
      %dma_wait3A_74 = tpu.memref_squeeze %dma_wait3A_73 : memref<1x128x128xf32, #tpu.memory_space<vmem>> -> memref<128x128xf32, #tpu.memory_space<vmem>>
      %dma_wait3A_75 = arith.constant 0 : i32
      %dma_wait3A_76 = tpu.memref_slice %arg10[%add3A_27, %dma_wait3A_75] : memref<10240x128xf32, #tpu.memory_space<vmem_shared>> -> memref<128x128xf32, #tpu.memory_space<vmem_shared>>
      %dma_wait3A_77 = arith.constant 0 : i32
      %dma_wait3A_78 = tpu.memref_slice %arg10[%add3A_27, %dma_wait3A_77] : memref<10240x128xf32, #tpu.memory_space<vmem_shared>> -> memref<128x128xf32, #tpu.memory_space<vmem_shared>>
      %dma_wait3A_79 = arith.constant 0 : i32
      %dma_wait3A_80 = arith.constant 0 : i32
      %dma_wait3A_81 = tpu.memref_slice %arg9[%run_scoped3A_28, %dma_wait3A_79, %dma_wait3A_80] : memref<2x128x128xf32, #tpu.memory_space<vmem>> -> memref<1x128x128xf32, #tpu.memory_space<vmem>>
      %dma_wait3A_82 = tpu.memref_squeeze %dma_wait3A_81 : memref<1x128x128xf32, #tpu.memory_space<vmem>> -> memref<128x128xf32, #tpu.memory_space<vmem>>
      tpu.wait_dma2 semaphore(%run_scoped3A_60 : memref<!tpu.dma_semaphore, #tpu.memory_space<semaphore_mem>>) src(%dma_wait3A_82 : memref<128x128xf32, #tpu.memory_space<vmem>>) dst(%dma_wait3A_78 : memref<128x128xf32, #tpu.memory_space<vmem_shared>>)
      tpu.yield
    }) : () -> ()
    %mul3A_29 = arith.constant 640 : i32
    %mul3A_30 = arith.muli %arg1, %mul3A_29 : i32
    %add3A_31 = arith.constant 384 : i32
    %add3A_32 = arith.addi %mul3A_30, %add3A_31 : i32
    %run_scoped3A_33 = arith.constant 0 : i32
    "tpu.region"() ({
      %run_scoped3A_60 = tpu.sem_alloc : memref<!tpu.dma_semaphore, #tpu.memory_space<semaphore_mem>>
      %dma_start3A = arith.constant 0 : i32
      %dma_start3A_61 = arith.constant 0 : i32
      %dma_start3A_62 = tpu.memref_slice %arg9[%run_scoped3A_33, %dma_start3A, %dma_start3A_61] : memref<2x128x128xf32, #tpu.memory_space<vmem>> -> memref<1x128x128xf32, #tpu.memory_space<vmem>>
      %dma_start3A_63 = tpu.memref_squeeze %dma_start3A_62 : memref<1x128x128xf32, #tpu.memory_space<vmem>> -> memref<128x128xf32, #tpu.memory_space<vmem>>
      %dma_start3A_64 = arith.constant 0 : i32
      %dma_start3A_65 = tpu.memref_slice %arg10[%add3A_32, %dma_start3A_64] : memref<10240x128xf32, #tpu.memory_space<vmem_shared>> -> memref<128x128xf32, #tpu.memory_space<vmem_shared>>
      %dma_start3A_66 = arith.constant 0 : i32
      %dma_start3A_67 = tpu.memref_slice %arg10[%add3A_32, %dma_start3A_66] : memref<10240x128xf32, #tpu.memory_space<vmem_shared>> -> memref<128x128xf32, #tpu.memory_space<vmem_shared>>
      %dma_start3A_68 = arith.constant 0 : i32
      %dma_start3A_69 = arith.constant 0 : i32
      %dma_start3A_70 = tpu.memref_slice %arg9[%run_scoped3A_33, %dma_start3A_68, %dma_start3A_69] : memref<2x128x128xf32, #tpu.memory_space<vmem>> -> memref<1x128x128xf32, #tpu.memory_space<vmem>>
      %dma_start3A_71 = tpu.memref_squeeze %dma_start3A_70 : memref<1x128x128xf32, #tpu.memory_space<vmem>> -> memref<128x128xf32, #tpu.memory_space<vmem>>
      tpu.enqueue_dma source(%dma_start3A_71 : memref<128x128xf32, #tpu.memory_space<vmem>>) target(%dma_start3A_67 : memref<128x128xf32, #tpu.memory_space<vmem_shared>>) target_semaphore(%run_scoped3A_60 : memref<!tpu.dma_semaphore, #tpu.memory_space<semaphore_mem>>)
      %dma_wait3A = arith.constant 0 : i32
      %dma_wait3A_72 = arith.constant 0 : i32
      %dma_wait3A_73 = tpu.memref_slice %arg9[%run_scoped3A_33, %dma_wait3A, %dma_wait3A_72] : memref<2x128x128xf32, #tpu.memory_space<vmem>> -> memref<1x128x128xf32, #tpu.memory_space<vmem>>
      %dma_wait3A_74 = tpu.memref_squeeze %dma_wait3A_73 : memref<1x128x128xf32, #tpu.memory_space<vmem>> -> memref<128x128xf32, #tpu.memory_space<vmem>>
      %dma_wait3A_75 = arith.constant 0 : i32
      %dma_wait3A_76 = tpu.memref_slice %arg10[%add3A_32, %dma_wait3A_75] : memref<10240x128xf32, #tpu.memory_space<vmem_shared>> -> memref<128x128xf32, #tpu.memory_space<vmem_shared>>
      %dma_wait3A_77 = arith.constant 0 : i32
      %dma_wait3A_78 = tpu.memref_slice %arg10[%add3A_32, %dma_wait3A_77] : memref<10240x128xf32, #tpu.memory_space<vmem_shared>> -> memref<128x128xf32, #tpu.memory_space<vmem_shared>>
      %dma_wait3A_79 = arith.constant 0 : i32
      %dma_wait3A_80 = arith.constant 0 : i32
      %dma_wait3A_81 = tpu.memref_slice %arg9[%run_scoped3A_33, %dma_wait3A_79, %dma_wait3A_80] : memref<2x128x128xf32, #tpu.memory_space<vmem>> -> memref<1x128x128xf32, #tpu.memory_space<vmem>>
      %dma_wait3A_82 = tpu.memref_squeeze %dma_wait3A_81 : memref<1x128x128xf32, #tpu.memory_space<vmem>> -> memref<128x128xf32, #tpu.memory_space<vmem>>
      tpu.wait_dma2 semaphore(%run_scoped3A_60 : memref<!tpu.dma_semaphore, #tpu.memory_space<semaphore_mem>>) src(%dma_wait3A_82 : memref<128x128xf32, #tpu.memory_space<vmem>>) dst(%dma_wait3A_78 : memref<128x128xf32, #tpu.memory_space<vmem_shared>>)
      tpu.yield
    }) : () -> ()
    %mul3A_34 = arith.constant 640 : i32
    %mul3A_35 = arith.muli %arg1, %mul3A_34 : i32
    %add3A_36 = arith.constant 512 : i32
    %add3A_37 = arith.addi %mul3A_35, %add3A_36 : i32
    %run_scoped3A_38 = arith.constant 0 : i32
    "tpu.region"() ({
      %run_scoped3A_60 = tpu.sem_alloc : memref<!tpu.dma_semaphore, #tpu.memory_space<semaphore_mem>>
      %dma_start3A = arith.constant 0 : i32
      %dma_start3A_61 = arith.constant 0 : i32
      %dma_start3A_62 = tpu.memref_slice %arg9[%run_scoped3A_38, %dma_start3A, %dma_start3A_61] : memref<2x128x128xf32, #tpu.memory_space<vmem>> -> memref<1x128x128xf32, #tpu.memory_space<vmem>>
      %dma_start3A_63 = tpu.memref_squeeze %dma_start3A_62 : memref<1x128x128xf32, #tpu.memory_space<vmem>> -> memref<128x128xf32, #tpu.memory_space<vmem>>
      %dma_start3A_64 = arith.constant 0 : i32
      %dma_start3A_65 = tpu.memref_slice %arg10[%add3A_37, %dma_start3A_64] : memref<10240x128xf32, #tpu.memory_space<vmem_shared>> -> memref<128x128xf32, #tpu.memory_space<vmem_shared>>
      %dma_start3A_66 = arith.constant 0 : i32
      %dma_start3A_67 = tpu.memref_slice %arg10[%add3A_37, %dma_start3A_66] : memref<10240x128xf32, #tpu.memory_space<vmem_shared>> -> memref<128x128xf32, #tpu.memory_space<vmem_shared>>
      %dma_start3A_68 = arith.constant 0 : i32
      %dma_start3A_69 = arith.constant 0 : i32
      %dma_start3A_70 = tpu.memref_slice %arg9[%run_scoped3A_38, %dma_start3A_68, %dma_start3A_69] : memref<2x128x128xf32, #tpu.memory_space<vmem>> -> memref<1x128x128xf32, #tpu.memory_space<vmem>>
      %dma_start3A_71 = tpu.memref_squeeze %dma_start3A_70 : memref<1x128x128xf32, #tpu.memory_space<vmem>> -> memref<128x128xf32, #tpu.memory_space<vmem>>
      tpu.enqueue_dma source(%dma_start3A_71 : memref<128x128xf32, #tpu.memory_space<vmem>>) target(%dma_start3A_67 : memref<128x128xf32, #tpu.memory_space<vmem_shared>>) target_semaphore(%run_scoped3A_60 : memref<!tpu.dma_semaphore, #tpu.memory_space<semaphore_mem>>)
      %dma_wait3A = arith.constant 0 : i32
      %dma_wait3A_72 = arith.constant 0 : i32
      %dma_wait3A_73 = tpu.memref_slice %arg9[%run_scoped3A_38, %dma_wait3A, %dma_wait3A_72] : memref<2x128x128xf32, #tpu.memory_space<vmem>> -> memref<1x128x128xf32, #tpu.memory_space<vmem>>
      %dma_wait3A_74 = tpu.memref_squeeze %dma_wait3A_73 : memref<1x128x128xf32, #tpu.memory_space<vmem>> -> memref<128x128xf32, #tpu.memory_space<vmem>>
      %dma_wait3A_75 = arith.constant 0 : i32
      %dma_wait3A_76 = tpu.memref_slice %arg10[%add3A_37, %dma_wait3A_75] : memref<10240x128xf32, #tpu.memory_space<vmem_shared>> -> memref<128x128xf32, #tpu.memory_space<vmem_shared>>
      %dma_wait3A_77 = arith.constant 0 : i32
      %dma_wait3A_78 = tpu.memref_slice %arg10[%add3A_37, %dma_wait3A_77] : memref<10240x128xf32, #tpu.memory_space<vmem_shared>> -> memref<128x128xf32, #tpu.memory_space<vmem_shared>>
      %dma_wait3A_79 = arith.constant 0 : i32
      %dma_wait3A_80 = arith.constant 0 : i32
      %dma_wait3A_81 = tpu.memref_slice %arg9[%run_scoped3A_38, %dma_wait3A_79, %dma_wait3A_80] : memref<2x128x128xf32, #tpu.memory_space<vmem>> -> memref<1x128x128xf32, #tpu.memory_space<vmem>>
      %dma_wait3A_82 = tpu.memref_squeeze %dma_wait3A_81 : memref<1x128x128xf32, #tpu.memory_space<vmem>> -> memref<128x128xf32, #tpu.memory_space<vmem>>
      tpu.wait_dma2 semaphore(%run_scoped3A_60 : memref<!tpu.dma_semaphore, #tpu.memory_space<semaphore_mem>>) src(%dma_wait3A_82 : memref<128x128xf32, #tpu.memory_space<vmem>>) dst(%dma_wait3A_78 : memref<128x128xf32, #tpu.memory_space<vmem_shared>>)
      tpu.yield
    }) : () -> ()
    %barrier3A = arith.constant 0 : index
    tpu.barrier barrier_id(%barrier3A)
    %sub3A = arith.constant 0 : i32
    %sub3A_39 = arith.subi %select_n3A_8, %sub3A : i32
    %jit3A_40 = arith.constant 0 : i32
    %jit3A_41 = arith.constant 56 : i32
    %max3A = arith.maxsi %jit3A_40, %sub3A_39 : i32
    %min3A = arith.minsi %jit3A_41, %max3A : i32
    %gt3A = arith.constant 0 : i32
    %gt3A_42 = arith.cmpi sgt, %min3A, %gt3A : i32
    %convert_element_type3A = arith.extui %gt3A_42 : i1 to i32
    %cond3A = arith.constant 0 : i32
    %cond3A_43 = arith.cmpi ne, %convert_element_type3A, %cond3A : i32
    scf.if %cond3A_43 {
      %add3A_60 = arith.constant 0 : i32
      %add3A_61 = arith.addi %select_n3A, %add3A_60 : i32
      "tpu.region"() ({
        %run_scoped3A_105 = tpu.sem_alloc : memref<!tpu.dma_semaphore, #tpu.memory_space<semaphore_mem>>
        %dma_start3A_106 = arith.constant 0 : i32
        %dma_start3A_107 = tpu.memref_slice %arg2[%add3A_61, %dma_start3A_106] : memref<2672x128xi32, #tpu.memory_space<hbm>> -> memref<56x128xi32, #tpu.memory_space<hbm>>
        %dma_start3A_108 = arith.constant 0 : i32
        %dma_start3A_109 = tpu.memref_slice %arg2[%add3A_61, %dma_start3A_108] : memref<2672x128xi32, #tpu.memory_space<hbm>> -> memref<56x128xi32, #tpu.memory_space<hbm>>
        tpu.enqueue_dma source(%dma_start3A_109 : memref<56x128xi32, #tpu.memory_space<hbm>>) target(%arg7 : memref<56x128xi32, #tpu.memory_space<vmem>>) target_semaphore(%run_scoped3A_105 : memref<!tpu.dma_semaphore, #tpu.memory_space<semaphore_mem>>)
        %dma_wait3A = arith.constant 0 : i32
        %dma_wait3A_110 = tpu.memref_slice %arg2[%add3A_61, %dma_wait3A] : memref<2672x128xi32, #tpu.memory_space<hbm>> -> memref<56x128xi32, #tpu.memory_space<hbm>>
        %dma_wait3A_111 = arith.constant 0 : i32
        %dma_wait3A_112 = tpu.memref_slice %arg2[%add3A_61, %dma_wait3A_111] : memref<2672x128xi32, #tpu.memory_space<hbm>> -> memref<56x128xi32, #tpu.memory_space<hbm>>
        tpu.wait_dma2 semaphore(%run_scoped3A_105 : memref<!tpu.dma_semaphore, #tpu.memory_space<semaphore_mem>>) src(%dma_wait3A_112 : memref<56x128xi32, #tpu.memory_space<hbm>>) dst(%arg7 : memref<56x128xi32, #tpu.memory_space<vmem>>)
        tpu.yield
      }) : () -> ()
      %add3A_62 = arith.constant 0 : i32
      %add3A_63 = arith.addi %select_n3A, %add3A_62 : i32
      "tpu.region"() ({
        %run_scoped3A_105 = tpu.sem_alloc : memref<!tpu.dma_semaphore, #tpu.memory_space<semaphore_mem>>
        %dma_start3A_106 = arith.constant 0 : i32
        %dma_start3A_107 = tpu.memref_slice %arg3[%add3A_63, %dma_start3A_106] : memref<2672x128xi32, #tpu.memory_space<hbm>> -> memref<56x128xi32, #tpu.memory_space<hbm>>
        %dma_start3A_108 = arith.constant 0 : i32
        %dma_start3A_109 = tpu.memref_slice %arg3[%add3A_63, %dma_start3A_108] : memref<2672x128xi32, #tpu.memory_space<hbm>> -> memref<56x128xi32, #tpu.memory_space<hbm>>
        tpu.enqueue_dma source(%dma_start3A_109 : memref<56x128xi32, #tpu.memory_space<hbm>>) target(%arg8 : memref<56x128xi32, #tpu.memory_space<vmem>>) target_semaphore(%run_scoped3A_105 : memref<!tpu.dma_semaphore, #tpu.memory_space<semaphore_mem>>)
        %dma_wait3A = arith.constant 0 : i32
        %dma_wait3A_110 = tpu.memref_slice %arg3[%add3A_63, %dma_wait3A] : memref<2672x128xi32, #tpu.memory_space<hbm>> -> memref<56x128xi32, #tpu.memory_space<hbm>>
        %dma_wait3A_111 = arith.constant 0 : i32
        %dma_wait3A_112 = tpu.memref_slice %arg3[%add3A_63, %dma_wait3A_111] : memref<2672x128xi32, #tpu.memory_space<hbm>> -> memref<56x128xi32, #tpu.memory_space<hbm>>
        tpu.wait_dma2 semaphore(%run_scoped3A_105 : memref<!tpu.dma_semaphore, #tpu.memory_space<semaphore_mem>>) src(%dma_wait3A_112 : memref<56x128xi32, #tpu.memory_space<hbm>>) dst(%arg8 : memref<56x128xi32, #tpu.memory_space<vmem>>)
        tpu.yield
      }) : () -> ()
      %dma_start3A = arith.constant 0 : i32
      %dma_start3A_64 = arith.constant 0 : i32
      %dma_start3A_65 = arith.constant 0 : i32
      %dma_start3A_66 = arith.constant 0 : i32
      %dma_start3A_67 = tpu.memref_slice %arg9[%dma_start3A_64, %dma_start3A_65, %dma_start3A_66] : memref<2x128x128xf32, #tpu.memory_space<vmem>> -> memref<1x128x128xf32, #tpu.memory_space<vmem>>
      %dma_start3A_68 = tpu.memref_squeeze %dma_start3A_67 : memref<1x128x128xf32, #tpu.memory_space<vmem>> -> memref<128x128xf32, #tpu.memory_space<vmem>>
      %dma_start3A_69 = arith.constant 0 : i32
      %dma_start3A_70 = tpu.memref_slice %arg7[%dma_start3A, %dma_start3A_69] : memref<56x128xi32, #tpu.memory_space<vmem>> -> memref<1x128xi32, #tpu.memory_space<vmem>>
      %dma_start3A_71 = tpu.memref_squeeze %dma_start3A_70 : memref<1x128xi32, #tpu.memory_space<vmem>> -> memref<128xi32, #tpu.memory_space<vmem>>
      %dma_start3A_72 = arith.constant 0 : i32
      %dma_start3A_73 = arith.constant 0 : i32
      %dma_start3A_74 = tpu.memref_slice %arg4[%dma_start3A_72, %dma_start3A_73] : memref<10240x128xf32, #tpu.memory_space<hbm>> -> memref<10240x128xf32, #tpu.memory_space<hbm>>
      tpu.enqueue_indirect_dma source(%dma_start3A_74 : memref<10240x128xf32, #tpu.memory_space<hbm>>) target(%dma_start3A_68 : memref<128x128xf32, #tpu.memory_space<vmem>>) offsets(%dma_start3A_71 : memref<128xi32, #tpu.memory_space<vmem>>) semaphore(%arg11 : memref<!tpu.dma_semaphore, #tpu.memory_space<semaphore_mem>>)
      %add3A_75 = arith.constant 1 : i32
      %add3A_76 = arith.addi %min3A, %add3A_75 : i32
      %jit3A_77 = arith.constant 2 : i32
      %div3A = arith.divsi %add3A_76, %jit3A_77 : i32
      %sign3A = arith.constant 0 : i32
      %sign3A_78 = arith.cmpi sgt, %add3A_76, %sign3A : i32
      %sign3A_79 = arith.extui %sign3A_78 : i1 to i32
      %sign3A_80 = arith.constant 0 : i32
      %sign3A_81 = arith.cmpi slt, %add3A_76, %sign3A_80 : i32
      %sign3A_82 = arith.extui %sign3A_81 : i1 to i32
      %sign3A_83 = arith.subi %sign3A_79, %sign3A_82 : i32
      %sign3A_84 = arith.constant 0 : i32
      %sign3A_85 = arith.cmpi sgt, %jit3A_77, %sign3A_84 : i32
      %sign3A_86 = arith.extui %sign3A_85 : i1 to i32
      %sign3A_87 = arith.constant 0 : i32
      %sign3A_88 = arith.cmpi slt, %jit3A_77, %sign3A_87 : i32
      %sign3A_89 = arith.extui %sign3A_88 : i1 to i32
      %sign3A_90 = arith.subi %sign3A_86, %sign3A_89 : i32
      %ne3A = arith.cmpi ne, %sign3A_83, %sign3A_90 : i32
      %rem3A = arith.remsi %add3A_76, %jit3A_77 : i32
      %ne3A_91 = arith.constant 0 : i32
      %ne3A_92 = arith.cmpi ne, %rem3A, %ne3A_91 : i32
      %and3A = arith.andi %ne3A, %ne3A_92 : i1
      %sub3A_93 = arith.constant 1 : i32
      %sub3A_94 = arith.subi %div3A, %sub3A_93 : i32
      %select_n3A_95 = arith.select %and3A, %sub3A_94, %div3A : i32
      %while3A = arith.constant 0 : i32
      %while3A_96 = arith.constant 0 : i32
      %while3A_97 = arith.subi %select_n3A_95, %while3A_96 : i32
      %while3A_98 = arith.addi %while3A_96, %while3A_97 : i32
      %while3A_99 = arith.constant 1 : i32
      %while3A_100 = arith.divsi %while3A_97, %while3A_99 : i32
      %while3A_101 = arith.muli %while3A_100, %while3A_99 : i32
      %while3A_102 = arith.addi %while3A_96, %while3A_101 : i32
      %while3A_103 = arith.constant 1 : i32
      scf.for %while3A_105 = %while3A_96 to %while3A_102 step %while3A_103  : i32 {
        %mul3A_106 = arith.constant 2 : i32
        %mul3A_107 = arith.muli %mul3A_106, %while3A_105 : i32
        %add3A_108 = arith.constant 0 : i32
        %add3A_109 = arith.addi %mul3A_107, %add3A_108 : i32
        %dma_wait3A = arith.constant 0 : i32
        %dma_wait3A_110 = arith.constant 0 : i32
        %dma_wait3A_111 = arith.constant 0 : i32
        %dma_wait3A_112 = arith.constant 0 : i32
        %dma_wait3A_113 = tpu.memref_slice %arg9[%dma_wait3A_110, %dma_wait3A_111, %dma_wait3A_112] : memref<2x128x128xf32, #tpu.memory_space<vmem>> -> memref<1x128x128xf32, #tpu.memory_space<vmem>>
        %dma_wait3A_114 = tpu.memref_squeeze %dma_wait3A_113 : memref<1x128x128xf32, #tpu.memory_space<vmem>> -> memref<128x128xf32, #tpu.memory_space<vmem>>
        %dma_wait3A_115 = arith.constant 0 : i32
        %dma_wait3A_116 = tpu.memref_slice %arg7[%dma_wait3A, %dma_wait3A_115] : memref<56x128xi32, #tpu.memory_space<vmem>> -> memref<1x128xi32, #tpu.memory_space<vmem>>
        %dma_wait3A_117 = tpu.memref_squeeze %dma_wait3A_116 : memref<1x128xi32, #tpu.memory_space<vmem>> -> memref<128xi32, #tpu.memory_space<vmem>>
        %dma_wait3A_118 = arith.constant 0 : i32
        %dma_wait3A_119 = arith.constant 0 : i32
        %dma_wait3A_120 = tpu.memref_slice %arg4[%dma_wait3A_118, %dma_wait3A_119] : memref<10240x128xf32, #tpu.memory_space<hbm>> -> memref<10240x128xf32, #tpu.memory_space<hbm>>
        tpu.wait_indirect_dma semaphore(%arg11 : memref<!tpu.dma_semaphore, #tpu.memory_space<semaphore_mem>>) src(%dma_wait3A_120 : memref<10240x128xf32, #tpu.memory_space<hbm>>) dst(%dma_wait3A_114 : memref<128x128xf32, #tpu.memory_space<vmem>>)
        %add3A_121 = arith.constant 1 : i32
        %add3A_122 = arith.addi %add3A_109, %add3A_121 : i32
        %lt3A = arith.cmpi slt, %add3A_122, %min3A : i32
        %convert_element_type3A_123 = arith.extui %lt3A : i1 to i32
        %cond3A_124 = arith.constant 0 : i32
        %cond3A_125 = arith.cmpi ne, %convert_element_type3A_123, %cond3A_124 : i32
        scf.if %cond3A_125 {
          %add3A_150 = arith.constant 1 : i32
          %add3A_151 = arith.addi %add3A_109, %add3A_150 : i32
          %dma_start3A_152 = arith.constant 1 : i32
          %dma_start3A_153 = arith.constant 0 : i32
          %dma_start3A_154 = arith.constant 0 : i32
          %dma_start3A_155 = tpu.memref_slice %arg9[%dma_start3A_152, %dma_start3A_153, %dma_start3A_154] : memref<2x128x128xf32, #tpu.memory_space<vmem>> -> memref<1x128x128xf32, #tpu.memory_space<vmem>>
          %dma_start3A_156 = tpu.memref_squeeze %dma_start3A_155 : memref<1x128x128xf32, #tpu.memory_space<vmem>> -> memref<128x128xf32, #tpu.memory_space<vmem>>
          %dma_start3A_157 = arith.constant 0 : i32
          %dma_start3A_158 = tpu.memref_slice %arg7[%add3A_151, %dma_start3A_157] : memref<56x128xi32, #tpu.memory_space<vmem>> -> memref<1x128xi32, #tpu.memory_space<vmem>>
          %dma_start3A_159 = tpu.memref_squeeze %dma_start3A_158 : memref<1x128xi32, #tpu.memory_space<vmem>> -> memref<128xi32, #tpu.memory_space<vmem>>
          %dma_start3A_160 = arith.constant 0 : i32
          %dma_start3A_161 = arith.constant 0 : i32
          %dma_start3A_162 = tpu.memref_slice %arg4[%dma_start3A_160, %dma_start3A_161] : memref<10240x128xf32, #tpu.memory_space<hbm>> -> memref<10240x128xf32, #tpu.memory_space<hbm>>
          tpu.enqueue_indirect_dma source(%dma_start3A_162 : memref<10240x128xf32, #tpu.memory_space<hbm>>) target(%dma_start3A_156 : memref<128x128xf32, #tpu.memory_space<vmem>>) offsets(%dma_start3A_159 : memref<128xi32, #tpu.memory_space<vmem>>) semaphore(%arg11 : memref<!tpu.dma_semaphore, #tpu.memory_space<semaphore_mem>>)
        } else {
        }
        %run_scoped3A_126 = arith.constant 0 : i32
        "tpu.region"() ({
          %run_scoped3A_150 = tpu.sem_alloc : memref<!tpu.dma_semaphore, #tpu.memory_space<semaphore_mem>>
          %dma_start3A_151 = arith.constant 0 : i32
          %dma_start3A_152 = arith.constant 0 : i32
          %dma_start3A_153 = tpu.memref_slice %arg9[%run_scoped3A_126, %dma_start3A_151, %dma_start3A_152] : memref<2x128x128xf32, #tpu.memory_space<vmem>> -> memref<1x128x128xf32, #tpu.memory_space<vmem>>
          %dma_start3A_154 = tpu.memref_squeeze %dma_start3A_153 : memref<1x128x128xf32, #tpu.memory_space<vmem>> -> memref<128x128xf32, #tpu.memory_space<vmem>>
          %dma_start3A_155 = arith.constant 0 : i32
          %dma_start3A_156 = tpu.memref_slice %arg8[%add3A_109, %dma_start3A_155] : memref<56x128xi32, #tpu.memory_space<vmem>> -> memref<1x128xi32, #tpu.memory_space<vmem>>
          %dma_start3A_157 = tpu.memref_squeeze %dma_start3A_156 : memref<1x128xi32, #tpu.memory_space<vmem>> -> memref<128xi32, #tpu.memory_space<vmem>>
          %dma_start3A_158 = arith.constant 0 : i32
          %dma_start3A_159 = arith.constant 0 : i32
          %dma_start3A_160 = tpu.memref_slice %arg10[%dma_start3A_158, %dma_start3A_159] : memref<10240x128xf32, #tpu.memory_space<vmem_shared>> -> memref<10240x128xf32, #tpu.memory_space<vmem_shared>>
          tpu.enqueue_indirect_dma source(%dma_start3A_154 : memref<128x128xf32, #tpu.memory_space<vmem>>) target(%dma_start3A_160 : memref<10240x128xf32, #tpu.memory_space<vmem_shared>>) offsets(%dma_start3A_157 : memref<128xi32, #tpu.memory_space<vmem>>) semaphore(%run_scoped3A_150 : memref<!tpu.dma_semaphore, #tpu.memory_space<semaphore_mem>>) {add = true}
          %dma_wait3A_161 = arith.constant 0 : i32
          %dma_wait3A_162 = arith.constant 0 : i32
          %dma_wait3A_163 = tpu.memref_slice %arg9[%run_scoped3A_126, %dma_wait3A_161, %dma_wait3A_162] : memref<2x128x128xf32, #tpu.memory_space<vmem>> -> memref<1x128x128xf32, #tpu.memory_space<vmem>>
          %dma_wait3A_164 = tpu.memref_squeeze %dma_wait3A_163 : memref<1x128x128xf32, #tpu.memory_space<vmem>> -> memref<128x128xf32, #tpu.memory_space<vmem>>
          %dma_wait3A_165 = arith.constant 0 : i32
          %dma_wait3A_166 = tpu.memref_slice %arg8[%add3A_109, %dma_wait3A_165] : memref<56x128xi32, #tpu.memory_space<vmem>> -> memref<1x128xi32, #tpu.memory_space<vmem>>
          %dma_wait3A_167 = tpu.memref_squeeze %dma_wait3A_166 : memref<1x128xi32, #tpu.memory_space<vmem>> -> memref<128xi32, #tpu.memory_space<vmem>>
          %dma_wait3A_168 = arith.constant 0 : i32
          %dma_wait3A_169 = arith.constant 0 : i32
          %dma_wait3A_170 = tpu.memref_slice %arg10[%dma_wait3A_168, %dma_wait3A_169] : memref<10240x128xf32, #tpu.memory_space<vmem_shared>> -> memref<10240x128xf32, #tpu.memory_space<vmem_shared>>
          tpu.wait_indirect_dma semaphore(%run_scoped3A_150 : memref<!tpu.dma_semaphore, #tpu.memory_space<semaphore_mem>>) src(%dma_wait3A_164 : memref<128x128xf32, #tpu.memory_space<vmem>>) dst(%dma_wait3A_170 : memref<10240x128xf32, #tpu.memory_space<vmem_shared>>)
          tpu.yield
        }) : () -> ()
        %mul3A_127 = arith.constant 2 : i32
        %mul3A_128 = arith.muli %mul3A_127, %while3A_105 : i32
        %add3A_129 = arith.constant 1 : i32
        %add3A_130 = arith.addi %mul3A_128, %add3A_129 : i32
        %dma_wait3A_131 = arith.constant 0 : i32
        %dma_wait3A_132 = arith.constant 1 : i32
        %dma_wait3A_133 = arith.constant 0 : i32
        %dma_wait3A_134 = arith.constant 0 : i32
        %dma_wait3A_135 = tpu.memref_slice %arg9[%dma_wait3A_132, %dma_wait3A_133, %dma_wait3A_134] : memref<2x128x128xf32, #tpu.memory_space<vmem>> -> memref<1x128x128xf32, #tpu.memory_space<vmem>>
        %dma_wait3A_136 = tpu.memref_squeeze %dma_wait3A_135 : memref<1x128x128xf32, #tpu.memory_space<vmem>> -> memref<128x128xf32, #tpu.memory_space<vmem>>
        %dma_wait3A_137 = arith.constant 0 : i32
        %dma_wait3A_138 = tpu.memref_slice %arg7[%dma_wait3A_131, %dma_wait3A_137] : memref<56x128xi32, #tpu.memory_space<vmem>> -> memref<1x128xi32, #tpu.memory_space<vmem>>
        %dma_wait3A_139 = tpu.memref_squeeze %dma_wait3A_138 : memref<1x128xi32, #tpu.memory_space<vmem>> -> memref<128xi32, #tpu.memory_space<vmem>>
        %dma_wait3A_140 = arith.constant 0 : i32
        %dma_wait3A_141 = arith.constant 0 : i32
        %dma_wait3A_142 = tpu.memref_slice %arg4[%dma_wait3A_140, %dma_wait3A_141] : memref<10240x128xf32, #tpu.memory_space<hbm>> -> memref<10240x128xf32, #tpu.memory_space<hbm>>
        tpu.wait_indirect_dma semaphore(%arg11 : memref<!tpu.dma_semaphore, #tpu.memory_space<semaphore_mem>>) src(%dma_wait3A_142 : memref<10240x128xf32, #tpu.memory_space<hbm>>) dst(%dma_wait3A_136 : memref<128x128xf32, #tpu.memory_space<vmem>>)
        %add3A_143 = arith.constant 1 : i32
        %add3A_144 = arith.addi %add3A_130, %add3A_143 : i32
        %lt3A_145 = arith.cmpi slt, %add3A_144, %min3A : i32
        %convert_element_type3A_146 = arith.extui %lt3A_145 : i1 to i32
        %cond3A_147 = arith.constant 0 : i32
        %cond3A_148 = arith.cmpi ne, %convert_element_type3A_146, %cond3A_147 : i32
        scf.if %cond3A_148 {
          %add3A_150 = arith.constant 1 : i32
          %add3A_151 = arith.addi %add3A_130, %add3A_150 : i32
          %dma_start3A_152 = arith.constant 0 : i32
          %dma_start3A_153 = arith.constant 0 : i32
          %dma_start3A_154 = arith.constant 0 : i32
          %dma_start3A_155 = tpu.memref_slice %arg9[%dma_start3A_152, %dma_start3A_153, %dma_start3A_154] : memref<2x128x128xf32, #tpu.memory_space<vmem>> -> memref<1x128x128xf32, #tpu.memory_space<vmem>>
          %dma_start3A_156 = tpu.memref_squeeze %dma_start3A_155 : memref<1x128x128xf32, #tpu.memory_space<vmem>> -> memref<128x128xf32, #tpu.memory_space<vmem>>
          %dma_start3A_157 = arith.constant 0 : i32
          %dma_start3A_158 = tpu.memref_slice %arg7[%add3A_151, %dma_start3A_157] : memref<56x128xi32, #tpu.memory_space<vmem>> -> memref<1x128xi32, #tpu.memory_space<vmem>>
          %dma_start3A_159 = tpu.memref_squeeze %dma_start3A_158 : memref<1x128xi32, #tpu.memory_space<vmem>> -> memref<128xi32, #tpu.memory_space<vmem>>
          %dma_start3A_160 = arith.constant 0 : i32
          %dma_start3A_161 = arith.constant 0 : i32
          %dma_start3A_162 = tpu.memref_slice %arg4[%dma_start3A_160, %dma_start3A_161] : memref<10240x128xf32, #tpu.memory_space<hbm>> -> memref<10240x128xf32, #tpu.memory_space<hbm>>
          tpu.enqueue_indirect_dma source(%dma_start3A_162 : memref<10240x128xf32, #tpu.memory_space<hbm>>) target(%dma_start3A_156 : memref<128x128xf32, #tpu.memory_space<vmem>>) offsets(%dma_start3A_159 : memref<128xi32, #tpu.memory_space<vmem>>) semaphore(%arg11 : memref<!tpu.dma_semaphore, #tpu.memory_space<semaphore_mem>>)
        } else {
        }
        %run_scoped3A_149 = arith.constant 1 : i32
        "tpu.region"() ({
          %run_scoped3A_150 = tpu.sem_alloc : memref<!tpu.dma_semaphore, #tpu.memory_space<semaphore_mem>>
          %dma_start3A_151 = arith.constant 0 : i32
          %dma_start3A_152 = arith.constant 0 : i32
          %dma_start3A_153 = tpu.memref_slice %arg9[%run_scoped3A_149, %dma_start3A_151, %dma_start3A_152] : memref<2x128x128xf32, #tpu.memory_space<vmem>> -> memref<1x128x128xf32, #tpu.memory_space<vmem>>
          %dma_start3A_154 = tpu.memref_squeeze %dma_start3A_153 : memref<1x128x128xf32, #tpu.memory_space<vmem>> -> memref<128x128xf32, #tpu.memory_space<vmem>>
          %dma_start3A_155 = arith.constant 0 : i32
          %dma_start3A_156 = tpu.memref_slice %arg8[%add3A_130, %dma_start3A_155] : memref<56x128xi32, #tpu.memory_space<vmem>> -> memref<1x128xi32, #tpu.memory_space<vmem>>
          %dma_start3A_157 = tpu.memref_squeeze %dma_start3A_156 : memref<1x128xi32, #tpu.memory_space<vmem>> -> memref<128xi32, #tpu.memory_space<vmem>>
          %dma_start3A_158 = arith.constant 0 : i32
          %dma_start3A_159 = arith.constant 0 : i32
          %dma_start3A_160 = tpu.memref_slice %arg10[%dma_start3A_158, %dma_start3A_159] : memref<10240x128xf32, #tpu.memory_space<vmem_shared>> -> memref<10240x128xf32, #tpu.memory_space<vmem_shared>>
          tpu.enqueue_indirect_dma source(%dma_start3A_154 : memref<128x128xf32, #tpu.memory_space<vmem>>) target(%dma_start3A_160 : memref<10240x128xf32, #tpu.memory_space<vmem_shared>>) offsets(%dma_start3A_157 : memref<128xi32, #tpu.memory_space<vmem>>) semaphore(%run_scoped3A_150 : memref<!tpu.dma_semaphore, #tpu.memory_space<semaphore_mem>>) {add = true}
          %dma_wait3A_161 = arith.constant 0 : i32
          %dma_wait3A_162 = arith.constant 0 : i32
          %dma_wait3A_163 = tpu.memref_slice %arg9[%run_scoped3A_149, %dma_wait3A_161, %dma_wait3A_162] : memref<2x128x128xf32, #tpu.memory_space<vmem>> -> memref<1x128x128xf32, #tpu.memory_space<vmem>>
          %dma_wait3A_164 = tpu.memref_squeeze %dma_wait3A_163 : memref<1x128x128xf32, #tpu.memory_space<vmem>> -> memref<128x128xf32, #tpu.memory_space<vmem>>
          %dma_wait3A_165 = arith.constant 0 : i32
          %dma_wait3A_166 = tpu.memref_slice %arg8[%add3A_130, %dma_wait3A_165] : memref<56x128xi32, #tpu.memory_space<vmem>> -> memref<1x128xi32, #tpu.memory_space<vmem>>
          %dma_wait3A_167 = tpu.memref_squeeze %dma_wait3A_166 : memref<1x128xi32, #tpu.memory_space<vmem>> -> memref<128xi32, #tpu.memory_space<vmem>>
          %dma_wait3A_168 = arith.constant 0 : i32
          %dma_wait3A_169 = arith.constant 0 : i32
          %dma_wait3A_170 = tpu.memref_slice %arg10[%dma_wait3A_168, %dma_wait3A_169] : memref<10240x128xf32, #tpu.memory_space<vmem_shared>> -> memref<10240x128xf32, #tpu.memory_space<vmem_shared>>
          tpu.wait_indirect_dma semaphore(%run_scoped3A_150 : memref<!tpu.dma_semaphore, #tpu.memory_space<semaphore_mem>>) src(%dma_wait3A_164 : memref<128x128xf32, #tpu.memory_space<vmem>>) dst(%dma_wait3A_170 : memref<10240x128xf32, #tpu.memory_space<vmem_shared>>)
          tpu.yield
        }) : () -> ()
      }
      %while3A_104 = arith.constant 1 : i32
      scf.for %while3A_105 = %while3A_102 to %while3A_98 step %while3A_104  : i32 {
        %mul3A_106 = arith.constant 2 : i32
        %mul3A_107 = arith.muli %mul3A_106, %while3A_105 : i32
        %add3A_108 = arith.constant 0 : i32
        %add3A_109 = arith.addi %mul3A_107, %add3A_108 : i32
        %dma_wait3A = arith.constant 0 : i32
        %dma_wait3A_110 = arith.constant 0 : i32
        %dma_wait3A_111 = arith.constant 0 : i32
        %dma_wait3A_112 = arith.constant 0 : i32
        %dma_wait3A_113 = tpu.memref_slice %arg9[%dma_wait3A_110, %dma_wait3A_111, %dma_wait3A_112] : memref<2x128x128xf32, #tpu.memory_space<vmem>> -> memref<1x128x128xf32, #tpu.memory_space<vmem>>
        %dma_wait3A_114 = tpu.memref_squeeze %dma_wait3A_113 : memref<1x128x128xf32, #tpu.memory_space<vmem>> -> memref<128x128xf32, #tpu.memory_space<vmem>>
        %dma_wait3A_115 = arith.constant 0 : i32
        %dma_wait3A_116 = tpu.memref_slice %arg7[%dma_wait3A, %dma_wait3A_115] : memref<56x128xi32, #tpu.memory_space<vmem>> -> memref<1x128xi32, #tpu.memory_space<vmem>>
        %dma_wait3A_117 = tpu.memref_squeeze %dma_wait3A_116 : memref<1x128xi32, #tpu.memory_space<vmem>> -> memref<128xi32, #tpu.memory_space<vmem>>
        %dma_wait3A_118 = arith.constant 0 : i32
        %dma_wait3A_119 = arith.constant 0 : i32
        %dma_wait3A_120 = tpu.memref_slice %arg4[%dma_wait3A_118, %dma_wait3A_119] : memref<10240x128xf32, #tpu.memory_space<hbm>> -> memref<10240x128xf32, #tpu.memory_space<hbm>>
        tpu.wait_indirect_dma semaphore(%arg11 : memref<!tpu.dma_semaphore, #tpu.memory_space<semaphore_mem>>) src(%dma_wait3A_120 : memref<10240x128xf32, #tpu.memory_space<hbm>>) dst(%dma_wait3A_114 : memref<128x128xf32, #tpu.memory_space<vmem>>)
        %add3A_121 = arith.constant 1 : i32
        %add3A_122 = arith.addi %add3A_109, %add3A_121 : i32
        %lt3A = arith.cmpi slt, %add3A_122, %min3A : i32
        %convert_element_type3A_123 = arith.extui %lt3A : i1 to i32
        %cond3A_124 = arith.constant 0 : i32
        %cond3A_125 = arith.cmpi ne, %convert_element_type3A_123, %cond3A_124 : i32
        scf.if %cond3A_125 {
          %add3A_150 = arith.constant 1 : i32
          %add3A_151 = arith.addi %add3A_109, %add3A_150 : i32
          %dma_start3A_152 = arith.constant 1 : i32
          %dma_start3A_153 = arith.constant 0 : i32
          %dma_start3A_154 = arith.constant 0 : i32
          %dma_start3A_155 = tpu.memref_slice %arg9[%dma_start3A_152, %dma_start3A_153, %dma_start3A_154] : memref<2x128x128xf32, #tpu.memory_space<vmem>> -> memref<1x128x128xf32, #tpu.memory_space<vmem>>
          %dma_start3A_156 = tpu.memref_squeeze %dma_start3A_155 : memref<1x128x128xf32, #tpu.memory_space<vmem>> -> memref<128x128xf32, #tpu.memory_space<vmem>>
          %dma_start3A_157 = arith.constant 0 : i32
          %dma_start3A_158 = tpu.memref_slice %arg7[%add3A_151, %dma_start3A_157] : memref<56x128xi32, #tpu.memory_space<vmem>> -> memref<1x128xi32, #tpu.memory_space<vmem>>
          %dma_start3A_159 = tpu.memref_squeeze %dma_start3A_158 : memref<1x128xi32, #tpu.memory_space<vmem>> -> memref<128xi32, #tpu.memory_space<vmem>>
          %dma_start3A_160 = arith.constant 0 : i32
          %dma_start3A_161 = arith.constant 0 : i32
          %dma_start3A_162 = tpu.memref_slice %arg4[%dma_start3A_160, %dma_start3A_161] : memref<10240x128xf32, #tpu.memory_space<hbm>> -> memref<10240x128xf32, #tpu.memory_space<hbm>>
          tpu.enqueue_indirect_dma source(%dma_start3A_162 : memref<10240x128xf32, #tpu.memory_space<hbm>>) target(%dma_start3A_156 : memref<128x128xf32, #tpu.memory_space<vmem>>) offsets(%dma_start3A_159 : memref<128xi32, #tpu.memory_space<vmem>>) semaphore(%arg11 : memref<!tpu.dma_semaphore, #tpu.memory_space<semaphore_mem>>)
        } else {
        }
        %run_scoped3A_126 = arith.constant 0 : i32
        "tpu.region"() ({
          %run_scoped3A_150 = tpu.sem_alloc : memref<!tpu.dma_semaphore, #tpu.memory_space<semaphore_mem>>
          %dma_start3A_151 = arith.constant 0 : i32
          %dma_start3A_152 = arith.constant 0 : i32
          %dma_start3A_153 = tpu.memref_slice %arg9[%run_scoped3A_126, %dma_start3A_151, %dma_start3A_152] : memref<2x128x128xf32, #tpu.memory_space<vmem>> -> memref<1x128x128xf32, #tpu.memory_space<vmem>>
          %dma_start3A_154 = tpu.memref_squeeze %dma_start3A_153 : memref<1x128x128xf32, #tpu.memory_space<vmem>> -> memref<128x128xf32, #tpu.memory_space<vmem>>
          %dma_start3A_155 = arith.constant 0 : i32
          %dma_start3A_156 = tpu.memref_slice %arg8[%add3A_109, %dma_start3A_155] : memref<56x128xi32, #tpu.memory_space<vmem>> -> memref<1x128xi32, #tpu.memory_space<vmem>>
          %dma_start3A_157 = tpu.memref_squeeze %dma_start3A_156 : memref<1x128xi32, #tpu.memory_space<vmem>> -> memref<128xi32, #tpu.memory_space<vmem>>
          %dma_start3A_158 = arith.constant 0 : i32
          %dma_start3A_159 = arith.constant 0 : i32
          %dma_start3A_160 = tpu.memref_slice %arg10[%dma_start3A_158, %dma_start3A_159] : memref<10240x128xf32, #tpu.memory_space<vmem_shared>> -> memref<10240x128xf32, #tpu.memory_space<vmem_shared>>
          tpu.enqueue_indirect_dma source(%dma_start3A_154 : memref<128x128xf32, #tpu.memory_space<vmem>>) target(%dma_start3A_160 : memref<10240x128xf32, #tpu.memory_space<vmem_shared>>) offsets(%dma_start3A_157 : memref<128xi32, #tpu.memory_space<vmem>>) semaphore(%run_scoped3A_150 : memref<!tpu.dma_semaphore, #tpu.memory_space<semaphore_mem>>) {add = true}
          %dma_wait3A_161 = arith.constant 0 : i32
          %dma_wait3A_162 = arith.constant 0 : i32
          %dma_wait3A_163 = tpu.memref_slice %arg9[%run_scoped3A_126, %dma_wait3A_161, %dma_wait3A_162] : memref<2x128x128xf32, #tpu.memory_space<vmem>> -> memref<1x128x128xf32, #tpu.memory_space<vmem>>
          %dma_wait3A_164 = tpu.memref_squeeze %dma_wait3A_163 : memref<1x128x128xf32, #tpu.memory_space<vmem>> -> memref<128x128xf32, #tpu.memory_space<vmem>>
          %dma_wait3A_165 = arith.constant 0 : i32
          %dma_wait3A_166 = tpu.memref_slice %arg8[%add3A_109, %dma_wait3A_165] : memref<56x128xi32, #tpu.memory_space<vmem>> -> memref<1x128xi32, #tpu.memory_space<vmem>>
          %dma_wait3A_167 = tpu.memref_squeeze %dma_wait3A_166 : memref<1x128xi32, #tpu.memory_space<vmem>> -> memref<128xi32, #tpu.memory_space<vmem>>
          %dma_wait3A_168 = arith.constant 0 : i32
          %dma_wait3A_169 = arith.constant 0 : i32
          %dma_wait3A_170 = tpu.memref_slice %arg10[%dma_wait3A_168, %dma_wait3A_169] : memref<10240x128xf32, #tpu.memory_space<vmem_shared>> -> memref<10240x128xf32, #tpu.memory_space<vmem_shared>>
          tpu.wait_indirect_dma semaphore(%run_scoped3A_150 : memref<!tpu.dma_semaphore, #tpu.memory_space<semaphore_mem>>) src(%dma_wait3A_164 : memref<128x128xf32, #tpu.memory_space<vmem>>) dst(%dma_wait3A_170 : memref<10240x128xf32, #tpu.memory_space<vmem_shared>>)
          tpu.yield
        }) : () -> ()
        %mul3A_127 = arith.constant 2 : i32
        %mul3A_128 = arith.muli %mul3A_127, %while3A_105 : i32
        %add3A_129 = arith.constant 1 : i32
        %add3A_130 = arith.addi %mul3A_128, %add3A_129 : i32
        %dma_wait3A_131 = arith.constant 0 : i32
        %dma_wait3A_132 = arith.constant 1 : i32
        %dma_wait3A_133 = arith.constant 0 : i32
        %dma_wait3A_134 = arith.constant 0 : i32
        %dma_wait3A_135 = tpu.memref_slice %arg9[%dma_wait3A_132, %dma_wait3A_133, %dma_wait3A_134] : memref<2x128x128xf32, #tpu.memory_space<vmem>> -> memref<1x128x128xf32, #tpu.memory_space<vmem>>
        %dma_wait3A_136 = tpu.memref_squeeze %dma_wait3A_135 : memref<1x128x128xf32, #tpu.memory_space<vmem>> -> memref<128x128xf32, #tpu.memory_space<vmem>>
        %dma_wait3A_137 = arith.constant 0 : i32
        %dma_wait3A_138 = tpu.memref_slice %arg7[%dma_wait3A_131, %dma_wait3A_137] : memref<56x128xi32, #tpu.memory_space<vmem>> -> memref<1x128xi32, #tpu.memory_space<vmem>>
        %dma_wait3A_139 = tpu.memref_squeeze %dma_wait3A_138 : memref<1x128xi32, #tpu.memory_space<vmem>> -> memref<128xi32, #tpu.memory_space<vmem>>
        %dma_wait3A_140 = arith.constant 0 : i32
        %dma_wait3A_141 = arith.constant 0 : i32
        %dma_wait3A_142 = tpu.memref_slice %arg4[%dma_wait3A_140, %dma_wait3A_141] : memref<10240x128xf32, #tpu.memory_space<hbm>> -> memref<10240x128xf32, #tpu.memory_space<hbm>>
        tpu.wait_indirect_dma semaphore(%arg11 : memref<!tpu.dma_semaphore, #tpu.memory_space<semaphore_mem>>) src(%dma_wait3A_142 : memref<10240x128xf32, #tpu.memory_space<hbm>>) dst(%dma_wait3A_136 : memref<128x128xf32, #tpu.memory_space<vmem>>)
        %add3A_143 = arith.constant 1 : i32
        %add3A_144 = arith.addi %add3A_130, %add3A_143 : i32
        %lt3A_145 = arith.cmpi slt, %add3A_144, %min3A : i32
        %convert_element_type3A_146 = arith.extui %lt3A_145 : i1 to i32
        %cond3A_147 = arith.constant 0 : i32
        %cond3A_148 = arith.cmpi ne, %convert_element_type3A_146, %cond3A_147 : i32
        scf.if %cond3A_148 {
          %add3A_150 = arith.constant 1 : i32
          %add3A_151 = arith.addi %add3A_130, %add3A_150 : i32
          %dma_start3A_152 = arith.constant 0 : i32
          %dma_start3A_153 = arith.constant 0 : i32
          %dma_start3A_154 = arith.constant 0 : i32
          %dma_start3A_155 = tpu.memref_slice %arg9[%dma_start3A_152, %dma_start3A_153, %dma_start3A_154] : memref<2x128x128xf32, #tpu.memory_space<vmem>> -> memref<1x128x128xf32, #tpu.memory_space<vmem>>
          %dma_start3A_156 = tpu.memref_squeeze %dma_start3A_155 : memref<1x128x128xf32, #tpu.memory_space<vmem>> -> memref<128x128xf32, #tpu.memory_space<vmem>>
          %dma_start3A_157 = arith.constant 0 : i32
          %dma_start3A_158 = tpu.memref_slice %arg7[%add3A_151, %dma_start3A_157] : memref<56x128xi32, #tpu.memory_space<vmem>> -> memref<1x128xi32, #tpu.memory_space<vmem>>
          %dma_start3A_159 = tpu.memref_squeeze %dma_start3A_158 : memref<1x128xi32, #tpu.memory_space<vmem>> -> memref<128xi32, #tpu.memory_space<vmem>>
          %dma_start3A_160 = arith.constant 0 : i32
          %dma_start3A_161 = arith.constant 0 : i32
          %dma_start3A_162 = tpu.memref_slice %arg4[%dma_start3A_160, %dma_start3A_161] : memref<10240x128xf32, #tpu.memory_space<hbm>> -> memref<10240x128xf32, #tpu.memory_space<hbm>>
          tpu.enqueue_indirect_dma source(%dma_start3A_162 : memref<10240x128xf32, #tpu.memory_space<hbm>>) target(%dma_start3A_156 : memref<128x128xf32, #tpu.memory_space<vmem>>) offsets(%dma_start3A_159 : memref<128xi32, #tpu.memory_space<vmem>>) semaphore(%arg11 : memref<!tpu.dma_semaphore, #tpu.memory_space<semaphore_mem>>)
        } else {
        }
        %run_scoped3A_149 = arith.constant 1 : i32
        "tpu.region"() ({
          %run_scoped3A_150 = tpu.sem_alloc : memref<!tpu.dma_semaphore, #tpu.memory_space<semaphore_mem>>
          %dma_start3A_151 = arith.constant 0 : i32
          %dma_start3A_152 = arith.constant 0 : i32
          %dma_start3A_153 = tpu.memref_slice %arg9[%run_scoped3A_149, %dma_start3A_151, %dma_start3A_152] : memref<2x128x128xf32, #tpu.memory_space<vmem>> -> memref<1x128x128xf32, #tpu.memory_space<vmem>>
          %dma_start3A_154 = tpu.memref_squeeze %dma_start3A_153 : memref<1x128x128xf32, #tpu.memory_space<vmem>> -> memref<128x128xf32, #tpu.memory_space<vmem>>
          %dma_start3A_155 = arith.constant 0 : i32
          %dma_start3A_156 = tpu.memref_slice %arg8[%add3A_130, %dma_start3A_155] : memref<56x128xi32, #tpu.memory_space<vmem>> -> memref<1x128xi32, #tpu.memory_space<vmem>>
          %dma_start3A_157 = tpu.memref_squeeze %dma_start3A_156 : memref<1x128xi32, #tpu.memory_space<vmem>> -> memref<128xi32, #tpu.memory_space<vmem>>
          %dma_start3A_158 = arith.constant 0 : i32
          %dma_start3A_159 = arith.constant 0 : i32
          %dma_start3A_160 = tpu.memref_slice %arg10[%dma_start3A_158, %dma_start3A_159] : memref<10240x128xf32, #tpu.memory_space<vmem_shared>> -> memref<10240x128xf32, #tpu.memory_space<vmem_shared>>
          tpu.enqueue_indirect_dma source(%dma_start3A_154 : memref<128x128xf32, #tpu.memory_space<vmem>>) target(%dma_start3A_160 : memref<10240x128xf32, #tpu.memory_space<vmem_shared>>) offsets(%dma_start3A_157 : memref<128xi32, #tpu.memory_space<vmem>>) semaphore(%run_scoped3A_150 : memref<!tpu.dma_semaphore, #tpu.memory_space<semaphore_mem>>) {add = true}
          %dma_wait3A_161 = arith.constant 0 : i32
          %dma_wait3A_162 = arith.constant 0 : i32
          %dma_wait3A_163 = tpu.memref_slice %arg9[%run_scoped3A_149, %dma_wait3A_161, %dma_wait3A_162] : memref<2x128x128xf32, #tpu.memory_space<vmem>> -> memref<1x128x128xf32, #tpu.memory_space<vmem>>
          %dma_wait3A_164 = tpu.memref_squeeze %dma_wait3A_163 : memref<1x128x128xf32, #tpu.memory_space<vmem>> -> memref<128x128xf32, #tpu.memory_space<vmem>>
          %dma_wait3A_165 = arith.constant 0 : i32
          %dma_wait3A_166 = tpu.memref_slice %arg8[%add3A_130, %dma_wait3A_165] : memref<56x128xi32, #tpu.memory_space<vmem>> -> memref<1x128xi32, #tpu.memory_space<vmem>>
          %dma_wait3A_167 = tpu.memref_squeeze %dma_wait3A_166 : memref<1x128xi32, #tpu.memory_space<vmem>> -> memref<128xi32, #tpu.memory_space<vmem>>
          %dma_wait3A_168 = arith.constant 0 : i32
          %dma_wait3A_169 = arith.constant 0 : i32
          %dma_wait3A_170 = tpu.memref_slice %arg10[%dma_wait3A_168, %dma_wait3A_169] : memref<10240x128xf32, #tpu.memory_space<vmem_shared>> -> memref<10240x128xf32, #tpu.memory_space<vmem_shared>>
          tpu.wait_indirect_dma semaphore(%run_scoped3A_150 : memref<!tpu.dma_semaphore, #tpu.memory_space<semaphore_mem>>) src(%dma_wait3A_164 : memref<128x128xf32, #tpu.memory_space<vmem>>) dst(%dma_wait3A_170 : memref<10240x128xf32, #tpu.memory_space<vmem_shared>>)
          tpu.yield
        }) : () -> ()
      }
    } else {
    }
    %sub3A_44 = arith.constant 56 : i32
    %sub3A_45 = arith.subi %select_n3A_8, %sub3A_44 : i32
    %jit3A_46 = arith.constant 0 : i32
    %jit3A_47 = arith.constant 56 : i32
    %max3A_48 = arith.maxsi %jit3A_46, %sub3A_45 : i32
    %min3A_49 = arith.minsi %jit3A_47, %max3A_48 : i32
    %gt3A_50 = arith.constant 0 : i32
    %gt3A_51 = arith.cmpi sgt, %min3A_49, %gt3A_50 : i32
    %convert_element_type3A_52 = arith.extui %gt3A_51 : i1 to i32
    %cond3A_53 = arith.constant 0 : i32
    %cond3A_54 = arith.cmpi ne, %convert_element_type3A_52, %cond3A_53 : i32
    scf.if %cond3A_54 {
      %add3A_60 = arith.constant 56 : i32
      %add3A_61 = arith.addi %select_n3A, %add3A_60 : i32
      "tpu.region"() ({
        %run_scoped3A_105 = tpu.sem_alloc : memref<!tpu.dma_semaphore, #tpu.memory_space<semaphore_mem>>
        %dma_start3A_106 = arith.constant 0 : i32
        %dma_start3A_107 = tpu.memref_slice %arg2[%add3A_61, %dma_start3A_106] : memref<2672x128xi32, #tpu.memory_space<hbm>> -> memref<56x128xi32, #tpu.memory_space<hbm>>
        %dma_start3A_108 = arith.constant 0 : i32
        %dma_start3A_109 = tpu.memref_slice %arg2[%add3A_61, %dma_start3A_108] : memref<2672x128xi32, #tpu.memory_space<hbm>> -> memref<56x128xi32, #tpu.memory_space<hbm>>
        tpu.enqueue_dma source(%dma_start3A_109 : memref<56x128xi32, #tpu.memory_space<hbm>>) target(%arg7 : memref<56x128xi32, #tpu.memory_space<vmem>>) target_semaphore(%run_scoped3A_105 : memref<!tpu.dma_semaphore, #tpu.memory_space<semaphore_mem>>)
        %dma_wait3A = arith.constant 0 : i32
        %dma_wait3A_110 = tpu.memref_slice %arg2[%add3A_61, %dma_wait3A] : memref<2672x128xi32, #tpu.memory_space<hbm>> -> memref<56x128xi32, #tpu.memory_space<hbm>>
        %dma_wait3A_111 = arith.constant 0 : i32
        %dma_wait3A_112 = tpu.memref_slice %arg2[%add3A_61, %dma_wait3A_111] : memref<2672x128xi32, #tpu.memory_space<hbm>> -> memref<56x128xi32, #tpu.memory_space<hbm>>
        tpu.wait_dma2 semaphore(%run_scoped3A_105 : memref<!tpu.dma_semaphore, #tpu.memory_space<semaphore_mem>>) src(%dma_wait3A_112 : memref<56x128xi32, #tpu.memory_space<hbm>>) dst(%arg7 : memref<56x128xi32, #tpu.memory_space<vmem>>)
        tpu.yield
      }) : () -> ()
      %add3A_62 = arith.constant 56 : i32
      %add3A_63 = arith.addi %select_n3A, %add3A_62 : i32
      "tpu.region"() ({
        %run_scoped3A_105 = tpu.sem_alloc : memref<!tpu.dma_semaphore, #tpu.memory_space<semaphore_mem>>
        %dma_start3A_106 = arith.constant 0 : i32
        %dma_start3A_107 = tpu.memref_slice %arg3[%add3A_63, %dma_start3A_106] : memref<2672x128xi32, #tpu.memory_space<hbm>> -> memref<56x128xi32, #tpu.memory_space<hbm>>
        %dma_start3A_108 = arith.constant 0 : i32
        %dma_start3A_109 = tpu.memref_slice %arg3[%add3A_63, %dma_start3A_108] : memref<2672x128xi32, #tpu.memory_space<hbm>> -> memref<56x128xi32, #tpu.memory_space<hbm>>
        tpu.enqueue_dma source(%dma_start3A_109 : memref<56x128xi32, #tpu.memory_space<hbm>>) target(%arg8 : memref<56x128xi32, #tpu.memory_space<vmem>>) target_semaphore(%run_scoped3A_105 : memref<!tpu.dma_semaphore, #tpu.memory_space<semaphore_mem>>)
        %dma_wait3A = arith.constant 0 : i32
        %dma_wait3A_110 = tpu.memref_slice %arg3[%add3A_63, %dma_wait3A] : memref<2672x128xi32, #tpu.memory_space<hbm>> -> memref<56x128xi32, #tpu.memory_space<hbm>>
        %dma_wait3A_111 = arith.constant 0 : i32
        %dma_wait3A_112 = tpu.memref_slice %arg3[%add3A_63, %dma_wait3A_111] : memref<2672x128xi32, #tpu.memory_space<hbm>> -> memref<56x128xi32, #tpu.memory_space<hbm>>
        tpu.wait_dma2 semaphore(%run_scoped3A_105 : memref<!tpu.dma_semaphore, #tpu.memory_space<semaphore_mem>>) src(%dma_wait3A_112 : memref<56x128xi32, #tpu.memory_space<hbm>>) dst(%arg8 : memref<56x128xi32, #tpu.memory_space<vmem>>)
        tpu.yield
      }) : () -> ()
      %dma_start3A = arith.constant 0 : i32
      %dma_start3A_64 = arith.constant 0 : i32
      %dma_start3A_65 = arith.constant 0 : i32
      %dma_start3A_66 = arith.constant 0 : i32
      %dma_start3A_67 = tpu.memref_slice %arg9[%dma_start3A_64, %dma_start3A_65, %dma_start3A_66] : memref<2x128x128xf32, #tpu.memory_space<vmem>> -> memref<1x128x128xf32, #tpu.memory_space<vmem>>
      %dma_start3A_68 = tpu.memref_squeeze %dma_start3A_67 : memref<1x128x128xf32, #tpu.memory_space<vmem>> -> memref<128x128xf32, #tpu.memory_space<vmem>>
      %dma_start3A_69 = arith.constant 0 : i32
      %dma_start3A_70 = tpu.memref_slice %arg7[%dma_start3A, %dma_start3A_69] : memref<56x128xi32, #tpu.memory_space<vmem>> -> memref<1x128xi32, #tpu.memory_space<vmem>>
      %dma_start3A_71 = tpu.memref_squeeze %dma_start3A_70 : memref<1x128xi32, #tpu.memory_space<vmem>> -> memref<128xi32, #tpu.memory_space<vmem>>
      %dma_start3A_72 = arith.constant 0 : i32
      %dma_start3A_73 = arith.constant 0 : i32
      %dma_start3A_74 = tpu.memref_slice %arg4[%dma_start3A_72, %dma_start3A_73] : memref<10240x128xf32, #tpu.memory_space<hbm>> -> memref<10240x128xf32, #tpu.memory_space<hbm>>
      tpu.enqueue_indirect_dma source(%dma_start3A_74 : memref<10240x128xf32, #tpu.memory_space<hbm>>) target(%dma_start3A_68 : memref<128x128xf32, #tpu.memory_space<vmem>>) offsets(%dma_start3A_71 : memref<128xi32, #tpu.memory_space<vmem>>) semaphore(%arg11 : memref<!tpu.dma_semaphore, #tpu.memory_space<semaphore_mem>>)
      %add3A_75 = arith.constant 1 : i32
      %add3A_76 = arith.addi %min3A_49, %add3A_75 : i32
      %jit3A_77 = arith.constant 2 : i32
      %div3A = arith.divsi %add3A_76, %jit3A_77 : i32
      %sign3A = arith.constant 0 : i32
      %sign3A_78 = arith.cmpi sgt, %add3A_76, %sign3A : i32
      %sign3A_79 = arith.extui %sign3A_78 : i1 to i32
      %sign3A_80 = arith.constant 0 : i32
      %sign3A_81 = arith.cmpi slt, %add3A_76, %sign3A_80 : i32
      %sign3A_82 = arith.extui %sign3A_81 : i1 to i32
      %sign3A_83 = arith.subi %sign3A_79, %sign3A_82 : i32
      %sign3A_84 = arith.constant 0 : i32
      %sign3A_85 = arith.cmpi sgt, %jit3A_77, %sign3A_84 : i32
      %sign3A_86 = arith.extui %sign3A_85 : i1 to i32
      %sign3A_87 = arith.constant 0 : i32
      %sign3A_88 = arith.cmpi slt, %jit3A_77, %sign3A_87 : i32
      %sign3A_89 = arith.extui %sign3A_88 : i1 to i32
      %sign3A_90 = arith.subi %sign3A_86, %sign3A_89 : i32
      %ne3A = arith.cmpi ne, %sign3A_83, %sign3A_90 : i32
      %rem3A = arith.remsi %add3A_76, %jit3A_77 : i32
      %ne3A_91 = arith.constant 0 : i32
      %ne3A_92 = arith.cmpi ne, %rem3A, %ne3A_91 : i32
      %and3A = arith.andi %ne3A, %ne3A_92 : i1
      %sub3A_93 = arith.constant 1 : i32
      %sub3A_94 = arith.subi %div3A, %sub3A_93 : i32
      %select_n3A_95 = arith.select %and3A, %sub3A_94, %div3A : i32
      %while3A = arith.constant 0 : i32
      %while3A_96 = arith.constant 0 : i32
      %while3A_97 = arith.subi %select_n3A_95, %while3A_96 : i32
      %while3A_98 = arith.addi %while3A_96, %while3A_97 : i32
      %while3A_99 = arith.constant 1 : i32
      %while3A_100 = arith.divsi %while3A_97, %while3A_99 : i32
      %while3A_101 = arith.muli %while3A_100, %while3A_99 : i32
      %while3A_102 = arith.addi %while3A_96, %while3A_101 : i32
      %while3A_103 = arith.constant 1 : i32
      scf.for %while3A_105 = %while3A_96 to %while3A_102 step %while3A_103  : i32 {
        %mul3A_106 = arith.constant 2 : i32
        %mul3A_107 = arith.muli %mul3A_106, %while3A_105 : i32
        %add3A_108 = arith.constant 0 : i32
        %add3A_109 = arith.addi %mul3A_107, %add3A_108 : i32
        %dma_wait3A = arith.constant 0 : i32
        %dma_wait3A_110 = arith.constant 0 : i32
        %dma_wait3A_111 = arith.constant 0 : i32
        %dma_wait3A_112 = arith.constant 0 : i32
        %dma_wait3A_113 = tpu.memref_slice %arg9[%dma_wait3A_110, %dma_wait3A_111, %dma_wait3A_112] : memref<2x128x128xf32, #tpu.memory_space<vmem>> -> memref<1x128x128xf32, #tpu.memory_space<vmem>>
        %dma_wait3A_114 = tpu.memref_squeeze %dma_wait3A_113 : memref<1x128x128xf32, #tpu.memory_space<vmem>> -> memref<128x128xf32, #tpu.memory_space<vmem>>
        %dma_wait3A_115 = arith.constant 0 : i32
        %dma_wait3A_116 = tpu.memref_slice %arg7[%dma_wait3A, %dma_wait3A_115] : memref<56x128xi32, #tpu.memory_space<vmem>> -> memref<1x128xi32, #tpu.memory_space<vmem>>
        %dma_wait3A_117 = tpu.memref_squeeze %dma_wait3A_116 : memref<1x128xi32, #tpu.memory_space<vmem>> -> memref<128xi32, #tpu.memory_space<vmem>>
        %dma_wait3A_118 = arith.constant 0 : i32
        %dma_wait3A_119 = arith.constant 0 : i32
        %dma_wait3A_120 = tpu.memref_slice %arg4[%dma_wait3A_118, %dma_wait3A_119] : memref<10240x128xf32, #tpu.memory_space<hbm>> -> memref<10240x128xf32, #tpu.memory_space<hbm>>
        tpu.wait_indirect_dma semaphore(%arg11 : memref<!tpu.dma_semaphore, #tpu.memory_space<semaphore_mem>>) src(%dma_wait3A_120 : memref<10240x128xf32, #tpu.memory_space<hbm>>) dst(%dma_wait3A_114 : memref<128x128xf32, #tpu.memory_space<vmem>>)
        %add3A_121 = arith.constant 1 : i32
        %add3A_122 = arith.addi %add3A_109, %add3A_121 : i32
        %lt3A = arith.cmpi slt, %add3A_122, %min3A_49 : i32
        %convert_element_type3A_123 = arith.extui %lt3A : i1 to i32
        %cond3A_124 = arith.constant 0 : i32
        %cond3A_125 = arith.cmpi ne, %convert_element_type3A_123, %cond3A_124 : i32
        scf.if %cond3A_125 {
          %add3A_150 = arith.constant 1 : i32
          %add3A_151 = arith.addi %add3A_109, %add3A_150 : i32
          %dma_start3A_152 = arith.constant 1 : i32
          %dma_start3A_153 = arith.constant 0 : i32
          %dma_start3A_154 = arith.constant 0 : i32
          %dma_start3A_155 = tpu.memref_slice %arg9[%dma_start3A_152, %dma_start3A_153, %dma_start3A_154] : memref<2x128x128xf32, #tpu.memory_space<vmem>> -> memref<1x128x128xf32, #tpu.memory_space<vmem>>
          %dma_start3A_156 = tpu.memref_squeeze %dma_start3A_155 : memref<1x128x128xf32, #tpu.memory_space<vmem>> -> memref<128x128xf32, #tpu.memory_space<vmem>>
          %dma_start3A_157 = arith.constant 0 : i32
          %dma_start3A_158 = tpu.memref_slice %arg7[%add3A_151, %dma_start3A_157] : memref<56x128xi32, #tpu.memory_space<vmem>> -> memref<1x128xi32, #tpu.memory_space<vmem>>
          %dma_start3A_159 = tpu.memref_squeeze %dma_start3A_158 : memref<1x128xi32, #tpu.memory_space<vmem>> -> memref<128xi32, #tpu.memory_space<vmem>>
          %dma_start3A_160 = arith.constant 0 : i32
          %dma_start3A_161 = arith.constant 0 : i32
          %dma_start3A_162 = tpu.memref_slice %arg4[%dma_start3A_160, %dma_start3A_161] : memref<10240x128xf32, #tpu.memory_space<hbm>> -> memref<10240x128xf32, #tpu.memory_space<hbm>>
          tpu.enqueue_indirect_dma source(%dma_start3A_162 : memref<10240x128xf32, #tpu.memory_space<hbm>>) target(%dma_start3A_156 : memref<128x128xf32, #tpu.memory_space<vmem>>) offsets(%dma_start3A_159 : memref<128xi32, #tpu.memory_space<vmem>>) semaphore(%arg11 : memref<!tpu.dma_semaphore, #tpu.memory_space<semaphore_mem>>)
        } else {
        }
        %run_scoped3A_126 = arith.constant 0 : i32
        "tpu.region"() ({
          %run_scoped3A_150 = tpu.sem_alloc : memref<!tpu.dma_semaphore, #tpu.memory_space<semaphore_mem>>
          %dma_start3A_151 = arith.constant 0 : i32
          %dma_start3A_152 = arith.constant 0 : i32
          %dma_start3A_153 = tpu.memref_slice %arg9[%run_scoped3A_126, %dma_start3A_151, %dma_start3A_152] : memref<2x128x128xf32, #tpu.memory_space<vmem>> -> memref<1x128x128xf32, #tpu.memory_space<vmem>>
          %dma_start3A_154 = tpu.memref_squeeze %dma_start3A_153 : memref<1x128x128xf32, #tpu.memory_space<vmem>> -> memref<128x128xf32, #tpu.memory_space<vmem>>
          %dma_start3A_155 = arith.constant 0 : i32
          %dma_start3A_156 = tpu.memref_slice %arg8[%add3A_109, %dma_start3A_155] : memref<56x128xi32, #tpu.memory_space<vmem>> -> memref<1x128xi32, #tpu.memory_space<vmem>>
          %dma_start3A_157 = tpu.memref_squeeze %dma_start3A_156 : memref<1x128xi32, #tpu.memory_space<vmem>> -> memref<128xi32, #tpu.memory_space<vmem>>
          %dma_start3A_158 = arith.constant 0 : i32
          %dma_start3A_159 = arith.constant 0 : i32
          %dma_start3A_160 = tpu.memref_slice %arg10[%dma_start3A_158, %dma_start3A_159] : memref<10240x128xf32, #tpu.memory_space<vmem_shared>> -> memref<10240x128xf32, #tpu.memory_space<vmem_shared>>
          tpu.enqueue_indirect_dma source(%dma_start3A_154 : memref<128x128xf32, #tpu.memory_space<vmem>>) target(%dma_start3A_160 : memref<10240x128xf32, #tpu.memory_space<vmem_shared>>) offsets(%dma_start3A_157 : memref<128xi32, #tpu.memory_space<vmem>>) semaphore(%run_scoped3A_150 : memref<!tpu.dma_semaphore, #tpu.memory_space<semaphore_mem>>) {add = true}
          %dma_wait3A_161 = arith.constant 0 : i32
          %dma_wait3A_162 = arith.constant 0 : i32
          %dma_wait3A_163 = tpu.memref_slice %arg9[%run_scoped3A_126, %dma_wait3A_161, %dma_wait3A_162] : memref<2x128x128xf32, #tpu.memory_space<vmem>> -> memref<1x128x128xf32, #tpu.memory_space<vmem>>
          %dma_wait3A_164 = tpu.memref_squeeze %dma_wait3A_163 : memref<1x128x128xf32, #tpu.memory_space<vmem>> -> memref<128x128xf32, #tpu.memory_space<vmem>>
          %dma_wait3A_165 = arith.constant 0 : i32
          %dma_wait3A_166 = tpu.memref_slice %arg8[%add3A_109, %dma_wait3A_165] : memref<56x128xi32, #tpu.memory_space<vmem>> -> memref<1x128xi32, #tpu.memory_space<vmem>>
          %dma_wait3A_167 = tpu.memref_squeeze %dma_wait3A_166 : memref<1x128xi32, #tpu.memory_space<vmem>> -> memref<128xi32, #tpu.memory_space<vmem>>
          %dma_wait3A_168 = arith.constant 0 : i32
          %dma_wait3A_169 = arith.constant 0 : i32
          %dma_wait3A_170 = tpu.memref_slice %arg10[%dma_wait3A_168, %dma_wait3A_169] : memref<10240x128xf32, #tpu.memory_space<vmem_shared>> -> memref<10240x128xf32, #tpu.memory_space<vmem_shared>>
          tpu.wait_indirect_dma semaphore(%run_scoped3A_150 : memref<!tpu.dma_semaphore, #tpu.memory_space<semaphore_mem>>) src(%dma_wait3A_164 : memref<128x128xf32, #tpu.memory_space<vmem>>) dst(%dma_wait3A_170 : memref<10240x128xf32, #tpu.memory_space<vmem_shared>>)
          tpu.yield
        }) : () -> ()
        %mul3A_127 = arith.constant 2 : i32
        %mul3A_128 = arith.muli %mul3A_127, %while3A_105 : i32
        %add3A_129 = arith.constant 1 : i32
        %add3A_130 = arith.addi %mul3A_128, %add3A_129 : i32
        %dma_wait3A_131 = arith.constant 0 : i32
        %dma_wait3A_132 = arith.constant 1 : i32
        %dma_wait3A_133 = arith.constant 0 : i32
        %dma_wait3A_134 = arith.constant 0 : i32
        %dma_wait3A_135 = tpu.memref_slice %arg9[%dma_wait3A_132, %dma_wait3A_133, %dma_wait3A_134] : memref<2x128x128xf32, #tpu.memory_space<vmem>> -> memref<1x128x128xf32, #tpu.memory_space<vmem>>
        %dma_wait3A_136 = tpu.memref_squeeze %dma_wait3A_135 : memref<1x128x128xf32, #tpu.memory_space<vmem>> -> memref<128x128xf32, #tpu.memory_space<vmem>>
        %dma_wait3A_137 = arith.constant 0 : i32
        %dma_wait3A_138 = tpu.memref_slice %arg7[%dma_wait3A_131, %dma_wait3A_137] : memref<56x128xi32, #tpu.memory_space<vmem>> -> memref<1x128xi32, #tpu.memory_space<vmem>>
        %dma_wait3A_139 = tpu.memref_squeeze %dma_wait3A_138 : memref<1x128xi32, #tpu.memory_space<vmem>> -> memref<128xi32, #tpu.memory_space<vmem>>
        %dma_wait3A_140 = arith.constant 0 : i32
        %dma_wait3A_141 = arith.constant 0 : i32
        %dma_wait3A_142 = tpu.memref_slice %arg4[%dma_wait3A_140, %dma_wait3A_141] : memref<10240x128xf32, #tpu.memory_space<hbm>> -> memref<10240x128xf32, #tpu.memory_space<hbm>>
        tpu.wait_indirect_dma semaphore(%arg11 : memref<!tpu.dma_semaphore, #tpu.memory_space<semaphore_mem>>) src(%dma_wait3A_142 : memref<10240x128xf32, #tpu.memory_space<hbm>>) dst(%dma_wait3A_136 : memref<128x128xf32, #tpu.memory_space<vmem>>)
        %add3A_143 = arith.constant 1 : i32
        %add3A_144 = arith.addi %add3A_130, %add3A_143 : i32
        %lt3A_145 = arith.cmpi slt, %add3A_144, %min3A_49 : i32
        %convert_element_type3A_146 = arith.extui %lt3A_145 : i1 to i32
        %cond3A_147 = arith.constant 0 : i32
        %cond3A_148 = arith.cmpi ne, %convert_element_type3A_146, %cond3A_147 : i32
        scf.if %cond3A_148 {
          %add3A_150 = arith.constant 1 : i32
          %add3A_151 = arith.addi %add3A_130, %add3A_150 : i32
          %dma_start3A_152 = arith.constant 0 : i32
          %dma_start3A_153 = arith.constant 0 : i32
          %dma_start3A_154 = arith.constant 0 : i32
          %dma_start3A_155 = tpu.memref_slice %arg9[%dma_start3A_152, %dma_start3A_153, %dma_start3A_154] : memref<2x128x128xf32, #tpu.memory_space<vmem>> -> memref<1x128x128xf32, #tpu.memory_space<vmem>>
          %dma_start3A_156 = tpu.memref_squeeze %dma_start3A_155 : memref<1x128x128xf32, #tpu.memory_space<vmem>> -> memref<128x128xf32, #tpu.memory_space<vmem>>
          %dma_start3A_157 = arith.constant 0 : i32
          %dma_start3A_158 = tpu.memref_slice %arg7[%add3A_151, %dma_start3A_157] : memref<56x128xi32, #tpu.memory_space<vmem>> -> memref<1x128xi32, #tpu.memory_space<vmem>>
          %dma_start3A_159 = tpu.memref_squeeze %dma_start3A_158 : memref<1x128xi32, #tpu.memory_space<vmem>> -> memref<128xi32, #tpu.memory_space<vmem>>
          %dma_start3A_160 = arith.constant 0 : i32
          %dma_start3A_161 = arith.constant 0 : i32
          %dma_start3A_162 = tpu.memref_slice %arg4[%dma_start3A_160, %dma_start3A_161] : memref<10240x128xf32, #tpu.memory_space<hbm>> -> memref<10240x128xf32, #tpu.memory_space<hbm>>
          tpu.enqueue_indirect_dma source(%dma_start3A_162 : memref<10240x128xf32, #tpu.memory_space<hbm>>) target(%dma_start3A_156 : memref<128x128xf32, #tpu.memory_space<vmem>>) offsets(%dma_start3A_159 : memref<128xi32, #tpu.memory_space<vmem>>) semaphore(%arg11 : memref<!tpu.dma_semaphore, #tpu.memory_space<semaphore_mem>>)
        } else {
        }
        %run_scoped3A_149 = arith.constant 1 : i32
        "tpu.region"() ({
          %run_scoped3A_150 = tpu.sem_alloc : memref<!tpu.dma_semaphore, #tpu.memory_space<semaphore_mem>>
          %dma_start3A_151 = arith.constant 0 : i32
          %dma_start3A_152 = arith.constant 0 : i32
          %dma_start3A_153 = tpu.memref_slice %arg9[%run_scoped3A_149, %dma_start3A_151, %dma_start3A_152] : memref<2x128x128xf32, #tpu.memory_space<vmem>> -> memref<1x128x128xf32, #tpu.memory_space<vmem>>
          %dma_start3A_154 = tpu.memref_squeeze %dma_start3A_153 : memref<1x128x128xf32, #tpu.memory_space<vmem>> -> memref<128x128xf32, #tpu.memory_space<vmem>>
          %dma_start3A_155 = arith.constant 0 : i32
          %dma_start3A_156 = tpu.memref_slice %arg8[%add3A_130, %dma_start3A_155] : memref<56x128xi32, #tpu.memory_space<vmem>> -> memref<1x128xi32, #tpu.memory_space<vmem>>
          %dma_start3A_157 = tpu.memref_squeeze %dma_start3A_156 : memref<1x128xi32, #tpu.memory_space<vmem>> -> memref<128xi32, #tpu.memory_space<vmem>>
          %dma_start3A_158 = arith.constant 0 : i32
          %dma_start3A_159 = arith.constant 0 : i32
          %dma_start3A_160 = tpu.memref_slice %arg10[%dma_start3A_158, %dma_start3A_159] : memref<10240x128xf32, #tpu.memory_space<vmem_shared>> -> memref<10240x128xf32, #tpu.memory_space<vmem_shared>>
          tpu.enqueue_indirect_dma source(%dma_start3A_154 : memref<128x128xf32, #tpu.memory_space<vmem>>) target(%dma_start3A_160 : memref<10240x128xf32, #tpu.memory_space<vmem_shared>>) offsets(%dma_start3A_157 : memref<128xi32, #tpu.memory_space<vmem>>) semaphore(%run_scoped3A_150 : memref<!tpu.dma_semaphore, #tpu.memory_space<semaphore_mem>>) {add = true}
          %dma_wait3A_161 = arith.constant 0 : i32
          %dma_wait3A_162 = arith.constant 0 : i32
          %dma_wait3A_163 = tpu.memref_slice %arg9[%run_scoped3A_149, %dma_wait3A_161, %dma_wait3A_162] : memref<2x128x128xf32, #tpu.memory_space<vmem>> -> memref<1x128x128xf32, #tpu.memory_space<vmem>>
          %dma_wait3A_164 = tpu.memref_squeeze %dma_wait3A_163 : memref<1x128x128xf32, #tpu.memory_space<vmem>> -> memref<128x128xf32, #tpu.memory_space<vmem>>
          %dma_wait3A_165 = arith.constant 0 : i32
          %dma_wait3A_166 = tpu.memref_slice %arg8[%add3A_130, %dma_wait3A_165] : memref<56x128xi32, #tpu.memory_space<vmem>> -> memref<1x128xi32, #tpu.memory_space<vmem>>
          %dma_wait3A_167 = tpu.memref_squeeze %dma_wait3A_166 : memref<1x128xi32, #tpu.memory_space<vmem>> -> memref<128xi32, #tpu.memory_space<vmem>>
          %dma_wait3A_168 = arith.constant 0 : i32
          %dma_wait3A_169 = arith.constant 0 : i32
          %dma_wait3A_170 = tpu.memref_slice %arg10[%dma_wait3A_168, %dma_wait3A_169] : memref<10240x128xf32, #tpu.memory_space<vmem_shared>> -> memref<10240x128xf32, #tpu.memory_space<vmem_shared>>
          tpu.wait_indirect_dma semaphore(%run_scoped3A_150 : memref<!tpu.dma_semaphore, #tpu.memory_space<semaphore_mem>>) src(%dma_wait3A_164 : memref<128x128xf32, #tpu.memory_space<vmem>>) dst(%dma_wait3A_170 : memref<10240x128xf32, #tpu.memory_space<vmem_shared>>)
          tpu.yield
        }) : () -> ()
      }
      %while3A_104 = arith.constant 1 : i32
      scf.for %while3A_105 = %while3A_102 to %while3A_98 step %while3A_104  : i32 {
        %mul3A_106 = arith.constant 2 : i32
        %mul3A_107 = arith.muli %mul3A_106, %while3A_105 : i32
        %add3A_108 = arith.constant 0 : i32
        %add3A_109 = arith.addi %mul3A_107, %add3A_108 : i32
        %dma_wait3A = arith.constant 0 : i32
        %dma_wait3A_110 = arith.constant 0 : i32
        %dma_wait3A_111 = arith.constant 0 : i32
        %dma_wait3A_112 = arith.constant 0 : i32
        %dma_wait3A_113 = tpu.memref_slice %arg9[%dma_wait3A_110, %dma_wait3A_111, %dma_wait3A_112] : memref<2x128x128xf32, #tpu.memory_space<vmem>> -> memref<1x128x128xf32, #tpu.memory_space<vmem>>
        %dma_wait3A_114 = tpu.memref_squeeze %dma_wait3A_113 : memref<1x128x128xf32, #tpu.memory_space<vmem>> -> memref<128x128xf32, #tpu.memory_space<vmem>>
        %dma_wait3A_115 = arith.constant 0 : i32
        %dma_wait3A_116 = tpu.memref_slice %arg7[%dma_wait3A, %dma_wait3A_115] : memref<56x128xi32, #tpu.memory_space<vmem>> -> memref<1x128xi32, #tpu.memory_space<vmem>>
        %dma_wait3A_117 = tpu.memref_squeeze %dma_wait3A_116 : memref<1x128xi32, #tpu.memory_space<vmem>> -> memref<128xi32, #tpu.memory_space<vmem>>
        %dma_wait3A_118 = arith.constant 0 : i32
        %dma_wait3A_119 = arith.constant 0 : i32
        %dma_wait3A_120 = tpu.memref_slice %arg4[%dma_wait3A_118, %dma_wait3A_119] : memref<10240x128xf32, #tpu.memory_space<hbm>> -> memref<10240x128xf32, #tpu.memory_space<hbm>>
        tpu.wait_indirect_dma semaphore(%arg11 : memref<!tpu.dma_semaphore, #tpu.memory_space<semaphore_mem>>) src(%dma_wait3A_120 : memref<10240x128xf32, #tpu.memory_space<hbm>>) dst(%dma_wait3A_114 : memref<128x128xf32, #tpu.memory_space<vmem>>)
        %add3A_121 = arith.constant 1 : i32
        %add3A_122 = arith.addi %add3A_109, %add3A_121 : i32
        %lt3A = arith.cmpi slt, %add3A_122, %min3A_49 : i32
        %convert_element_type3A_123 = arith.extui %lt3A : i1 to i32
        %cond3A_124 = arith.constant 0 : i32
        %cond3A_125 = arith.cmpi ne, %convert_element_type3A_123, %cond3A_124 : i32
        scf.if %cond3A_125 {
          %add3A_150 = arith.constant 1 : i32
          %add3A_151 = arith.addi %add3A_109, %add3A_150 : i32
          %dma_start3A_152 = arith.constant 1 : i32
          %dma_start3A_153 = arith.constant 0 : i32
          %dma_start3A_154 = arith.constant 0 : i32
          %dma_start3A_155 = tpu.memref_slice %arg9[%dma_start3A_152, %dma_start3A_153, %dma_start3A_154] : memref<2x128x128xf32, #tpu.memory_space<vmem>> -> memref<1x128x128xf32, #tpu.memory_space<vmem>>
          %dma_start3A_156 = tpu.memref_squeeze %dma_start3A_155 : memref<1x128x128xf32, #tpu.memory_space<vmem>> -> memref<128x128xf32, #tpu.memory_space<vmem>>
          %dma_start3A_157 = arith.constant 0 : i32
          %dma_start3A_158 = tpu.memref_slice %arg7[%add3A_151, %dma_start3A_157] : memref<56x128xi32, #tpu.memory_space<vmem>> -> memref<1x128xi32, #tpu.memory_space<vmem>>
          %dma_start3A_159 = tpu.memref_squeeze %dma_start3A_158 : memref<1x128xi32, #tpu.memory_space<vmem>> -> memref<128xi32, #tpu.memory_space<vmem>>
          %dma_start3A_160 = arith.constant 0 : i32
          %dma_start3A_161 = arith.constant 0 : i32
          %dma_start3A_162 = tpu.memref_slice %arg4[%dma_start3A_160, %dma_start3A_161] : memref<10240x128xf32, #tpu.memory_space<hbm>> -> memref<10240x128xf32, #tpu.memory_space<hbm>>
          tpu.enqueue_indirect_dma source(%dma_start3A_162 : memref<10240x128xf32, #tpu.memory_space<hbm>>) target(%dma_start3A_156 : memref<128x128xf32, #tpu.memory_space<vmem>>) offsets(%dma_start3A_159 : memref<128xi32, #tpu.memory_space<vmem>>) semaphore(%arg11 : memref<!tpu.dma_semaphore, #tpu.memory_space<semaphore_mem>>)
        } else {
        }
        %run_scoped3A_126 = arith.constant 0 : i32
        "tpu.region"() ({
          %run_scoped3A_150 = tpu.sem_alloc : memref<!tpu.dma_semaphore, #tpu.memory_space<semaphore_mem>>
          %dma_start3A_151 = arith.constant 0 : i32
          %dma_start3A_152 = arith.constant 0 : i32
          %dma_start3A_153 = tpu.memref_slice %arg9[%run_scoped3A_126, %dma_start3A_151, %dma_start3A_152] : memref<2x128x128xf32, #tpu.memory_space<vmem>> -> memref<1x128x128xf32, #tpu.memory_space<vmem>>
          %dma_start3A_154 = tpu.memref_squeeze %dma_start3A_153 : memref<1x128x128xf32, #tpu.memory_space<vmem>> -> memref<128x128xf32, #tpu.memory_space<vmem>>
          %dma_start3A_155 = arith.constant 0 : i32
          %dma_start3A_156 = tpu.memref_slice %arg8[%add3A_109, %dma_start3A_155] : memref<56x128xi32, #tpu.memory_space<vmem>> -> memref<1x128xi32, #tpu.memory_space<vmem>>
          %dma_start3A_157 = tpu.memref_squeeze %dma_start3A_156 : memref<1x128xi32, #tpu.memory_space<vmem>> -> memref<128xi32, #tpu.memory_space<vmem>>
          %dma_start3A_158 = arith.constant 0 : i32
          %dma_start3A_159 = arith.constant 0 : i32
          %dma_start3A_160 = tpu.memref_slice %arg10[%dma_start3A_158, %dma_start3A_159] : memref<10240x128xf32, #tpu.memory_space<vmem_shared>> -> memref<10240x128xf32, #tpu.memory_space<vmem_shared>>
          tpu.enqueue_indirect_dma source(%dma_start3A_154 : memref<128x128xf32, #tpu.memory_space<vmem>>) target(%dma_start3A_160 : memref<10240x128xf32, #tpu.memory_space<vmem_shared>>) offsets(%dma_start3A_157 : memref<128xi32, #tpu.memory_space<vmem>>) semaphore(%run_scoped3A_150 : memref<!tpu.dma_semaphore, #tpu.memory_space<semaphore_mem>>) {add = true}
          %dma_wait3A_161 = arith.constant 0 : i32
          %dma_wait3A_162 = arith.constant 0 : i32
          %dma_wait3A_163 = tpu.memref_slice %arg9[%run_scoped3A_126, %dma_wait3A_161, %dma_wait3A_162] : memref<2x128x128xf32, #tpu.memory_space<vmem>> -> memref<1x128x128xf32, #tpu.memory_space<vmem>>
          %dma_wait3A_164 = tpu.memref_squeeze %dma_wait3A_163 : memref<1x128x128xf32, #tpu.memory_space<vmem>> -> memref<128x128xf32, #tpu.memory_space<vmem>>
          %dma_wait3A_165 = arith.constant 0 : i32
          %dma_wait3A_166 = tpu.memref_slice %arg8[%add3A_109, %dma_wait3A_165] : memref<56x128xi32, #tpu.memory_space<vmem>> -> memref<1x128xi32, #tpu.memory_space<vmem>>
          %dma_wait3A_167 = tpu.memref_squeeze %dma_wait3A_166 : memref<1x128xi32, #tpu.memory_space<vmem>> -> memref<128xi32, #tpu.memory_space<vmem>>
          %dma_wait3A_168 = arith.constant 0 : i32
          %dma_wait3A_169 = arith.constant 0 : i32
          %dma_wait3A_170 = tpu.memref_slice %arg10[%dma_wait3A_168, %dma_wait3A_169] : memref<10240x128xf32, #tpu.memory_space<vmem_shared>> -> memref<10240x128xf32, #tpu.memory_space<vmem_shared>>
          tpu.wait_indirect_dma semaphore(%run_scoped3A_150 : memref<!tpu.dma_semaphore, #tpu.memory_space<semaphore_mem>>) src(%dma_wait3A_164 : memref<128x128xf32, #tpu.memory_space<vmem>>) dst(%dma_wait3A_170 : memref<10240x128xf32, #tpu.memory_space<vmem_shared>>)
          tpu.yield
        }) : () -> ()
        %mul3A_127 = arith.constant 2 : i32
        %mul3A_128 = arith.muli %mul3A_127, %while3A_105 : i32
        %add3A_129 = arith.constant 1 : i32
        %add3A_130 = arith.addi %mul3A_128, %add3A_129 : i32
        %dma_wait3A_131 = arith.constant 0 : i32
        %dma_wait3A_132 = arith.constant 1 : i32
        %dma_wait3A_133 = arith.constant 0 : i32
        %dma_wait3A_134 = arith.constant 0 : i32
        %dma_wait3A_135 = tpu.memref_slice %arg9[%dma_wait3A_132, %dma_wait3A_133, %dma_wait3A_134] : memref<2x128x128xf32, #tpu.memory_space<vmem>> -> memref<1x128x128xf32, #tpu.memory_space<vmem>>
        %dma_wait3A_136 = tpu.memref_squeeze %dma_wait3A_135 : memref<1x128x128xf32, #tpu.memory_space<vmem>> -> memref<128x128xf32, #tpu.memory_space<vmem>>
        %dma_wait3A_137 = arith.constant 0 : i32
        %dma_wait3A_138 = tpu.memref_slice %arg7[%dma_wait3A_131, %dma_wait3A_137] : memref<56x128xi32, #tpu.memory_space<vmem>> -> memref<1x128xi32, #tpu.memory_space<vmem>>
        %dma_wait3A_139 = tpu.memref_squeeze %dma_wait3A_138 : memref<1x128xi32, #tpu.memory_space<vmem>> -> memref<128xi32, #tpu.memory_space<vmem>>
        %dma_wait3A_140 = arith.constant 0 : i32
        %dma_wait3A_141 = arith.constant 0 : i32
        %dma_wait3A_142 = tpu.memref_slice %arg4[%dma_wait3A_140, %dma_wait3A_141] : memref<10240x128xf32, #tpu.memory_space<hbm>> -> memref<10240x128xf32, #tpu.memory_space<hbm>>
        tpu.wait_indirect_dma semaphore(%arg11 : memref<!tpu.dma_semaphore, #tpu.memory_space<semaphore_mem>>) src(%dma_wait3A_142 : memref<10240x128xf32, #tpu.memory_space<hbm>>) dst(%dma_wait3A_136 : memref<128x128xf32, #tpu.memory_space<vmem>>)
        %add3A_143 = arith.constant 1 : i32
        %add3A_144 = arith.addi %add3A_130, %add3A_143 : i32
        %lt3A_145 = arith.cmpi slt, %add3A_144, %min3A_49 : i32
        %convert_element_type3A_146 = arith.extui %lt3A_145 : i1 to i32
        %cond3A_147 = arith.constant 0 : i32
        %cond3A_148 = arith.cmpi ne, %convert_element_type3A_146, %cond3A_147 : i32
        scf.if %cond3A_148 {
          %add3A_150 = arith.constant 1 : i32
          %add3A_151 = arith.addi %add3A_130, %add3A_150 : i32
          %dma_start3A_152 = arith.constant 0 : i32
          %dma_start3A_153 = arith.constant 0 : i32
          %dma_start3A_154 = arith.constant 0 : i32
          %dma_start3A_155 = tpu.memref_slice %arg9[%dma_start3A_152, %dma_start3A_153, %dma_start3A_154] : memref<2x128x128xf32, #tpu.memory_space<vmem>> -> memref<1x128x128xf32, #tpu.memory_space<vmem>>
          %dma_start3A_156 = tpu.memref_squeeze %dma_start3A_155 : memref<1x128x128xf32, #tpu.memory_space<vmem>> -> memref<128x128xf32, #tpu.memory_space<vmem>>
          %dma_start3A_157 = arith.constant 0 : i32
          %dma_start3A_158 = tpu.memref_slice %arg7[%add3A_151, %dma_start3A_157] : memref<56x128xi32, #tpu.memory_space<vmem>> -> memref<1x128xi32, #tpu.memory_space<vmem>>
          %dma_start3A_159 = tpu.memref_squeeze %dma_start3A_158 : memref<1x128xi32, #tpu.memory_space<vmem>> -> memref<128xi32, #tpu.memory_space<vmem>>
          %dma_start3A_160 = arith.constant 0 : i32
          %dma_start3A_161 = arith.constant 0 : i32
          %dma_start3A_162 = tpu.memref_slice %arg4[%dma_start3A_160, %dma_start3A_161] : memref<10240x128xf32, #tpu.memory_space<hbm>> -> memref<10240x128xf32, #tpu.memory_space<hbm>>
          tpu.enqueue_indirect_dma source(%dma_start3A_162 : memref<10240x128xf32, #tpu.memory_space<hbm>>) target(%dma_start3A_156 : memref<128x128xf32, #tpu.memory_space<vmem>>) offsets(%dma_start3A_159 : memref<128xi32, #tpu.memory_space<vmem>>) semaphore(%arg11 : memref<!tpu.dma_semaphore, #tpu.memory_space<semaphore_mem>>)
        } else {
        }
        %run_scoped3A_149 = arith.constant 1 : i32
        "tpu.region"() ({
          %run_scoped3A_150 = tpu.sem_alloc : memref<!tpu.dma_semaphore, #tpu.memory_space<semaphore_mem>>
          %dma_start3A_151 = arith.constant 0 : i32
          %dma_start3A_152 = arith.constant 0 : i32
          %dma_start3A_153 = tpu.memref_slice %arg9[%run_scoped3A_149, %dma_start3A_151, %dma_start3A_152] : memref<2x128x128xf32, #tpu.memory_space<vmem>> -> memref<1x128x128xf32, #tpu.memory_space<vmem>>
          %dma_start3A_154 = tpu.memref_squeeze %dma_start3A_153 : memref<1x128x128xf32, #tpu.memory_space<vmem>> -> memref<128x128xf32, #tpu.memory_space<vmem>>
          %dma_start3A_155 = arith.constant 0 : i32
          %dma_start3A_156 = tpu.memref_slice %arg8[%add3A_130, %dma_start3A_155] : memref<56x128xi32, #tpu.memory_space<vmem>> -> memref<1x128xi32, #tpu.memory_space<vmem>>
          %dma_start3A_157 = tpu.memref_squeeze %dma_start3A_156 : memref<1x128xi32, #tpu.memory_space<vmem>> -> memref<128xi32, #tpu.memory_space<vmem>>
          %dma_start3A_158 = arith.constant 0 : i32
          %dma_start3A_159 = arith.constant 0 : i32
          %dma_start3A_160 = tpu.memref_slice %arg10[%dma_start3A_158, %dma_start3A_159] : memref<10240x128xf32, #tpu.memory_space<vmem_shared>> -> memref<10240x128xf32, #tpu.memory_space<vmem_shared>>
          tpu.enqueue_indirect_dma source(%dma_start3A_154 : memref<128x128xf32, #tpu.memory_space<vmem>>) target(%dma_start3A_160 : memref<10240x128xf32, #tpu.memory_space<vmem_shared>>) offsets(%dma_start3A_157 : memref<128xi32, #tpu.memory_space<vmem>>) semaphore(%run_scoped3A_150 : memref<!tpu.dma_semaphore, #tpu.memory_space<semaphore_mem>>) {add = true}
          %dma_wait3A_161 = arith.constant 0 : i32
          %dma_wait3A_162 = arith.constant 0 : i32
          %dma_wait3A_163 = tpu.memref_slice %arg9[%run_scoped3A_149, %dma_wait3A_161, %dma_wait3A_162] : memref<2x128x128xf32, #tpu.memory_space<vmem>> -> memref<1x128x128xf32, #tpu.memory_space<vmem>>
          %dma_wait3A_164 = tpu.memref_squeeze %dma_wait3A_163 : memref<1x128x128xf32, #tpu.memory_space<vmem>> -> memref<128x128xf32, #tpu.memory_space<vmem>>
          %dma_wait3A_165 = arith.constant 0 : i32
          %dma_wait3A_166 = tpu.memref_slice %arg8[%add3A_130, %dma_wait3A_165] : memref<56x128xi32, #tpu.memory_space<vmem>> -> memref<1x128xi32, #tpu.memory_space<vmem>>
          %dma_wait3A_167 = tpu.memref_squeeze %dma_wait3A_166 : memref<1x128xi32, #tpu.memory_space<vmem>> -> memref<128xi32, #tpu.memory_space<vmem>>
          %dma_wait3A_168 = arith.constant 0 : i32
          %dma_wait3A_169 = arith.constant 0 : i32
          %dma_wait3A_170 = tpu.memref_slice %arg10[%dma_wait3A_168, %dma_wait3A_169] : memref<10240x128xf32, #tpu.memory_space<vmem_shared>> -> memref<10240x128xf32, #tpu.memory_space<vmem_shared>>
          tpu.wait_indirect_dma semaphore(%run_scoped3A_150 : memref<!tpu.dma_semaphore, #tpu.memory_space<semaphore_mem>>) src(%dma_wait3A_164 : memref<128x128xf32, #tpu.memory_space<vmem>>) dst(%dma_wait3A_170 : memref<10240x128xf32, #tpu.memory_space<vmem_shared>>)
          tpu.yield
        }) : () -> ()
      }
    } else {
    }
    %barrier3A_55 = arith.constant 0 : index
    tpu.barrier barrier_id(%barrier3A_55)
    %mul3A_56 = arith.constant 640 : i32
    %mul3A_57 = arith.muli %arg1, %mul3A_56 : i32
    %mul3A_58 = arith.constant 640 : i32
    %mul3A_59 = arith.muli %arg1, %mul3A_58 : i32
    "tpu.region"() ({
      %run_scoped3A_60 = tpu.sem_alloc : memref<!tpu.dma_semaphore, #tpu.memory_space<semaphore_mem>>
      %dma_start3A = arith.constant 0 : i32
      %dma_start3A_61 = tpu.memref_slice %arg6[%arg0, %mul3A_59, %dma_start3A] : memref<2x10240x128xf32, #tpu.memory_space<hbm>> -> memref<1x640x128xf32, #tpu.memory_space<hbm>>
      %dma_start3A_62 = tpu.memref_squeeze %dma_start3A_61 : memref<1x640x128xf32, #tpu.memory_space<hbm>> -> memref<640x128xf32, #tpu.memory_space<hbm>>
      %dma_start3A_63 = arith.constant 0 : i32
      %dma_start3A_64 = tpu.memref_slice %arg10[%mul3A_57, %dma_start3A_63] : memref<10240x128xf32, #tpu.memory_space<vmem_shared>> -> memref<640x128xf32, #tpu.memory_space<vmem_shared>>
      tpu.enqueue_dma source(%dma_start3A_64 : memref<640x128xf32, #tpu.memory_space<vmem_shared>>) target(%dma_start3A_62 : memref<640x128xf32, #tpu.memory_space<hbm>>) target_semaphore(%run_scoped3A_60 : memref<!tpu.dma_semaphore, #tpu.memory_space<semaphore_mem>>)
      %dma_wait3A = arith.constant 0 : i32
      %dma_wait3A_65 = tpu.memref_slice %arg6[%arg0, %mul3A_59, %dma_wait3A] : memref<2x10240x128xf32, #tpu.memory_space<hbm>> -> memref<1x640x128xf32, #tpu.memory_space<hbm>>
      %dma_wait3A_66 = tpu.memref_squeeze %dma_wait3A_65 : memref<1x640x128xf32, #tpu.memory_space<hbm>> -> memref<640x128xf32, #tpu.memory_space<hbm>>
      %dma_wait3A_67 = arith.constant 0 : i32
      %dma_wait3A_68 = tpu.memref_slice %arg10[%mul3A_57, %dma_wait3A_67] : memref<10240x128xf32, #tpu.memory_space<vmem_shared>> -> memref<640x128xf32, #tpu.memory_space<vmem_shared>>
      tpu.wait_dma2 semaphore(%run_scoped3A_60 : memref<!tpu.dma_semaphore, #tpu.memory_space<semaphore_mem>>) src(%dma_wait3A_68 : memref<640x128xf32, #tpu.memory_space<vmem_shared>>) dst(%dma_wait3A_66 : memref<640x128xf32, #tpu.memory_space<hbm>>)
      tpu.yield
    }) : () -> ()
    return
  }
}

#map = affine_map<(d0, d1) -> (0, 0)>
#map1 = affine_map<(d0, d1) -> (0, 0, 0)>
module attributes {stable_mosaic.version = 14 : i64} {
  func.func @_sc_deg_body(%arg0: i32, %arg1: i32, %arg2: memref<2672x128xi32, #tpu.memory_space<hbm>>, %arg3: memref<32x80x128xf32, #tpu.memory_space<hbm>>, %arg4: memref<80x128xi32, #tpu.memory_space<vmem>>, %arg5: memref<80x128xf32, #tpu.memory_space<vmem>>) attributes {dimension_semantics = [#tpu.dimension_semantics<core_parallel>, #tpu.dimension_semantics<subcore_parallel>], iteration_bounds = array<i64: 2, 16>, scalar_prefetch = 0 : i64, scratch_operands = 2 : i64, tpu.core_type = #tpu.core_type<sc_vector_subcore>, window_params = [{transform_indices = #map}, {transform_indices = #map1}]} {
    %mul3A = arith.constant 16 : i32
    %mul3A_0 = arith.muli %arg0, %mul3A : i32
    %add3A = arith.addi %mul3A_0, %arg1 : i32
    %broadcast_in_dim3A = arith.constant 0.000000e+00 : f32
    %broadcast_in_dim3A_1 = vector.broadcast %broadcast_in_dim3A : f32 to vector<16xf32>
    %scan3A = arith.constant 0 : i32
    %scan3A_2 = arith.constant 0 : i32
    %scan3A_3 = arith.constant 80 : i32
    %scan3A_4 = arith.addi %scan3A_2, %scan3A_3 : i32
    %scan3A_5 = arith.constant 1 : i32
    scf.for %scan3A_17 = %scan3A_2 to %scan3A_4 step %scan3A_5  : i32 {
      %swap3A = arith.index_cast %scan3A_17 : i32 to index
      %swap3A_18 = arith.constant 0 : index
      %swap3A_19 = tpu.vector_load %arg5[%swap3A, %swap3A_18] {strides = array<i32>} : memref<80x128xf32, #tpu.memory_space<vmem>>, vector<16xf32>,
      tpu.vector_store %arg5[%swap3A, %swap3A_18], %broadcast_in_dim3A_1 {strides = array<i32>} : memref<80x128xf32, #tpu.memory_space<vmem>>, vector<16xf32>,
      %swap3A_20 = arith.index_cast %scan3A_17 : i32 to index
      %swap3A_21 = arith.constant 16 : index
      %swap3A_22 = tpu.vector_load %arg5[%swap3A_20, %swap3A_21] {strides = array<i32>} : memref<80x128xf32, #tpu.memory_space<vmem>>, vector<16xf32>,
      tpu.vector_store %arg5[%swap3A_20, %swap3A_21], %broadcast_in_dim3A_1 {strides = array<i32>} : memref<80x128xf32, #tpu.memory_space<vmem>>, vector<16xf32>,
      %swap3A_23 = arith.index_cast %scan3A_17 : i32 to index
      %swap3A_24 = arith.constant 32 : index
      %swap3A_25 = tpu.vector_load %arg5[%swap3A_23, %swap3A_24] {strides = array<i32>} : memref<80x128xf32, #tpu.memory_space<vmem>>, vector<16xf32>,
      tpu.vector_store %arg5[%swap3A_23, %swap3A_24], %broadcast_in_dim3A_1 {strides = array<i32>} : memref<80x128xf32, #tpu.memory_space<vmem>>, vector<16xf32>,
      %swap3A_26 = arith.index_cast %scan3A_17 : i32 to index
      %swap3A_27 = arith.constant 48 : index
      %swap3A_28 = tpu.vector_load %arg5[%swap3A_26, %swap3A_27] {strides = array<i32>} : memref<80x128xf32, #tpu.memory_space<vmem>>, vector<16xf32>,
      tpu.vector_store %arg5[%swap3A_26, %swap3A_27], %broadcast_in_dim3A_1 {strides = array<i32>} : memref<80x128xf32, #tpu.memory_space<vmem>>, vector<16xf32>,
      %swap3A_29 = arith.index_cast %scan3A_17 : i32 to index
      %swap3A_30 = arith.constant 64 : index
      %swap3A_31 = tpu.vector_load %arg5[%swap3A_29, %swap3A_30] {strides = array<i32>} : memref<80x128xf32, #tpu.memory_space<vmem>>, vector<16xf32>,
      tpu.vector_store %arg5[%swap3A_29, %swap3A_30], %broadcast_in_dim3A_1 {strides = array<i32>} : memref<80x128xf32, #tpu.memory_space<vmem>>, vector<16xf32>,
      %swap3A_32 = arith.index_cast %scan3A_17 : i32 to index
      %swap3A_33 = arith.constant 80 : index
      %swap3A_34 = tpu.vector_load %arg5[%swap3A_32, %swap3A_33] {strides = array<i32>} : memref<80x128xf32, #tpu.memory_space<vmem>>, vector<16xf32>,
      tpu.vector_store %arg5[%swap3A_32, %swap3A_33], %broadcast_in_dim3A_1 {strides = array<i32>} : memref<80x128xf32, #tpu.memory_space<vmem>>, vector<16xf32>,
      %swap3A_35 = arith.index_cast %scan3A_17 : i32 to index
      %swap3A_36 = arith.constant 96 : index
      %swap3A_37 = tpu.vector_load %arg5[%swap3A_35, %swap3A_36] {strides = array<i32>} : memref<80x128xf32, #tpu.memory_space<vmem>>, vector<16xf32>,
      tpu.vector_store %arg5[%swap3A_35, %swap3A_36], %broadcast_in_dim3A_1 {strides = array<i32>} : memref<80x128xf32, #tpu.memory_space<vmem>>, vector<16xf32>,
      %swap3A_38 = arith.index_cast %scan3A_17 : i32 to index
      %swap3A_39 = arith.constant 112 : index
      %swap3A_40 = tpu.vector_load %arg5[%swap3A_38, %swap3A_39] {strides = array<i32>} : memref<80x128xf32, #tpu.memory_space<vmem>>, vector<16xf32>,
      tpu.vector_store %arg5[%swap3A_38, %swap3A_39], %broadcast_in_dim3A_1 {strides = array<i32>} : memref<80x128xf32, #tpu.memory_space<vmem>>, vector<16xf32>,
    }
    %scan3A_6 = arith.constant 80 : i32
    %mul3A_7 = arith.constant 80 : i32
    %mul3A_8 = arith.muli %add3A, %mul3A_7 : i32
    "tpu.region"() ({
      %run_scoped3A = tpu.sem_alloc : memref<!tpu.dma_semaphore, #tpu.memory_space<semaphore_mem>>
      %dma_start3A = arith.constant 0 : i32
      %dma_start3A_17 = tpu.memref_slice %arg2[%mul3A_8, %dma_start3A] : memref<2672x128xi32, #tpu.memory_space<hbm>> -> memref<80x128xi32, #tpu.memory_space<hbm>>
      %dma_start3A_18 = arith.constant 0 : i32
      %dma_start3A_19 = tpu.memref_slice %arg2[%mul3A_8, %dma_start3A_18] : memref<2672x128xi32, #tpu.memory_space<hbm>> -> memref<80x128xi32, #tpu.memory_space<hbm>>
      tpu.enqueue_dma source(%dma_start3A_19 : memref<80x128xi32, #tpu.memory_space<hbm>>) target(%arg4 : memref<80x128xi32, #tpu.memory_space<vmem>>) target_semaphore(%run_scoped3A : memref<!tpu.dma_semaphore, #tpu.memory_space<semaphore_mem>>)
      %dma_wait3A = arith.constant 0 : i32
      %dma_wait3A_20 = tpu.memref_slice %arg2[%mul3A_8, %dma_wait3A] : memref<2672x128xi32, #tpu.memory_space<hbm>> -> memref<80x128xi32, #tpu.memory_space<hbm>>
      %dma_wait3A_21 = arith.constant 0 : i32
      %dma_wait3A_22 = tpu.memref_slice %arg2[%mul3A_8, %dma_wait3A_21] : memref<2672x128xi32, #tpu.memory_space<hbm>> -> memref<80x128xi32, #tpu.memory_space<hbm>>
      tpu.wait_dma2 semaphore(%run_scoped3A : memref<!tpu.dma_semaphore, #tpu.memory_space<semaphore_mem>>) src(%dma_wait3A_22 : memref<80x128xi32, #tpu.memory_space<hbm>>) dst(%arg4 : memref<80x128xi32, #tpu.memory_space<vmem>>)
      tpu.yield
    }) : () -> ()
    %broadcast_in_dim3A_9 = arith.constant 1.000000e+00 : f32
    %broadcast_in_dim3A_10 = vector.broadcast %broadcast_in_dim3A_9 : f32 to vector<16xf32>
    %scan3A_11 = arith.constant 0 : i32
    %scan3A_12 = arith.constant 0 : i32
    %scan3A_13 = arith.constant 80 : i32
    %scan3A_14 = arith.addi %scan3A_12, %scan3A_13 : i32
    %scan3A_15 = arith.constant 1 : i32
    scf.for %scan3A_17 = %scan3A_12 to %scan3A_14 step %scan3A_15  : i32 {
      %get3A = arith.index_cast %scan3A_17 : i32 to index
      %get3A_18 = arith.constant 0 : index
      %get3A_19 = tpu.vector_load %arg4[%get3A, %get3A_18] {strides = array<i32>} : memref<80x128xi32, #tpu.memory_space<vmem>>, vector<16xi32>,
      %shift_right_logical3A = arith.constant 7 : i32
      %shift_right_logical3A_20 = vector.broadcast %shift_right_logical3A : i32 to vector<16xi32>
      %shift_right_logical3A_21 = arith.shrui %get3A_19, %shift_right_logical3A_20 : vector<16xi32>
      %and3A = arith.constant 127 : i32
      %and3A_22 = vector.broadcast %and3A : i32 to vector<16xi32>
      %and3A_23 = arith.andi %get3A_19, %and3A_22 : vector<16xi32>
      tpu.vector_store_idx %arg5[%shift_right_logical3A_21, %and3A_23], %broadcast_in_dim3A_10 {add = true} : memref<80x128xf32, #tpu.memory_space<vmem>>[vector<16xi32>, vector<16xi32>], vector<16xf32>,
      %get3A_24 = arith.index_cast %scan3A_17 : i32 to index
      %get3A_25 = arith.constant 16 : index
      %get3A_26 = tpu.vector_load %arg4[%get3A_24, %get3A_25] {strides = array<i32>} : memref<80x128xi32, #tpu.memory_space<vmem>>, vector<16xi32>,
      %shift_right_logical3A_27 = arith.constant 7 : i32
      %shift_right_logical3A_28 = vector.broadcast %shift_right_logical3A_27 : i32 to vector<16xi32>
      %shift_right_logical3A_29 = arith.shrui %get3A_26, %shift_right_logical3A_28 : vector<16xi32>
      %and3A_30 = arith.constant 127 : i32
      %and3A_31 = vector.broadcast %and3A_30 : i32 to vector<16xi32>
      %and3A_32 = arith.andi %get3A_26, %and3A_31 : vector<16xi32>
      tpu.vector_store_idx %arg5[%shift_right_logical3A_29, %and3A_32], %broadcast_in_dim3A_10 {add = true} : memref<80x128xf32, #tpu.memory_space<vmem>>[vector<16xi32>, vector<16xi32>], vector<16xf32>,
      %get3A_33 = arith.index_cast %scan3A_17 : i32 to index
      %get3A_34 = arith.constant 32 : index
      %get3A_35 = tpu.vector_load %arg4[%get3A_33, %get3A_34] {strides = array<i32>} : memref<80x128xi32, #tpu.memory_space<vmem>>, vector<16xi32>,
      %shift_right_logical3A_36 = arith.constant 7 : i32
      %shift_right_logical3A_37 = vector.broadcast %shift_right_logical3A_36 : i32 to vector<16xi32>
      %shift_right_logical3A_38 = arith.shrui %get3A_35, %shift_right_logical3A_37 : vector<16xi32>
      %and3A_39 = arith.constant 127 : i32
      %and3A_40 = vector.broadcast %and3A_39 : i32 to vector<16xi32>
      %and3A_41 = arith.andi %get3A_35, %and3A_40 : vector<16xi32>
      tpu.vector_store_idx %arg5[%shift_right_logical3A_38, %and3A_41], %broadcast_in_dim3A_10 {add = true} : memref<80x128xf32, #tpu.memory_space<vmem>>[vector<16xi32>, vector<16xi32>], vector<16xf32>,
      %get3A_42 = arith.index_cast %scan3A_17 : i32 to index
      %get3A_43 = arith.constant 48 : index
      %get3A_44 = tpu.vector_load %arg4[%get3A_42, %get3A_43] {strides = array<i32>} : memref<80x128xi32, #tpu.memory_space<vmem>>, vector<16xi32>,
      %shift_right_logical3A_45 = arith.constant 7 : i32
      %shift_right_logical3A_46 = vector.broadcast %shift_right_logical3A_45 : i32 to vector<16xi32>
      %shift_right_logical3A_47 = arith.shrui %get3A_44, %shift_right_logical3A_46 : vector<16xi32>
      %and3A_48 = arith.constant 127 : i32
      %and3A_49 = vector.broadcast %and3A_48 : i32 to vector<16xi32>
      %and3A_50 = arith.andi %get3A_44, %and3A_49 : vector<16xi32>
      tpu.vector_store_idx %arg5[%shift_right_logical3A_47, %and3A_50], %broadcast_in_dim3A_10 {add = true} : memref<80x128xf32, #tpu.memory_space<vmem>>[vector<16xi32>, vector<16xi32>], vector<16xf32>,
      %get3A_51 = arith.index_cast %scan3A_17 : i32 to index
      %get3A_52 = arith.constant 64 : index
      %get3A_53 = tpu.vector_load %arg4[%get3A_51, %get3A_52] {strides = array<i32>} : memref<80x128xi32, #tpu.memory_space<vmem>>, vector<16xi32>,
      %shift_right_logical3A_54 = arith.constant 7 : i32
      %shift_right_logical3A_55 = vector.broadcast %shift_right_logical3A_54 : i32 to vector<16xi32>
      %shift_right_logical3A_56 = arith.shrui %get3A_53, %shift_right_logical3A_55 : vector<16xi32>
      %and3A_57 = arith.constant 127 : i32
      %and3A_58 = vector.broadcast %and3A_57 : i32 to vector<16xi32>
      %and3A_59 = arith.andi %get3A_53, %and3A_58 : vector<16xi32>
      tpu.vector_store_idx %arg5[%shift_right_logical3A_56, %and3A_59], %broadcast_in_dim3A_10 {add = true} : memref<80x128xf32, #tpu.memory_space<vmem>>[vector<16xi32>, vector<16xi32>], vector<16xf32>,
      %get3A_60 = arith.index_cast %scan3A_17 : i32 to index
      %get3A_61 = arith.constant 80 : index
      %get3A_62 = tpu.vector_load %arg4[%get3A_60, %get3A_61] {strides = array<i32>} : memref<80x128xi32, #tpu.memory_space<vmem>>, vector<16xi32>,
      %shift_right_logical3A_63 = arith.constant 7 : i32
      %shift_right_logical3A_64 = vector.broadcast %shift_right_logical3A_63 : i32 to vector<16xi32>
      %shift_right_logical3A_65 = arith.shrui %get3A_62, %shift_right_logical3A_64 : vector<16xi32>
      %and3A_66 = arith.constant 127 : i32
      %and3A_67 = vector.broadcast %and3A_66 : i32 to vector<16xi32>
      %and3A_68 = arith.andi %get3A_62, %and3A_67 : vector<16xi32>
      tpu.vector_store_idx %arg5[%shift_right_logical3A_65, %and3A_68], %broadcast_in_dim3A_10 {add = true} : memref<80x128xf32, #tpu.memory_space<vmem>>[vector<16xi32>, vector<16xi32>], vector<16xf32>,
      %get3A_69 = arith.index_cast %scan3A_17 : i32 to index
      %get3A_70 = arith.constant 96 : index
      %get3A_71 = tpu.vector_load %arg4[%get3A_69, %get3A_70] {strides = array<i32>} : memref<80x128xi32, #tpu.memory_space<vmem>>, vector<16xi32>,
      %shift_right_logical3A_72 = arith.constant 7 : i32
      %shift_right_logical3A_73 = vector.broadcast %shift_right_logical3A_72 : i32 to vector<16xi32>
      %shift_right_logical3A_74 = arith.shrui %get3A_71, %shift_right_logical3A_73 : vector<16xi32>
      %and3A_75 = arith.constant 127 : i32
      %and3A_76 = vector.broadcast %and3A_75 : i32 to vector<16xi32>
      %and3A_77 = arith.andi %get3A_71, %and3A_76 : vector<16xi32>
      tpu.vector_store_idx %arg5[%shift_right_logical3A_74, %and3A_77], %broadcast_in_dim3A_10 {add = true} : memref<80x128xf32, #tpu.memory_space<vmem>>[vector<16xi32>, vector<16xi32>], vector<16xf32>,
      %get3A_78 = arith.index_cast %scan3A_17 : i32 to index
      %get3A_79 = arith.constant 112 : index
      %get3A_80 = tpu.vector_load %arg4[%get3A_78, %get3A_79] {strides = array<i32>} : memref<80x128xi32, #tpu.memory_space<vmem>>, vector<16xi32>,
      %shift_right_logical3A_81 = arith.constant 7 : i32
      %shift_right_logical3A_82 = vector.broadcast %shift_right_logical3A_81 : i32 to vector<16xi32>
      %shift_right_logical3A_83 = arith.shrui %get3A_80, %shift_right_logical3A_82 : vector<16xi32>
      %and3A_84 = arith.constant 127 : i32
      %and3A_85 = vector.broadcast %and3A_84 : i32 to vector<16xi32>
      %and3A_86 = arith.andi %get3A_80, %and3A_85 : vector<16xi32>
      tpu.vector_store_idx %arg5[%shift_right_logical3A_83, %and3A_86], %broadcast_in_dim3A_10 {add = true} : memref<80x128xf32, #tpu.memory_space<vmem>>[vector<16xi32>, vector<16xi32>], vector<16xf32>,
    }
    %scan3A_16 = arith.constant 80 : i32
    "tpu.region"() ({
      %run_scoped3A = tpu.sem_alloc : memref<!tpu.dma_semaphore, #tpu.memory_space<semaphore_mem>>
      %dma_start3A = arith.constant 0 : i32
      %dma_start3A_17 = arith.constant 0 : i32
      %dma_start3A_18 = tpu.memref_slice %arg3[%add3A, %dma_start3A, %dma_start3A_17] : memref<32x80x128xf32, #tpu.memory_space<hbm>> -> memref<1x80x128xf32, #tpu.memory_space<hbm>>
      %dma_start3A_19 = tpu.memref_squeeze %dma_start3A_18 : memref<1x80x128xf32, #tpu.memory_space<hbm>> -> memref<80x128xf32, #tpu.memory_space<hbm>>
      %dma_start3A_20 = arith.constant 0 : i32
      %dma_start3A_21 = arith.constant 0 : i32
      %dma_start3A_22 = tpu.memref_slice %arg3[%add3A, %dma_start3A_20, %dma_start3A_21] : memref<32x80x128xf32, #tpu.memory_space<hbm>> -> memref<1x80x128xf32, #tpu.memory_space<hbm>>
      %dma_start3A_23 = tpu.memref_squeeze %dma_start3A_22 : memref<1x80x128xf32, #tpu.memory_space<hbm>> -> memref<80x128xf32, #tpu.memory_space<hbm>>
      tpu.enqueue_dma source(%arg5 : memref<80x128xf32, #tpu.memory_space<vmem>>) target(%dma_start3A_23 : memref<80x128xf32, #tpu.memory_space<hbm>>) target_semaphore(%run_scoped3A : memref<!tpu.dma_semaphore, #tpu.memory_space<semaphore_mem>>)
      %dma_wait3A = arith.constant 0 : i32
      %dma_wait3A_24 = arith.constant 0 : i32
      %dma_wait3A_25 = tpu.memref_slice %arg3[%add3A, %dma_wait3A, %dma_wait3A_24] : memref<32x80x128xf32, #tpu.memory_space<hbm>> -> memref<1x80x128xf32, #tpu.memory_space<hbm>>
      %dma_wait3A_26 = tpu.memref_squeeze %dma_wait3A_25 : memref<1x80x128xf32, #tpu.memory_space<hbm>> -> memref<80x128xf32, #tpu.memory_space<hbm>>
      %dma_wait3A_27 = arith.constant 0 : i32
      %dma_wait3A_28 = arith.constant 0 : i32
      %dma_wait3A_29 = tpu.memref_slice %arg3[%add3A, %dma_wait3A_27, %dma_wait3A_28] : memref<32x80x128xf32, #tpu.memory_space<hbm>> -> memref<1x80x128xf32, #tpu.memory_space<hbm>>
      %dma_wait3A_30 = tpu.memref_squeeze %dma_wait3A_29 : memref<1x80x128xf32, #tpu.memory_space<hbm>> -> memref<80x128xf32, #tpu.memory_space<hbm>>
      tpu.wait_dma2 semaphore(%run_scoped3A : memref<!tpu.dma_semaphore, #tpu.memory_space<semaphore_mem>>) src(%arg5 : memref<80x128xf32, #tpu.memory_space<vmem>>) dst(%dma_wait3A_30 : memref<80x128xf32, #tpu.memory_space<hbm>>)
      tpu.yield
    }) : () -> ()
    return
  }
}

module attributes {stable_mosaic.version = 14 : i64} {
  func.func @_mm_body(%arg0: i32, %arg1: memref<1000x128xf32, #tpu.memory_space<vmem>>, %arg2: memref<128x128xf32, #tpu.memory_space<vmem>>, %arg3: memref<128x128xf32, #tpu.memory_space<vmem>>, %arg4: memref<128xf32, #tpu.memory_space<vmem>>, %arg5: memref<1000x128xf32, #tpu.memory_space<vmem>>, %arg6: memref<1000x128xf32, #tpu.memory_space<vmem>>) attributes {dimension_semantics = [#tpu.dimension_semantics<arbitrary>], iteration_bounds = array<i64: 10>, scalar_prefetch = 0 : i64, scratch_operands = 0 : i64, tpu.core_type = #tpu.core_type<tc>, window_params = [{transform_indices = @transform_0, window_bounds = array<i64: 1000, 128>}, {pipeline_mode = #tpu.pipeline_mode<synchronous>, transform_indices = @transform_1, window_bounds = array<i64: 128, 128>}, {pipeline_mode = #tpu.pipeline_mode<synchronous>, transform_indices = @transform_2, window_bounds = array<i64: 128, 128>}, {pipeline_mode = #tpu.pipeline_mode<synchronous>, transform_indices = @transform_3, window_bounds = array<i64: 128>}, {transform_indices = @transform_4, window_bounds = array<i64: 1000, 128>}, {transform_indices = @transform_5, window_bounds = array<i64: 1000, 128>}]} {
    %get3A = arith.constant 0 : index
    %get3A_0 = arith.constant 0 : index
    %get3A_1 = vector.load %arg1[%get3A, %get3A_0] : memref<1000x128xf32, #tpu.memory_space<vmem>>, vector<1000x128xf32>
    %get3A_2 = arith.constant 0 : index
    %get3A_3 = arith.constant 0 : index
    %get3A_4 = vector.load %arg2[%get3A_2, %get3A_3] : memref<128x128xf32, #tpu.memory_space<vmem>>, vector<128x128xf32>
    %dot_general3A = arith.constant dense<0.000000e+00> : vector<1000x128xf32>
    %dot_general3A_5 = tpu.matmul %get3A_1, %get3A_4, %dot_general3A {dimension_numbers = #tpu.dot_dimension_numbers<[1], [0], [0], [1], [0, 0, 1, 1], [], []>, transpose_lhs_hint = false} : vector<1000x128xf32>, vector<128x128xf32>, vector<1000x128xf32> -> vector<1000x128xf32>
    %swap3A = arith.constant 0 : index
    %swap3A_6 = arith.constant 0 : index
    %swap3A_7 = vector.load %arg5[%swap3A, %swap3A_6] : memref<1000x128xf32, #tpu.memory_space<vmem>>, vector<1000x128xf32>
    tpu.vector_store %arg5[%swap3A, %swap3A_6], %dot_general3A_5 {strides = array<i32>} : memref<1000x128xf32, #tpu.memory_space<vmem>>, vector<1000x128xf32>,
    %get3A_8 = arith.constant 0 : index
    %get3A_9 = arith.constant 0 : index
    %get3A_10 = vector.load %arg3[%get3A_8, %get3A_9] : memref<128x128xf32, #tpu.memory_space<vmem>>, vector<128x128xf32>
    %dot_general3A_11 = arith.constant dense<0.000000e+00> : vector<1000x128xf32>
    %dot_general3A_12 = tpu.matmul %get3A_1, %get3A_10, %dot_general3A_11 {dimension_numbers = #tpu.dot_dimension_numbers<[1], [0], [0], [1], [0, 0, 1, 1], [], []>, transpose_lhs_hint = false} : vector<1000x128xf32>, vector<128x128xf32>, vector<1000x128xf32> -> vector<1000x128xf32>
    %get3A_13 = arith.constant 0 : index
    %get3A_14 = vector.load %arg4[%get3A_13] : memref<128xf32, #tpu.memory_space<vmem>>, vector<128xf32>
    %broadcast_in_dim3A = vector.shape_cast %get3A_14 : vector<128xf32> to vector<1x128xf32>
    %add3A = vector.broadcast %broadcast_in_dim3A : vector<1x128xf32> to vector<1000x128xf32>
    %add3A_15 = arith.addf %dot_general3A_12, %add3A : vector<1000x128xf32>
    %swap3A_16 = arith.constant 0 : index
    %swap3A_17 = arith.constant 0 : index
    %swap3A_18 = vector.load %arg6[%swap3A_16, %swap3A_17] : memref<1000x128xf32, #tpu.memory_space<vmem>>, vector<1000x128xf32>
    tpu.vector_store %arg6[%swap3A_16, %swap3A_17], %add3A_15 {strides = array<i32>} : memref<1000x128xf32, #tpu.memory_space<vmem>>, vector<1000x128xf32>,
    return
  }
  func.func @transform_0(%arg0: i32) -> (i32, i32) {
    %c0_i32 = arith.constant 0 : i32
    %c0_i32_0 = arith.constant 0 : i32
    return %arg0, %c0_i32 : i32, i32
  }
  func.func @transform_1(%arg0: i32) -> (i32, i32) {
    %c0_i32 = arith.constant 0 : i32
    %c0_i32_0 = arith.constant 0 : i32
    %c0_i32_1 = arith.constant 0 : i32
    return %c0_i32, %c0_i32_0 : i32, i32
  }
  func.func @transform_2(%arg0: i32) -> (i32, i32) {
    %c0_i32 = arith.constant 0 : i32
    %c0_i32_0 = arith.constant 0 : i32
    %c0_i32_1 = arith.constant 0 : i32
    return %c0_i32, %c0_i32_0 : i32, i32
  }
  func.func @transform_3(%arg0: i32) -> i32 {
    %c0_i32 = arith.constant 0 : i32
    %c0_i32_0 = arith.constant 0 : i32
    return %c0_i32 : i32
  }
  func.func @transform_4(%arg0: i32) -> (i32, i32) {
    %c0_i32 = arith.constant 0 : i32
    %c0_i32_0 = arith.constant 0 : i32
    return %arg0, %c0_i32 : i32, i32
  }
  func.func @transform_5(%arg0: i32) -> (i32, i32) {
    %c0_i32 = arith.constant 0 : i32
    %c0_i32_0 = arith.constant 0 : i32
    return %arg0, %c0_i32 : i32, i32
  }
}

module attributes {stable_mosaic.version = 14 : i64} {
  func.func @_combine_mm_body(%arg0: i32, %arg1: memref<2x1024x128xf32, #tpu.memory_space<vmem>>, %arg2: memref<32x1024xf32, #tpu.memory_space<vmem>>, %arg3: memref<1024x128xf32, #tpu.memory_space<vmem>>, %arg4: memref<128x128xf32, #tpu.memory_space<vmem>>, %arg5: memref<128x128xf32, #tpu.memory_space<vmem>>, %arg6: memref<128xf32, #tpu.memory_space<vmem>>, %arg7: memref<1024x128xf32, #tpu.memory_space<vmem>>, %arg8: memref<1024x128xf32, #tpu.memory_space<vmem>>, %arg9: memref<1024xf32, #tpu.memory_space<vmem>>) attributes {dimension_semantics = [#tpu.dimension_semantics<arbitrary>], iteration_bounds = array<i64: 10>, scalar_prefetch = 0 : i64, scratch_operands = 0 : i64, tpu.core_type = #tpu.core_type<tc>, window_params = [{transform_indices = @transform_0, window_bounds = array<i64: 2, 1024, 128>}, {transform_indices = @transform_1, window_bounds = array<i64: 32, 1024>}, {transform_indices = @transform_2, window_bounds = array<i64: 1024, 128>}, {pipeline_mode = #tpu.pipeline_mode<synchronous>, transform_indices = @transform_3, window_bounds = array<i64: 128, 128>}, {pipeline_mode = #tpu.pipeline_mode<synchronous>, transform_indices = @transform_4, window_bounds = array<i64: 128, 128>}, {pipeline_mode = #tpu.pipeline_mode<synchronous>, transform_indices = @transform_5, window_bounds = array<i64: 128>}, {transform_indices = @transform_6, window_bounds = array<i64: 1024, 128>}, {transform_indices = @transform_7, window_bounds = array<i64: 1024, 128>}, {transform_indices = @transform_8, window_bounds = array<i64: 1024>}]} {
    %get3A = arith.constant 0 : index
    %get3A_0 = arith.constant 0 : index
    %get3A_1 = vector.load %arg2[%get3A, %get3A_0] : memref<32x1024xf32, #tpu.memory_space<vmem>>, vector<32x1024xf32>
    %reduce_sum3A = arith.constant dense<0.000000e+00> : vector<1024xf32>
    %reduce_sum3A_2 = vector.multi_reduction <add>, %get3A_1, %reduce_sum3A [0] : vector<32x1024xf32> to vector<1024xf32>
    %max3A = arith.constant 1.000000e+00 : f32
    %max3A_3 = vector.broadcast %max3A : f32 to vector<1024xf32>
    %max3A_4 = arith.maximumf %reduce_sum3A_2, %max3A_3 : vector<1024xf32>
    %div3A = arith.constant 1.000000e+00 : f32
    %div3A_5 = vector.broadcast %div3A : f32 to vector<1024xf32>
    %div3A_6 = arith.divf %div3A_5, %max3A_4 : vector<1024xf32>
    %get3A_7 = arith.constant 0 : index
    %get3A_8 = arith.constant 0 : index
    %get3A_9 = arith.constant 0 : index
    %get3A_10 = vector.load %arg1[%get3A_7, %get3A_8, %get3A_9] : memref<2x1024x128xf32, #tpu.memory_space<vmem>>, vector<1x1024x128xf32>
    %get3A_11 = vector.shape_cast %get3A_10 : vector<1x1024x128xf32> to vector<1024x128xf32>
    %get3A_12 = arith.constant 1 : index
    %get3A_13 = arith.constant 0 : index
    %get3A_14 = arith.constant 0 : index
    %get3A_15 = vector.load %arg1[%get3A_12, %get3A_13, %get3A_14] : memref<2x1024x128xf32, #tpu.memory_space<vmem>>, vector<1x1024x128xf32>
    %get3A_16 = vector.shape_cast %get3A_15 : vector<1x1024x128xf32> to vector<1024x128xf32>
    %add3A = arith.addf %get3A_11, %get3A_16 : vector<1024x128xf32>
    %broadcast_in_dim3A = vector.shape_cast %div3A_6 : vector<1024xf32> to vector<1024x1xf32>
    %mul3A = vector.broadcast %broadcast_in_dim3A : vector<1024x1xf32> to vector<1024x128xf32>
    %mul3A_17 = arith.mulf %add3A, %mul3A : vector<1024x128xf32>
    %get3A_18 = arith.constant 0 : index
    %get3A_19 = arith.constant 0 : index
    %get3A_20 = vector.load %arg3[%get3A_18, %get3A_19] : memref<1024x128xf32, #tpu.memory_space<vmem>>, vector<1024x128xf32>
    %add3A_21 = arith.addf %mul3A_17, %get3A_20 : vector<1024x128xf32>
    %max3A_22 = arith.constant 0.000000e+00 : f32
    %max3A_23 = vector.broadcast %max3A_22 : f32 to vector<1024x128xf32>
    %max3A_24 = arith.maximumf %add3A_21, %max3A_23 : vector<1024x128xf32>
    %get3A_25 = arith.constant 0 : index
    %get3A_26 = arith.constant 0 : index
    %get3A_27 = vector.load %arg4[%get3A_25, %get3A_26] : memref<128x128xf32, #tpu.memory_space<vmem>>, vector<128x128xf32>
    %dot_general3A = arith.constant dense<0.000000e+00> : vector<1024x128xf32>
    %dot_general3A_28 = tpu.matmul %max3A_24, %get3A_27, %dot_general3A {dimension_numbers = #tpu.dot_dimension_numbers<[1], [0], [0], [1], [0, 0, 1, 1], [], []>, transpose_lhs_hint = false} : vector<1024x128xf32>, vector<128x128xf32>, vector<1024x128xf32> -> vector<1024x128xf32>
    %swap3A = arith.constant 0 : index
    %swap3A_29 = arith.constant 0 : index
    %swap3A_30 = vector.load %arg7[%swap3A, %swap3A_29] : memref<1024x128xf32, #tpu.memory_space<vmem>>, vector<1024x128xf32>
    tpu.vector_store %arg7[%swap3A, %swap3A_29], %dot_general3A_28 {strides = array<i32>} : memref<1024x128xf32, #tpu.memory_space<vmem>>, vector<1024x128xf32>,
    %get3A_31 = arith.constant 0 : index
    %get3A_32 = arith.constant 0 : index
    %get3A_33 = vector.load %arg5[%get3A_31, %get3A_32] : memref<128x128xf32, #tpu.memory_space<vmem>>, vector<128x128xf32>
    %dot_general3A_34 = arith.constant dense<0.000000e+00> : vector<1024x128xf32>
    %dot_general3A_35 = tpu.matmul %max3A_24, %get3A_33, %dot_general3A_34 {dimension_numbers = #tpu.dot_dimension_numbers<[1], [0], [0], [1], [0, 0, 1, 1], [], []>, transpose_lhs_hint = false} : vector<1024x128xf32>, vector<128x128xf32>, vector<1024x128xf32> -> vector<1024x128xf32>
    %get3A_36 = arith.constant 0 : index
    %get3A_37 = vector.load %arg6[%get3A_36] : memref<128xf32, #tpu.memory_space<vmem>>, vector<128xf32>
    %broadcast_in_dim3A_38 = vector.shape_cast %get3A_37 : vector<128xf32> to vector<1x128xf32>
    %add3A_39 = vector.broadcast %broadcast_in_dim3A_38 : vector<1x128xf32> to vector<1024x128xf32>
    %add3A_40 = arith.addf %dot_general3A_35, %add3A_39 : vector<1024x128xf32>
    %swap3A_41 = arith.constant 0 : index
    %swap3A_42 = arith.constant 0 : index
    %swap3A_43 = vector.load %arg8[%swap3A_41, %swap3A_42] : memref<1024x128xf32, #tpu.memory_space<vmem>>, vector<1024x128xf32>
    tpu.vector_store %arg8[%swap3A_41, %swap3A_42], %add3A_40 {strides = array<i32>} : memref<1024x128xf32, #tpu.memory_space<vmem>>, vector<1024x128xf32>,
    %swap3A_44 = arith.constant 0 : index
    %swap3A_45 = vector.load %arg9[%swap3A_44] : memref<1024xf32, #tpu.memory_space<vmem>>, vector<1024xf32>
    tpu.vector_store %arg9[%swap3A_44], %div3A_6 {strides = array<i32>} : memref<1024xf32, #tpu.memory_space<vmem>>, vector<1024xf32>,
    return
  }
  func.func @transform_0(%arg0: i32) -> (i32, i32, i32) {
    %c0_i32 = arith.constant 0 : i32
    %c0_i32_0 = arith.constant 0 : i32
    %c0_i32_1 = arith.constant 0 : i32
    return %c0_i32, %arg0, %c0_i32_0 : i32, i32, i32
  }
  func.func @transform_1(%arg0: i32) -> (i32, i32) {
    %c0_i32 = arith.constant 0 : i32
    %c0_i32_0 = arith.constant 0 : i32
    return %c0_i32, %arg0 : i32, i32
  }
  func.func @transform_2(%arg0: i32) -> (i32, i32) {
    %c0_i32 = arith.constant 0 : i32
    %c0_i32_0 = arith.constant 0 : i32
    return %arg0, %c0_i32 : i32, i32
  }
  func.func @transform_3(%arg0: i32) -> (i32, i32) {
    %c0_i32 = arith.constant 0 : i32
    %c0_i32_0 = arith.constant 0 : i32
    %c0_i32_1 = arith.constant 0 : i32
    return %c0_i32, %c0_i32_0 : i32, i32
  }
  func.func @transform_4(%arg0: i32) -> (i32, i32) {
    %c0_i32 = arith.constant 0 : i32
    %c0_i32_0 = arith.constant 0 : i32
    %c0_i32_1 = arith.constant 0 : i32
    return %c0_i32, %c0_i32_0 : i32, i32
  }
  func.func @transform_5(%arg0: i32) -> i32 {
    %c0_i32 = arith.constant 0 : i32
    %c0_i32_0 = arith.constant 0 : i32
    return %c0_i32 : i32
  }
  func.func @transform_6(%arg0: i32) -> (i32, i32) {
    %c0_i32 = arith.constant 0 : i32
    %c0_i32_0 = arith.constant 0 : i32
    return %arg0, %c0_i32 : i32, i32
  }
  func.func @transform_7(%arg0: i32) -> (i32, i32) {
    %c0_i32 = arith.constant 0 : i32
    %c0_i32_0 = arith.constant 0 : i32
    return %arg0, %c0_i32 : i32, i32
  }
  func.func @transform_8(%arg0: i32) -> i32 {
    %c0_i32 = arith.constant 0 : i32
    return %arg0 : i32
  }
}

module attributes {stable_mosaic.version = 14 : i64} {
  func.func @_final_body(%arg0: i32, %arg1: memref<2x1024x128xf32, #tpu.memory_space<vmem>>, %arg2: memref<1024xf32, #tpu.memory_space<vmem>>, %arg3: memref<1024x128xf32, #tpu.memory_space<vmem>>, %arg4: memref<1024x128xf32, #tpu.memory_space<vmem>>) attributes {dimension_semantics = [#tpu.dimension_semantics<arbitrary>], iteration_bounds = array<i64: 10>, scalar_prefetch = 0 : i64, scratch_operands = 0 : i64, tpu.core_type = #tpu.core_type<tc>, window_params = [{transform_indices = @transform_0, window_bounds = array<i64: 2, 1024, 128>}, {transform_indices = @transform_1, window_bounds = array<i64: 1024>}, {transform_indices = @transform_2, window_bounds = array<i64: 1024, 128>}, {transform_indices = @transform_3, window_bounds = array<i64: 1024, 128>}]} {
    %get3A = arith.constant 0 : index
    %get3A_0 = arith.constant 0 : index
    %get3A_1 = arith.constant 0 : index
    %get3A_2 = vector.load %arg1[%get3A, %get3A_0, %get3A_1] : memref<2x1024x128xf32, #tpu.memory_space<vmem>>, vector<1x1024x128xf32>
    %get3A_3 = vector.shape_cast %get3A_2 : vector<1x1024x128xf32> to vector<1024x128xf32>
    %get3A_4 = arith.constant 1 : index
    %get3A_5 = arith.constant 0 : index
    %get3A_6 = arith.constant 0 : index
    %get3A_7 = vector.load %arg1[%get3A_4, %get3A_5, %get3A_6] : memref<2x1024x128xf32, #tpu.memory_space<vmem>>, vector<1x1024x128xf32>
    %get3A_8 = vector.shape_cast %get3A_7 : vector<1x1024x128xf32> to vector<1024x128xf32>
    %add3A = arith.addf %get3A_3, %get3A_8 : vector<1024x128xf32>
    %get3A_9 = arith.constant 0 : index
    %get3A_10 = vector.load %arg2[%get3A_9] : memref<1024xf32, #tpu.memory_space<vmem>>, vector<1024xf32>
    %broadcast_in_dim3A = vector.shape_cast %get3A_10 : vector<1024xf32> to vector<1024x1xf32>
    %mul3A = vector.broadcast %broadcast_in_dim3A : vector<1024x1xf32> to vector<1024x128xf32>
    %mul3A_11 = arith.mulf %add3A, %mul3A : vector<1024x128xf32>
    %get3A_12 = arith.constant 0 : index
    %get3A_13 = arith.constant 0 : index
    %get3A_14 = vector.load %arg3[%get3A_12, %get3A_13] : memref<1024x128xf32, #tpu.memory_space<vmem>>, vector<1024x128xf32>
    %add3A_15 = arith.addf %mul3A_11, %get3A_14 : vector<1024x128xf32>
    %max3A = arith.constant 0.000000e+00 : f32
    %max3A_16 = vector.broadcast %max3A : f32 to vector<1024x128xf32>
    %max3A_17 = arith.maximumf %add3A_15, %max3A_16 : vector<1024x128xf32>
    %swap3A = arith.constant 0 : index
    %swap3A_18 = arith.constant 0 : index
    %swap3A_19 = vector.load %arg4[%swap3A, %swap3A_18] : memref<1024x128xf32, #tpu.memory_space<vmem>>, vector<1024x128xf32>
    tpu.vector_store %arg4[%swap3A, %swap3A_18], %max3A_17 {strides = array<i32>} : memref<1024x128xf32, #tpu.memory_space<vmem>>, vector<1024x128xf32>,
    return
  }
  func.func @transform_0(%arg0: i32) -> (i32, i32, i32) {
    %c0_i32 = arith.constant 0 : i32
    %c0_i32_0 = arith.constant 0 : i32
    %c0_i32_1 = arith.constant 0 : i32
    return %c0_i32, %arg0, %c0_i32_0 : i32, i32, i32
  }
  func.func @transform_1(%arg0: i32) -> i32 {
    %c0_i32 = arith.constant 0 : i32
    return %arg0 : i32
  }
  func.func @transform_2(%arg0: i32) -> (i32, i32) {
    %c0_i32 = arith.constant 0 : i32
    %c0_i32_0 = arith.constant 0 : i32
    return %arg0, %c0_i32 : i32, i32
  }
  func.func @transform_3(%arg0: i32) -> (i32, i32) {
    %c0_i32 = arith.constant 0 : i32
    %c0_i32_0 = arith.constant 0 : i32
    return %arg0, %c0_i32 : i32, i32
  }
}

</mosaic_0001>

<sc_bundles>
// kernel: kernel.11.cloned.1.call-start
scs
__scs_entry_jumppad:
0x0: {  	(pc) =	sbr.rel $0x88, $3  }
0x1: {  	(tag) =	ssettag $0x0;
	lr =	simm.s32 $0x1  }
0x2: {  	[smem:$0x3F99] =	sst lr;
	_ =	strace $0xD0000000  }
0x3: {  	_ = 	snop  }
0x4: {  	_ = 	snop  }
0x5: {  	_ = 	snop  }
0x6: {  	_ = 	snop  }
0x7: {  	_ = 	snop  }
__scs_overlays_trampoline_lowered:
0x8: {  	[smem:$0x3FA8] =	sst s0  }
0x9: {  	[smem:$0x3FA9] =	sst s1  }
0xa: {  	[smem:$0x3FAA] =	sst s2  }
0xb: {  	[smem:$0x3FAB] =	sst s3  }
0xc: {  	[smem:$0x3FAC] =	sst s4  }
0xd: {  	[smem:$0x3FAD] =	sst s5  }
0xe: {  	[smem:$0x3FAE] =	sst s6  }
0xf: {  	[smem:$0x3FAF] =	sst s7  }
0x10: {  	[smem:$0x3FB0] =	sst s8  }
0x11: {  	[smem:$0x3FB1] =	sst s9;
	s0 =	simm.s32 @!p0 $0x0  }
0x12: {  	s1 =	sld [smem:$0x3F97];
	s0 =	simm.s32 @p0 $0x1  }
0x13: {  	[smem:$0x3FB2] =	sst s0;
	s0 =	simm.s32 @!p1 $0x0  }
0x14: {  	s2 =	sld [smem:$0x3F96];
	s0 =	simm.s32 @p1 $0x1  }
0x15: {  	[smem:$0x3FB3] =	sst s0;
	s0 =	simm.s32 @!p2 $0x0  }
0x16: {  	s3 =	sld [smem:$0x3FDB];
	s0 =	simm.s32 @p2 $0x1  }
0x17: {  	s4 =	simm.s32 $0x1BF5;
	[smem:$0x3FB5] =	sst s0  }
0x18: {  	s0 =	sld [smem:$0x3F98];
	_ =	swait.ge [sflag:s4], $0x0  }
0x19: {  	s7 =	sld [smem:$0x3F99]  }
0x1a: {  	s8 =	sadd.s32 $0xFFFFE003, lr  }
0x1b: {  	s9 =	sadd.s32 $0xFFFFFEF7, lr;
	s5 =	simm.s32 $0xFFFFFFFF;
	p2 =	slt.u32 s8, $0xFFFFF086  }
0x1c: {  	p1 =	slt.u32 s9, $0xF7A;
	s5 =	simm.s32 @!p2 $0x0  }
0x1d: {  	s5 =	simm.s32 @p1 $0x1;
	p0 =	seq.s32 s7, s2  }
0x1e: {  	s7 =	smul.u32 @!p0 $0xF7A, s2;
	p2 =	seq.s32 @!p0 s5, $0x0  }
0x1f: {  	s9 =	smul.u32 $0xF7A, s1;
	s8 =	simm.s32 @!p0 $0x1BF5;
	p2 =	por !p2, p0  }
0x20: {  	[sflag:s8] =	ssyncset.s32 @!p0 $0xFFFFF086;
	s6 =	sadd.s32 @!p0 s3, s7;
	s7 =	simm.s32 @!p0 $0x108  }
0x21: {  	s3 =	sadd.s32 s3, s9;
	s6 =	sadd.s32 @!p0 $0x88, s6;
	s7 =	simm.s32 @p2 $0x1082  }
0x22: {  	[simem:s7], [sflag:s8] =	dma.local @!p0 [hbm:s6], $0xF7A  }
0x23: {  	s9 =	sor.u32 $0xD0000000, s2;
	s6 =	simm.s32 $0x108;
	_ =	swait.ge @!p0 [sflag:s8], $0x0  }
0x24: {  	s3 =	sadd.s32 $0x88, s3;
	s6 =	simm.s32 @!p1 $0x1082;
	[sflag:s4] =	ssyncset.s32 $0xFFFFF086  }
0x25: {  	[simem:s6], [sflag:s4] =	dma.local [hbm:s3], $0xF7A  }
0x26: {  	[smem:$0x3F99] =	sst s1;
	(tag) =	ssettag s2;
	_ =	strace s9  }
0x27: {  	s1 =	sld [smem:$0x3FA9]  }
0x28: {  	s2 =	sld [smem:$0x3FAA]  }
0x29: {  	s4 =	sld [smem:$0x3FAC]  }
0x2a: {  	p0 =	seq.s32 s5, $0x0;
	s5 =	sld [smem:$0x3FAD]  }
0x2b: {  	s6 =	sld [smem:$0x3FAE]  }
0x2c: {  	s7 =	sld [smem:$0x3FAF]  }
0x2d: {  	s3 =	simm.s32 $0x108;
	s8 =	sld [smem:$0x3FB0]  }
0x2e: {  	s3 =	simm.s32 @!p0 $0x1082;
	s9 =	sld [smem:$0x3FB1]  }
0x2f: {  	lr =	sadd.s32 s0, s3;
	s0 =	sld [smem:$0x3FA8]  }
0x30: {  	s3 =	sld [smem:$0x3FAB]  }
0x31: {  	[smem:$0x3FB4] =	sst s10  }
0x32: {  	s10 =	sld [smem:$0x3FB2];
	_ =	sdelay $0x3  }
0x33: {  	p0 =	seq.s32 s10, $0x1;
	s10 =	sld [smem:$0x3FB4];
	_ =	sdelay $0x3  }
0x34: {  	[smem:$0x3FB4] =	sst s10  }
0x35: {  	s10 =	sld [smem:$0x3FB3];
	_ =	sdelay $0x3  }
0x36: {  	p1 =	seq.s32 s10, $0x1;
	s10 =	sld [smem:$0x3FB4];
	_ =	sdelay $0x3  }
0x37: {  	[smem:$0x3FB4] =	sst s10  }
0x38: {  	s10 =	sld [smem:$0x3FB5]  }
0x39: {  	_ = 	snop;
	(pc) =	sbr.ind lr, $3  }
0x3a: {  	_ = 	snop  }
0x3b: {  	_ = 	snop  }
0x3c: {  	p2 =	seq.s32 s10, $0x1;
	s10 =	sld [smem:$0x3FB4]  }
0x3d: {  	_ =	shalt  }
0x3e: {  	_ =	shalt  }
0x3f: {  	_ =	shalt  }
0x40: {  	_ =	shalt  }
0x41: {  	_ =	shalt  }
0x42: {  	_ =	shalt  }
0x43: {  	_ =	shalt  }
0x44: {  	_ =	shalt  }
0x45: {  	_ =	shalt  }
0x46: {  	_ =	shalt  }
0x47: {  	_ =	shalt  }
0x48: {  	_ =	shalt  }
0x49: {  	_ =	shalt  }
0x4a: {  	_ =	shalt  }
0x4b: {  	_ =	shalt  }
0x4c: {  	_ =	shalt  }
0x4d: {  	_ =	shalt  }
0x4e: {  	_ =	shalt  }
0x4f: {  	_ =	shalt  }
0x50: {  	_ =	shalt  }
0x51: {  	_ =	shalt  }
0x52: {  	_ =	shalt  }
0x53: {  	_ =	shalt  }
0x54: {  	_ =	shalt  }
0x55: {  	_ =	shalt  }
0x56: {  	_ =	shalt  }
0x57: {  	_ =	shalt  }
0x58: {  	_ =	shalt  }
0x59: {  	_ =	shalt  }
0x5a: {  	_ =	shalt  }
0x5b: {  	_ =	shalt  }
0x5c: {  	_ =	shalt  }
0x5d: {  	_ =	shalt  }
0x5e: {  	_ =	shalt  }
0x5f: {  	_ =	shalt  }
0x60: {  	_ =	shalt  }
0x61: {  	_ =	shalt  }
0x62: {  	_ =	shalt  }
0x63: {  	_ =	shalt  }
0x64: {  	_ =	shalt  }
0x65: {  	_ =	shalt  }
0x66: {  	_ =	shalt  }
0x67: {  	_ =	shalt  }
0x68: {  	_ =	shalt  }
0x69: {  	_ =	shalt  }
0x6a: {  	_ =	shalt  }
0x6b: {  	_ =	shalt  }
0x6c: {  	_ =	shalt  }
0x6d: {  	_ =	shalt  }
0x6e: {  	_ =	shalt  }
0x6f: {  	_ =	shalt  }
0x70: {  	_ =	shalt  }
0x71: {  	_ =	shalt  }
0x72: {  	_ =	shalt  }
0x73: {  	_ =	shalt  }
0x74: {  	_ =	shalt  }
0x75: {  	_ =	shalt  }
0x76: {  	_ =	shalt  }
0x77: {  	_ =	shalt  }
0x78: {  	_ =	shalt  }
0x79: {  	_ =	shalt  }
0x7a: {  	_ =	shalt  }
0x7b: {  	_ =	shalt  }
0x7c: {  	_ =	shalt  }
0x7d: {  	_ =	shalt  }
0x7e: {  	_ =	shalt  }
0x7f: {  	_ =	shalt  }
0x80: {  	_ =	shalt  }
0x81: {  	_ =	shalt  }
0x82: {  	_ =	shalt  }
0x83: {  	_ =	shalt  }
0x84: {  	_ =	shalt  }
0x85: {  	_ =	shalt  }
0x86: {  	_ =	shalt  }
0x87: {  	_ =	shalt  }
.Lfunc_end0:
.L_simem_size_0:
called_computation.1_lowered:
.L_overlay_start_0:
0x88: {  	s2 =	sld [smem:$0x3FD9]  }
0x89: {  	s3 =	sld [smem:$0x3FFE];
	_ =	sdelay $0x1  }
0x8a: {  	s1 =	srdreg.scid  }
0x8b: {  	s0 =	sand.u32 $0x1, s1  }
0x8c: {  	s17 =	sshll.u32 s0, $0xA;
	s2 =	sadd.s32 s3, s2  }
0x8d: {  	s2 =	sadd.s32 s2, s17  }
0x8e: {  	[smem:$0x3FC0] =	sst s2  }
0x8f: {  	_ = 	snop  }
0x90: {  	s2 =	sld [smem:$0x3FD0];
	(tm) =	ssettm $0x1  }
0x91: {  	s18 =	sld [smem:$0x3FFB];
	_ =	sdelay $0x3  }
0x92: {  	_ =	strace s18  }
0x93: {  	s3 =	sld [smem:$0x3FFC];
	_ =	sdelay $0x3  }
0x94: {  	_ =	strace s3  }
0x95: {  	s3 =	sld [smem:$0x3FFD];
	_ =	sdelay $0x3  }
0x96: {  	_ =	strace s3  }
0x97: {  	_ =	strace $0x8FFFFFFF  }
0x98: {  	s19 =	sld [smem:$0x3FDB];
	_ =	sdelay $0x1  }
0x99: {  	s4 =	simm.s32 $_scs_section_size  }
0x9a: {  	s5 =	simm.s32 $_size__tile_overlayer_lowered;
	s6 =	simm.s32 $_tile_overlayer_lowered  }
0x9b: {  	s22 =	simm.s32 $0x1BFF;
	s21 =	sshll.u32 s6, $0x1;
	s3 =	sadd.s32 s4, s19  }
0x9c: {  	s7 =	simm.s32 $0x0;
	s20 =	sshll.u32 s5, $0x1;
	s5 =	sadd.s32 s21, s3  }
0x9d: {  	[timem:s7], [sflag:s22] =	dma.local [hbm:s5], s20  }
0x9e: {  	_ =	swait.ge [sflag:s22], s20  }
0x9f: {  	s4 =	ssub.s32 $0x0, s20;
	[sflag:s22] =	ssyncset.done $0x0  }
0xa0: {  	[sflag:s22] =	ssyncadd.s32 s4;
	_ =	sdelay $0x1  }
0xa1: {  	s23 =	simm.s32 $0x1B8B  }
0xa2: {  	_ =	swait.ge [sflag:s23], $0x1  }
0xa3: {  	[sflag:s23] =	ssyncset.done $0x0  }
0xa4: {  	s25 =	simm.s32 $0x1B8E;
	s24 =	sld [smem:$0x3FFE];
	[sflag:s23] =	ssyncadd.s32 $0xFFFFFFFF  }
0xa5: {  	s26 =	simm.s32 $execute0_lowered;
	[smem:$0x3FD2] =	sst s25  }
0xa6: {  	s5 =	sshll.u32 s26, $0x1;
	_ =	strace $0x80000049;
	[dreg:$0x1] =	wrdreg $0xFFFFFFFF  }
0xa7: {  	s28 =	simm.s32 $_size_execute0_lowered;
	s3 =	sadd.s32 s3, s5;
	[dreg:$0x0] =	wrdreg $0x0  }
0xa8: {  	s5 =	sshll.u32 s28, $0x1;
	[dreg:$0x2] =	wrdreg s3  }
0xa9: {  	[dreg:$0x3] =	wrdreg s5  }
0xaa: {  	[dreg:$0x4] =	wrdreg $0xC0  }
0xab: {  	_ =	task [dreg:s7], $0x5FFFF  }
0xac: {  	[dreg:$0x1] =	wrdreg $0xFFFFFFFF  }
0xad: {  	[dreg:$0x0] =	wrdreg $0x60  }
0xae: {  	[dreg:$0x2] =	wrdreg s2  }
0xaf: {  	[dreg:$0x3] =	wrdreg s24  }
0xb0: {  	[dreg:$0x4] =	wrdreg $0xB8000  }
0xb1: {  	[dreg:$0x5] =	wrdreg $0x9  }
0xb2: {  	_ =	task.clear_ibuf [dreg:s7], $0x6FFFF;
	_ =	strace $0x90000049  }
0xb3: {  	s29 =	simm.s32 $0x9;
	_ =	strace $0x8000004B  }
0xb4: {  	_ =	swait.ge [sflag:s29], $0x1  }
0xb5: {  	[sflag:s29] =	ssyncadd.s32 $0xFFFFFFFF  }
0xb6: {  	_ =	strace $0x9000004B  }
0xb7: {  	_ =	sfence  }
0xb8: {  	s30 =	sld [smem:$0x0];
	_ =	sdelay $0x2  }
0xb9: {  	s31 =	sshll.u32 s1, $0xD;
	s1 =	sshrl.u32 s1, $0x2  }
0xba: {  	s3 =	sand.u32 $0x4000, s31;
	s1 =	sadd.s32 s1, s30  }
0xbb: {  	s0 =	sor.u32 s3, s0;
	s1 =	sshll.u32 s1, $0x11  }
0xbc: {  	s0 =	sor.u32 s1, s0  }
0xbd: {  	s0 =	sadd.s32 $0x8F2B, s0  }
0xbe: {  	[sflag:s0] =	ssyncadd.remote.s32 $0x1  }
0xbf: {  	_ =	sfence.sel $0xFFFF  }
0xc0: {  	[dreg:$0x0] =	wrdreg $0xFFFFFFFF;
	(pc) =	sbr.abs _section_cstart, $3  }
0xc1: {  	[dreg:$0x1] =	wrdreg $0xFFFFFFFF  }
0xc2: {  	_ =	task.clear_ibuf [dreg:s7], $0x2FFFF;
	_ =	strace $0x9FFFFFFF  }
0xc3: {  	(tm) =	ssettm $0x7FFFFFFF  }
tec
execute0_lowered:
.L_overlay_start_1:
0x0: {  	(tag) =	ssettag $0x1  }
0x1: {  	s12 =	rddreg [dreg:$0x0]  }
0x2: {  	s5 =	rddreg [dreg:$0x1]  }
0x3: {  	s1 =	rddreg [dreg:$0x2]  }
0x4: {  	s2 =	srdreg.scid;
	s0 =	rddreg [dreg:$0x3]  }
0x5: {  	s3 =	simm.s32 $0x0;
	s18 =	simm.s32 $0x1C00;
	s19 =	simm.s32 $0x80  }
0x6: {  	s20 =	simm.s32 $0x1;
	s21 =	simm.s32 $0x7800;
	s22 =	simm.s32 $0x1B80  }
0x7: {  	s23 =	simm.s32 $0x3700;
	s24 =	simm.s32 $0x3780;
	s25 =	simm.s32 $0xB80  }
0x8: {  	s26 =	simm.s32 $0x2700;
	s6 =	sand.u32 $0x1, s2;
	s2 =	stileid.u32  }
0x9: {  	s28 =	simm.s32 $0x2780;
	[smem:$0x7FF] =	sst s3;
	s7 =	smul.u32 $0x140000, s6  }
0xa: {  	s13 =	sadd.s32 $0x2600, s5;
	s4 =	sadd.s32 $0x16E00, s5;
	s8 =	smul.u32 $0x14000, s2  }
0xb: {  	_ =	strace $0x8000004A;
	s30 =	ssub.s32 $0x2, s6;
	s11 =	smul.u32 $0x500, s2  }
0xc: {  	s9 =	smul.u32 $0x50000, s2;
	p0 =	seq.s32 s6, $0x0;
	s10 =	sshrl.u32 s30, $0x1  }
0xd: {  	s7 =	sadd.s32 s8, s7;
	s15 =	ssub.s32 s30, s10;
	s16 =	sadd.s32 $0x5000, s11  }
0xe: {  	s31 =	sshrl.u32 s9, $0x2;
	s7 =	sshrl.u32 s7, $0x3;
	s16 =	smov.u32 @p0 s11  }
0xf: {  	s15 =	smax.u32 s15, $0x1;
	s14 =	sadd.s32 s7, s5;
	s5 =	sadd.s32 s31, s1  }
0x10: {  	s17 =	sadd.s32 $0x380, s16;
	s10 =	sadd.s32 s12, s16;
	s11 =	sadd.s32 s13, s16  }
0x11: {  	s16 =	simm.s32 $0x3800;
	s6 =	sadd.s32 $0x4000, s5;
	s7 =	sadd.s32 $0x8000, s5  }
0x12: {  	s8 =	sadd.s32 $0xC000, s5;
	s9 =	sadd.s32 $0x10000, s5;
	s12 =	sadd.s32 s12, s17  }
0x13: {  	v0 =	vimm.f32 $0.0e+00;
	s13 =	sadd.s32 s13, s17;
	s14 =	sadd.s32 $0x3EE00, s14;
	s17 =	simm.s32 $0x2  }
.LBB2_1:
0x14: {  	s29 =	simm.s32 $0x0;
	s30 =	simm.s32 $0x200  }
.LBB2_2:
0x15: {  	p0 =	sne.s32 s30, $0xFE00;
	[tilespmem:s29+$0x3870] =	vst v0  }
0x16: {  	[tilespmem:s29+$0x3800] =	vst v0  }
0x17: {  	[tilespmem:s29+$0x3810] =	vst v0  }
.Ltmp0:
0x18: {  	[tilespmem:s29+$0x3820] =	vst v0;
	(pc) =	sbr.rel @p0 .LBB2_2-.Ltmp0, $4  }
0x19: {  	[tilespmem:s29+$0x3830] =	vst v0  }
0x1a: {  	[tilespmem:s29+$0x3840] =	vst v0  }
0x1b: {  	[tilespmem:s29+$0x3850] =	vst v0  }
0x1c: {  	[tilespmem:s29+$0x3860] =	vst v0;
	s29 =	sshra.s32 s30, $0x2;
	s30 =	sadd.s32 $0x200, s30  }
0x1d: {  	[tilespmem:s29+$0x3870] =	vst v0  }
0x1e: {  	[tilespmem:s29+$0x3800] =	vst v0  }
0x1f: {  	[tilespmem:s29+$0x3810] =	vst v0  }
0x20: {  	[tilespmem:s29+$0x3820] =	vst v0  }
0x21: {  	[tilespmem:s29+$0x3830] =	vst v0  }
0x22: {  	[tilespmem:s29+$0x3840] =	vst v0  }
0x23: {  	[tilespmem:s29+$0x3850] =	vst v0  }
0x24: {  	[tilespmem:s29+$0x3860] =	vst v0  }
0x25: {  	[spmem:s5] =	stream.linear.scatter [tilespmem:s16], [sflag:$0x2], $0x4000, $0x38;
	[tilespmem:$0x1F800] =	vst v63  }
0x26: {  	_ =	swait.ge [sflag:s17], $0x4000  }
0x27: {  	[sflag:s17] =	ssyncset.done $0x0  }
0x28: {  	[sflag:s17] =	ssyncadd.s32 $0xFFFFC000  }
0x29: {  	[spmem:s6] =	stream.linear.scatter [tilespmem:s16], [sflag:$0x2], $0x4000, $0x38;
	[tilespmem:$0x1F800] =	vst v63  }
0x2a: {  	_ =	swait.ge [sflag:s17], $0x4000  }
0x2b: {  	[sflag:s17] =	ssyncset.done $0x0  }
0x2c: {  	[sflag:s17] =	ssyncadd.s32 $0xFFFFC000  }
0x2d: {  	[spmem:s7] =	stream.linear.scatter [tilespmem:s16], [sflag:$0x2], $0x4000, $0x38;
	[tilespmem:$0x1F800] =	vst v63  }
0x2e: {  	_ =	swait.ge [sflag:s17], $0x4000  }
0x2f: {  	[sflag:s17] =	ssyncset.done $0x0  }
0x30: {  	[sflag:s17] =	ssyncadd.s32 $0xFFFFC000  }
0x31: {  	[spmem:s8] =	stream.linear.scatter [tilespmem:s16], [sflag:$0x2], $0x4000, $0x38;
	[tilespmem:$0x1F800] =	vst v63  }
0x32: {  	_ =	swait.ge [sflag:s17], $0x4000  }
0x33: {  	[sflag:s17] =	ssyncset.done $0x0  }
0x34: {  	[sflag:s17] =	ssyncadd.s32 $0xFFFFC000  }
0x35: {  	[spmem:s9] =	stream.linear.scatter [tilespmem:s16], [sflag:$0x2], $0x4000, $0x38;
	[tilespmem:$0x1F800] =	vst v63  }
0x36: {  	_ =	swait.ge [sflag:s17], $0x4000  }
0x37: {  	[sflag:s17] =	ssyncset.done $0x0  }
0x38: {  	[sflag:s17] =	ssyncadd.s32 $0xFFFFC000  }
0x39: {  	s29 =	simm.s32 $0x0;
	[bflag:$0x0] =	sbarrier.arrive $0xFFFF  }
0x3a: {  	[tilespmem:s29], [sflag:$0x2] =	stream.linear.gather [hbm4b:s10+s29], $0x1C00, $0x38;
	[tilespmem:$0x1F800] =	vst v63  }
0x3b: {  	_ =	swait.ge [sflag:s17], $0x1C00  }
0x3c: {  	[sflag:s17] =	ssyncset.done $0x0  }
0x3d: {  	[sflag:s17] =	ssyncadd.s32 $0xFFFFE400  }
0x3e: {  	[tilespmem:s18], [sflag:$0x2] =	stream.linear.gather [hbm4b:s11+s29], $0x1C00, $0x38;
	[tilespmem:$0x1F800] =	vst v63  }
0x3f: {  	_ =	swait.ge [sflag:s17], $0x1C00  }
0x40: {  	[sflag:s17] =	ssyncset.done $0x0  }
0x41: {  	[sflag:s17] =	ssyncadd.s32 $0xFFFFE400  }
0x42: {  	[tilespmem:s16], [sflag:$0x1] =	stream.indirect.gather [hbm4b:s4+s19], $0x80, s29, s19, $0xb8;
	[tilespmem:$0x1F800] =	vst v63  }
0x43: {  	_ =	swait.ge [sflag:s20], $0x4000  }
0x44: {  	[sflag:s20] =	ssyncset.done $0x0  }
0x45: {  	s29 =	simm.s32 $0x80;
	[sflag:s20] =	ssyncadd.s32 $0xFFFFC000  }
0x46: {  	[tilespmem:s21], [sflag:$0x1] =	stream.indirect.gather [hbm4b:s4+s19], $0x80, s29, s19, $0xb8;
	[tilespmem:$0x1F800] =	vst v63  }
0x47: {  	s29 =	simm.s32 $0x1C00  }
0x48: {  	[spmem:s1] =	stream.indirect.scatter.add.f32 [tilespmem:s16], [sflag:$0x2], $0x80, s29, s19, $0xb8;
	[tilespmem:$0x1F800] =	vst v63  }
0x49: {  	_ =	swait.ge [sflag:s17], $0x4000  }
0x4a: {  	[sflag:s17] =	ssyncset.done $0x0  }
0x4b: {  	[sflag:s17] =	ssyncadd.s32 $0xFFFFC000  }
0x4c: {  	_ =	swait.ge [sflag:s20], $0x4000  }
0x4d: {  	[sflag:s20] =	ssyncset.done $0x0  }
0x4e: {  	s29 =	simm.s32 $0x100;
	[sflag:s20] =	ssyncadd.s32 $0xFFFFC000  }
0x4f: {  	[tilespmem:s16], [sflag:$0x1] =	stream.indirect.gather [hbm4b:s4+s19], $0x80, s29, s19, $0xb8;
	[tilespmem:$0x1F800] =	vst v63  }
0x50: {  	s29 =	simm.s32 $0x1C80  }
0x51: {  	[spmem:s1] =	stream.indirect.scatter.add.f32 [tilespmem:s21], [sflag:$0x2], $0x80, s29, s19, $0xb8;
	[tilespmem:$0x1F800] =	vst v63  }
0x52: {  	_ =	swait.ge [sflag:s17], $0x4000  }
0x53: {  	s29 =	simm.s32 $0x400;
	[sflag:s17] =	ssyncset.done $0x0  }
.LBB2_4:
0x54: {  	p0 =	sne.s32 s29, $0x6800  }
0x55: {  	[sflag:s17] =	ssyncadd.s32 $0xFFFFC000;
	s30 =	smov.u32 s29;
	s29 =	sadd.s32 $0x400, s29  }
0x56: {  	_ = 	snop  }
0x57: {  	_ =	swait.ge [sflag:s20], $0x4000  }
0x58: {  	s30 =	sshra.s32 s30, $0x2;
	[sflag:s20] =	ssyncset.done $0x0  }
0x59: {  	s31 =	sadd.s32 $0x80, s30;
	[sflag:s20] =	ssyncadd.s32 $0xFFFFC000  }
0x5a: {  	[tilespmem:s21], [sflag:$0x1] =	stream.indirect.gather [hbm4b:s4+s19], $0x80, s31, s19, $0xb8;
	[tilespmem:$0x1F800] =	vst v63  }
0x5b: {  	s31 =	sadd.s32 $0x1C00, s30  }
0x5c: {  	[spmem:s1] =	stream.indirect.scatter.add.f32 [tilespmem:s16], [sflag:$0x2], $0x80, s31, s19, $0xb8;
	[tilespmem:$0x1F800] =	vst v63  }
0x5d: {  	_ =	swait.ge [sflag:s17], $0x4000  }
0x5e: {  	[sflag:s17] =	ssyncset.done $0x0  }
0x5f: {  	[sflag:s17] =	ssyncadd.s32 $0xFFFFC000  }
0x60: {  	_ =	swait.ge [sflag:s20], $0x4000  }
0x61: {  	[sflag:s20] =	ssyncset.done $0x0  }
0x62: {  	s31 =	sadd.s32 $0x100, s30;
	[sflag:s20] =	ssyncadd.s32 $0xFFFFC000  }
0x63: {  	[tilespmem:s16], [sflag:$0x1] =	stream.indirect.gather [hbm4b:s4+s19], $0x80, s31, s19, $0xb8;
	[tilespmem:$0x1F800] =	vst v63  }
.Ltmp1:
0x64: {  	_ = 	snop;
	(pc) =	sbr.rel @p0 .LBB2_4-.Ltmp1, $4  }
0x65: {  	s30 =	sadd.s32 $0x1C80, s30  }
0x66: {  	[spmem:s1] =	stream.indirect.scatter.add.f32 [tilespmem:s21], [sflag:$0x2], $0x80, s30, s19, $0xb8;
	[tilespmem:$0x1F800] =	vst v63  }
0x67: {  	_ =	swait.ge [sflag:s17], $0x4000  }
0x68: {  	[sflag:s17] =	ssyncset.done $0x0  }
0x69: {  	[sflag:s17] =	ssyncadd.s32 $0xFFFFC000  }
0x6a: {  	_ =	swait.ge [sflag:s20], $0x4000  }
0x6b: {  	[sflag:s20] =	ssyncset.done $0x0  }
0x6c: {  	[sflag:s20] =	ssyncadd.s32 $0xFFFFC000  }
0x6d: {  	[tilespmem:s21], [sflag:$0x1] =	stream.indirect.gather [hbm4b:s4+s19], $0x80, s22, s19, $0xb8;
	[tilespmem:$0x1F800] =	vst v63  }
0x6e: {  	_ = 	snop  }
0x6f: {  	[spmem:s1] =	stream.indirect.scatter.add.f32 [tilespmem:s16], [sflag:$0x2], $0x80, s23, s19, $0xb8;
	[tilespmem:$0x1F800] =	vst v63  }
0x70: {  	_ =	swait.ge [sflag:s17], $0x4000  }
0x71: {  	[sflag:s17] =	ssyncset.done $0x0  }
0x72: {  	[sflag:s17] =	ssyncadd.s32 $0xFFFFC000  }
0x73: {  	_ =	swait.ge [sflag:s20], $0x4000  }
0x74: {  	[sflag:s20] =	ssyncset.done $0x0  }
0x75: {  	[sflag:s20] =	ssyncadd.s32 $0xFFFFC000  }
0x76: {  	[spmem:s1] =	stream.indirect.scatter.add.f32 [tilespmem:s21], [sflag:$0x2], $0x80, s24, s19, $0xb8;
	[tilespmem:$0x1F800] =	vst v63  }
0x77: {  	_ =	swait.ge [sflag:s17], $0x4000  }
0x78: {  	[sflag:s17] =	ssyncset.done $0x0  }
0x79: {  	s29 =	simm.s32 $0x0;
	[sflag:s17] =	ssyncadd.s32 $0xFFFFC000  }
0x7a: {  	[tilespmem:s29], [sflag:$0x2] =	stream.linear.gather [hbm4b:s12+s29], $0x1C00, $0x38;
	[tilespmem:$0x1F800] =	vst v63  }
0x7b: {  	_ =	swait.ge [sflag:s17], $0x1C00  }
0x7c: {  	[sflag:s17] =	ssyncset.done $0x0  }
0x7d: {  	[sflag:s17] =	ssyncadd.s32 $0xFFFFE400  }
0x7e: {  	[tilespmem:s18], [sflag:$0x2] =	stream.linear.gather [hbm4b:s13+s29], $0x1C00, $0x38;
	[tilespmem:$0x1F800] =	vst v63  }
0x7f: {  	_ =	swait.ge [sflag:s17], $0x1C00  }
0x80: {  	[sflag:s17] =	ssyncset.done $0x0  }
0x81: {  	[sflag:s17] =	ssyncadd.s32 $0xFFFFE400  }
0x82: {  	[tilespmem:s16], [sflag:$0x1] =	stream.indirect.gather [hbm4b:s4+s19], $0x80, s29, s19, $0xb8;
	[tilespmem:$0x1F800] =	vst v63  }
0x83: {  	_ =	swait.ge [sflag:s20], $0x4000  }
0x84: {  	[sflag:s20] =	ssyncset.done $0x0  }
0x85: {  	s29 =	simm.s32 $0x80;
	[sflag:s20] =	ssyncadd.s32 $0xFFFFC000  }
0x86: {  	[tilespmem:s21], [sflag:$0x1] =	stream.indirect.gather [hbm4b:s4+s19], $0x80, s29, s19, $0xb8;
	[tilespmem:$0x1F800] =	vst v63  }
0x87: {  	s29 =	simm.s32 $0x1C00  }
0x88: {  	[spmem:s1] =	stream.indirect.scatter.add.f32 [tilespmem:s16], [sflag:$0x2], $0x80, s29, s19, $0xb8;
	[tilespmem:$0x1F800] =	vst v63  }
0x89: {  	_ =	swait.ge [sflag:s17], $0x4000  }
0x8a: {  	[sflag:s17] =	ssyncset.done $0x0  }
0x8b: {  	[sflag:s17] =	ssyncadd.s32 $0xFFFFC000  }
0x8c: {  	_ =	swait.ge [sflag:s20], $0x4000  }
0x8d: {  	[sflag:s20] =	ssyncset.done $0x0  }
0x8e: {  	s29 =	simm.s32 $0x100;
	[sflag:s20] =	ssyncadd.s32 $0xFFFFC000  }
0x8f: {  	[tilespmem:s16], [sflag:$0x1] =	stream.indirect.gather [hbm4b:s4+s19], $0x80, s29, s19, $0xb8;
	[tilespmem:$0x1F800] =	vst v63  }
0x90: {  	s29 =	simm.s32 $0x1C80  }
0x91: {  	[spmem:s1] =	stream.indirect.scatter.add.f32 [tilespmem:s21], [sflag:$0x2], $0x80, s29, s19, $0xb8;
	[tilespmem:$0x1F800] =	vst v63  }
0x92: {  	_ =	swait.ge [sflag:s17], $0x4000  }
0x93: {  	s29 =	simm.s32 $0x400;
	[sflag:s17] =	ssyncset.done $0x0  }
.LBB2_6:
0x94: {  	p0 =	sne.s32 s29, $0x2800  }
0x95: {  	[sflag:s17] =	ssyncadd.s32 $0xFFFFC000;
	s30 =	smov.u32 s29;
	s29 =	sadd.s32 $0x400, s29  }
0x96: {  	_ = 	snop  }
0x97: {  	_ =	swait.ge [sflag:s20], $0x4000  }
0x98: {  	s30 =	sshra.s32 s30, $0x2;
	[sflag:s20] =	ssyncset.done $0x0  }
0x99: {  	s31 =	sadd.s32 $0x80, s30;
	[sflag:s20] =	ssyncadd.s32 $0xFFFFC000  }
0x9a: {  	[tilespmem:s21], [sflag:$0x1] =	stream.indirect.gather [hbm4b:s4+s19], $0x80, s31, s19, $0xb8;
	[tilespmem:$0x1F800] =	vst v63  }
0x9b: {  	s31 =	sadd.s32 $0x1C00, s30  }
0x9c: {  	[spmem:s1] =	stream.indirect.scatter.add.f32 [tilespmem:s16], [sflag:$0x2], $0x80, s31, s19, $0xb8;
	[tilespmem:$0x1F800] =	vst v63  }
0x9d: {  	_ =	swait.ge [sflag:s17], $0x4000  }
0x9e: {  	[sflag:s17] =	ssyncset.done $0x0  }
0x9f: {  	[sflag:s17] =	ssyncadd.s32 $0xFFFFC000  }
0xa0: {  	_ =	swait.ge [sflag:s20], $0x4000  }
0xa1: {  	[sflag:s20] =	ssyncset.done $0x0  }
0xa2: {  	s31 =	sadd.s32 $0x100, s30;
	[sflag:s20] =	ssyncadd.s32 $0xFFFFC000  }
0xa3: {  	[tilespmem:s16], [sflag:$0x1] =	stream.indirect.gather [hbm4b:s4+s19], $0x80, s31, s19, $0xb8;
	[tilespmem:$0x1F800] =	vst v63  }
.Ltmp2:
0xa4: {  	_ = 	snop;
	(pc) =	sbr.rel @p0 .LBB2_6-.Ltmp2, $4  }
0xa5: {  	s30 =	sadd.s32 $0x1C80, s30  }
0xa6: {  	[spmem:s1] =	stream.indirect.scatter.add.f32 [tilespmem:s21], [sflag:$0x2], $0x80, s30, s19, $0xb8;
	[tilespmem:$0x1F800] =	vst v63  }
0xa7: {  	_ =	swait.ge [sflag:s17], $0x4000  }
0xa8: {  	[sflag:s17] =	ssyncset.done $0x0  }
0xa9: {  	[sflag:s17] =	ssyncadd.s32 $0xFFFFC000  }
0xaa: {  	_ =	swait.ge [sflag:s20], $0x4000  }
0xab: {  	[sflag:s20] =	ssyncset.done $0x0  }
0xac: {  	[sflag:s20] =	ssyncadd.s32 $0xFFFFC000  }
0xad: {  	[tilespmem:s21], [sflag:$0x1] =	stream.indirect.gather [hbm4b:s4+s19], $0x80, s25, s19, $0xb8;
	[tilespmem:$0x1F800] =	vst v63  }
0xae: {  	_ = 	snop  }
0xaf: {  	[spmem:s1] =	stream.indirect.scatter.add.f32 [tilespmem:s16], [sflag:$0x2], $0x80, s26, s19, $0xb8;
	[tilespmem:$0x1F800] =	vst v63  }
0xb0: {  	_ =	swait.ge [sflag:s17], $0x4000  }
0xb1: {  	[sflag:s17] =	ssyncset.done $0x0  }
0xb2: {  	[sflag:s17] =	ssyncadd.s32 $0xFFFFC000  }
0xb3: {  	_ =	swait.ge [sflag:s20], $0x4000  }
0xb4: {  	[sflag:s20] =	ssyncset.done $0x0  }
0xb5: {  	[sflag:s20] =	ssyncadd.s32 $0xFFFFC000  }
0xb6: {  	[spmem:s1] =	stream.indirect.scatter.add.f32 [tilespmem:s21], [sflag:$0x2], $0x80, s28, s19, $0xb8;
	[tilespmem:$0x1F800] =	vst v63  }
0xb7: {  	_ =	swait.ge [sflag:s17], $0x4000  }
0xb8: {  	s29 =	sshll.u32 s2, $0x6;
	s3 =	sadd.s32 $0x1, s3;
	[sflag:s17] =	ssyncset.done $0x0  }
0xb9: {  	s30 =	sshrl.u32 s5, $0x3;
	p0 =	sne.s32 s3, s15;
	[sflag:s17] =	ssyncadd.s32 $0xFFFFC000  }
.Ltmp3:
0xba: {  	s29 =	sor.u32 $0x1C02, s29;
	[bflag:$0x0] =	sbarrier.arrive $0xFFFF;
	(pc) =	sbr.rel @p0 .LBB2_1-.Ltmp3, $4  }
0xbb: {  	[hbm:s14], [sflag:s29] =	dma.local [spmem:s30], $0x2800  }
0xbc: {  	_ =	swait.ge [sflag:s17], $0x2800  }
0xbd: {  	[sflag:s17] =	ssyncset.done $0x0  }
0xbe: {  	[sflag:s17] =	ssyncadd.s32 $0xFFFFD800  }
0xbf: {  	_ =	sfence.sel $0x180000  }
0xc0: {  	[bflag:$0x0] =	sbarrier.arrive $0xFFFF  }
0xc1: {  	p0 =	sne.s32 s2, $0x0;
	_ =	strace $0x9000004A  }
0xc2: {  	s0 =	sadd.s32 @!p0 $0x100000, s0;
	[bflag:$0x2] =	sbarrier.arrive $0xFFFF  }
0xc3: {  	[sflag:s0] =	ssyncadd.tile.s32 @!p0 $0x1;
	_ =	shalt  }
.Lfunc_end2:
_tile_overlayer_lowered:
.L_overlay_start_2:
0xc4: {  	(tag) =	ssettag $0x2  }
0xc5: {  	s0 =	rddreg [dreg:$0x0];
	s2 =	stileid.u32  }
0xc6: {  	s1 =	rddreg [dreg:$0x1];
	p0 =	sne.s32 s2, $0x0  }
0xc7: {  	s3 =	rddreg [dreg:$0x2];
	[bflag:$0x3] =	sbarrier.arrive $0xFFFF;
	s2 =	simm.s32 @!p0 $0x1C02  }
0xc8: {  	[timem:s3], [sflag:s2] =	dma.local @!p0 [hbm:s0], s1  }
0xc9: {  	s0 =	simm.s32 @!p0 $0x2  }
0xca: {  	_ =	swait.ge @!p0 [sflag:s0], s1  }
0xcb: {  	s1 =	ssub.s32 @!p0 $0x0, s1;
	[sflag:s0] =	ssyncset.done @!p0 $0x0  }
0xcc: {  	[sflag:s0] =	ssyncadd.s32 @!p0 s1  }
0xcd: {  	[bflag:$0x3] =	sbarrier.arrive $0xFFFF  }
0xce: {  	_ =	shalt  }

// kernel: kernel.14.cloned.1.call-start
scs
__scs_entry_jumppad:
0x0: {  	(pc) =	sbr.rel $0x88, $3  }
0x1: {  	(tag) =	ssettag $0x0;
	lr =	simm.s32 $0x1  }
0x2: {  	[smem:$0x3F99] =	sst lr;
	_ =	strace $0xD0000000  }
0x3: {  	_ = 	snop  }
0x4: {  	_ = 	snop  }
0x5: {  	_ = 	snop  }
0x6: {  	_ = 	snop  }
0x7: {  	_ = 	snop  }
__scs_overlays_trampoline_lowered:
0x8: {  	[smem:$0x3FA8] =	sst s0  }
0x9: {  	[smem:$0x3FA9] =	sst s1  }
0xa: {  	[smem:$0x3FAA] =	sst s2  }
0xb: {  	[smem:$0x3FAB] =	sst s3  }
0xc: {  	[smem:$0x3FAC] =	sst s4  }
0xd: {  	[smem:$0x3FAD] =	sst s5  }
0xe: {  	[smem:$0x3FAE] =	sst s6  }
0xf: {  	[smem:$0x3FAF] =	sst s7  }
0x10: {  	[smem:$0x3FB0] =	sst s8  }
0x11: {  	[smem:$0x3FB1] =	sst s9;
	s0 =	simm.s32 @!p0 $0x0  }
0x12: {  	s1 =	sld [smem:$0x3F97];
	s0 =	simm.s32 @p0 $0x1  }
0x13: {  	[smem:$0x3FB2] =	sst s0;
	s0 =	simm.s32 @!p1 $0x0  }
0x14: {  	s2 =	sld [smem:$0x3F96];
	s0 =	simm.s32 @p1 $0x1  }
0x15: {  	[smem:$0x3FB3] =	sst s0;
	s0 =	simm.s32 @!p2 $0x0  }
0x16: {  	s3 =	sld [smem:$0x3FDB];
	s0 =	simm.s32 @p2 $0x1  }
0x17: {  	s4 =	simm.s32 $0x1BF5;
	[smem:$0x3FB5] =	sst s0  }
0x18: {  	s0 =	sld [smem:$0x3F98];
	_ =	swait.ge [sflag:s4], $0x0  }
0x19: {  	s7 =	sld [smem:$0x3F99]  }
0x1a: {  	s8 =	sadd.s32 $0xFFFFE003, lr  }
0x1b: {  	s9 =	sadd.s32 $0xFFFFFEF7, lr;
	s5 =	simm.s32 $0xFFFFFFFF;
	p2 =	slt.u32 s8, $0xFFFFF086  }
0x1c: {  	p1 =	slt.u32 s9, $0xF7A;
	s5 =	simm.s32 @!p2 $0x0  }
0x1d: {  	s5 =	simm.s32 @p1 $0x1;
	p0 =	seq.s32 s7, s2  }
0x1e: {  	s7 =	smul.u32 @!p0 $0xF7A, s2;
	p2 =	seq.s32 @!p0 s5, $0x0  }
0x1f: {  	s9 =	smul.u32 $0xF7A, s1;
	s8 =	simm.s32 @!p0 $0x1BF5;
	p2 =	por !p2, p0  }
0x20: {  	[sflag:s8] =	ssyncset.s32 @!p0 $0xFFFFF086;
	s6 =	sadd.s32 @!p0 s3, s7;
	s7 =	simm.s32 @!p0 $0x108  }
0x21: {  	s3 =	sadd.s32 s3, s9;
	s6 =	sadd.s32 @!p0 $0x88, s6;
	s7 =	simm.s32 @p2 $0x1082  }
0x22: {  	[simem:s7], [sflag:s8] =	dma.local @!p0 [hbm:s6], $0xF7A  }
0x23: {  	s9 =	sor.u32 $0xD0000000, s2;
	s6 =	simm.s32 $0x108;
	_ =	swait.ge @!p0 [sflag:s8], $0x0  }
0x24: {  	s3 =	sadd.s32 $0x88, s3;
	s6 =	simm.s32 @!p1 $0x1082;
	[sflag:s4] =	ssyncset.s32 $0xFFFFF086  }
0x25: {  	[simem:s6], [sflag:s4] =	dma.local [hbm:s3], $0xF7A  }
0x26: {  	[smem:$0x3F99] =	sst s1;
	(tag) =	ssettag s2;
	_ =	strace s9  }
0x27: {  	s1 =	sld [smem:$0x3FA9]  }
0x28: {  	s2 =	sld [smem:$0x3FAA]  }
0x29: {  	s4 =	sld [smem:$0x3FAC]  }
0x2a: {  	p0 =	seq.s32 s5, $0x0;
	s5 =	sld [smem:$0x3FAD]  }
0x2b: {  	s6 =	sld [smem:$0x3FAE]  }
0x2c: {  	s7 =	sld [smem:$0x3FAF]  }
0x2d: {  	s3 =	simm.s32 $0x108;
	s8 =	sld [smem:$0x3FB0]  }
0x2e: {  	s3 =	simm.s32 @!p0 $0x1082;
	s9 =	sld [smem:$0x3FB1]  }
0x2f: {  	lr =	sadd.s32 s0, s3;
	s0 =	sld [smem:$0x3FA8]  }
0x30: {  	s3 =	sld [smem:$0x3FAB]  }
0x31: {  	[smem:$0x3FB4] =	sst s10  }
0x32: {  	s10 =	sld [smem:$0x3FB2];
	_ =	sdelay $0x3  }
0x33: {  	p0 =	seq.s32 s10, $0x1;
	s10 =	sld [smem:$0x3FB4];
	_ =	sdelay $0x3  }
0x34: {  	[smem:$0x3FB4] =	sst s10  }
0x35: {  	s10 =	sld [smem:$0x3FB3];
	_ =	sdelay $0x3  }
0x36: {  	p1 =	seq.s32 s10, $0x1;
	s10 =	sld [smem:$0x3FB4];
	_ =	sdelay $0x3  }
0x37: {  	[smem:$0x3FB4] =	sst s10  }
0x38: {  	s10 =	sld [smem:$0x3FB5]  }
0x39: {  	_ = 	snop;
	(pc) =	sbr.ind lr, $3  }
0x3a: {  	_ = 	snop  }
0x3b: {  	_ = 	snop  }
0x3c: {  	p2 =	seq.s32 s10, $0x1;
	s10 =	sld [smem:$0x3FB4]  }
0x3d: {  	_ =	shalt  }
0x3e: {  	_ =	shalt  }
0x3f: {  	_ =	shalt  }
0x40: {  	_ =	shalt  }
0x41: {  	_ =	shalt  }
0x42: {  	_ =	shalt  }
0x43: {  	_ =	shalt  }
0x44: {  	_ =	shalt  }
0x45: {  	_ =	shalt  }
0x46: {  	_ =	shalt  }
0x47: {  	_ =	shalt  }
0x48: {  	_ =	shalt  }
0x49: {  	_ =	shalt  }
0x4a: {  	_ =	shalt  }
0x4b: {  	_ =	shalt  }
0x4c: {  	_ =	shalt  }
0x4d: {  	_ =	shalt  }
0x4e: {  	_ =	shalt  }
0x4f: {  	_ =	shalt  }
0x50: {  	_ =	shalt  }
0x51: {  	_ =	shalt  }
0x52: {  	_ =	shalt  }
0x53: {  	_ =	shalt  }
0x54: {  	_ =	shalt  }
0x55: {  	_ =	shalt  }
0x56: {  	_ =	shalt  }
0x57: {  	_ =	shalt  }
0x58: {  	_ =	shalt  }
0x59: {  	_ =	shalt  }
0x5a: {  	_ =	shalt  }
0x5b: {  	_ =	shalt  }
0x5c: {  	_ =	shalt  }
0x5d: {  	_ =	shalt  }
0x5e: {  	_ =	shalt  }
0x5f: {  	_ =	shalt  }
0x60: {  	_ =	shalt  }
0x61: {  	_ =	shalt  }
0x62: {  	_ =	shalt  }
0x63: {  	_ =	shalt  }
0x64: {  	_ =	shalt  }
0x65: {  	_ =	shalt  }
0x66: {  	_ =	shalt  }
0x67: {  	_ =	shalt  }
0x68: {  	_ =	shalt  }
0x69: {  	_ =	shalt  }
0x6a: {  	_ =	shalt  }
0x6b: {  	_ =	shalt  }
0x6c: {  	_ =	shalt  }
0x6d: {  	_ =	shalt  }
0x6e: {  	_ =	shalt  }
0x6f: {  	_ =	shalt  }
0x70: {  	_ =	shalt  }
0x71: {  	_ =	shalt  }
0x72: {  	_ =	shalt  }
0x73: {  	_ =	shalt  }
0x74: {  	_ =	shalt  }
0x75: {  	_ =	shalt  }
0x76: {  	_ =	shalt  }
0x77: {  	_ =	shalt  }
0x78: {  	_ =	shalt  }
0x79: {  	_ =	shalt  }
0x7a: {  	_ =	shalt  }
0x7b: {  	_ =	shalt  }
0x7c: {  	_ =	shalt  }
0x7d: {  	_ =	shalt  }
0x7e: {  	_ =	shalt  }
0x7f: {  	_ =	shalt  }
0x80: {  	_ =	shalt  }
0x81: {  	_ =	shalt  }
0x82: {  	_ =	shalt  }
0x83: {  	_ =	shalt  }
0x84: {  	_ =	shalt  }
0x85: {  	_ =	shalt  }
0x86: {  	_ =	shalt  }
0x87: {  	_ =	shalt  }
.Lfunc_end0:
.L_simem_size_0:
called_computation.2_lowered:
.L_overlay_start_0:
0x88: {  	s2 =	sld [smem:$0x3FD9]  }
0x89: {  	s3 =	sld [smem:$0x3FFE];
	_ =	sdelay $0x1  }
0x8a: {  	s1 =	srdreg.scid  }
0x8b: {  	s0 =	sand.u32 $0x1, s1  }
0x8c: {  	s17 =	sshll.u32 s0, $0xA;
	s2 =	sadd.s32 s3, s2  }
0x8d: {  	s2 =	sadd.s32 s2, s17  }
0x8e: {  	[smem:$0x3FC0] =	sst s2  }
0x8f: {  	_ = 	snop  }
0x90: {  	s2 =	sld [smem:$0x3FD0];
	(tm) =	ssettm $0x1  }
0x91: {  	s18 =	sld [smem:$0x3FFB];
	_ =	sdelay $0x3  }
0x92: {  	_ =	strace s18  }
0x93: {  	s3 =	sld [smem:$0x3FFC];
	_ =	sdelay $0x3  }
0x94: {  	_ =	strace s3  }
0x95: {  	s3 =	sld [smem:$0x3FFD];
	_ =	sdelay $0x3  }
0x96: {  	_ =	strace s3  }
0x97: {  	_ =	strace $0x8FFFFFFF  }
0x98: {  	s19 =	sld [smem:$0x3FDB];
	_ =	sdelay $0x1  }
0x99: {  	s4 =	simm.s32 $_scs_section_size  }
0x9a: {  	s5 =	simm.s32 $_size__tile_overlayer_lowered;
	s6 =	simm.s32 $_tile_overlayer_lowered  }
0x9b: {  	s22 =	simm.s32 $0x1BFF;
	s21 =	sshll.u32 s6, $0x1;
	s3 =	sadd.s32 s4, s19  }
0x9c: {  	s7 =	simm.s32 $0x0;
	s20 =	sshll.u32 s5, $0x1;
	s5 =	sadd.s32 s21, s3  }
0x9d: {  	[timem:s7], [sflag:s22] =	dma.local [hbm:s5], s20  }
0x9e: {  	_ =	swait.ge [sflag:s22], s20  }
0x9f: {  	s4 =	ssub.s32 $0x0, s20;
	[sflag:s22] =	ssyncset.done $0x0  }
0xa0: {  	[sflag:s22] =	ssyncadd.s32 s4;
	_ =	sdelay $0x1  }
0xa1: {  	s23 =	simm.s32 $0x1B8B  }
0xa2: {  	_ =	swait.ge [sflag:s23], $0x1  }
0xa3: {  	[sflag:s23] =	ssyncset.done $0x0  }
0xa4: {  	s25 =	simm.s32 $0x1B8E;
	s24 =	sld [smem:$0x3FFE];
	[sflag:s23] =	ssyncadd.s32 $0xFFFFFFFF  }
0xa5: {  	s26 =	simm.s32 $execute0_lowered;
	[smem:$0x3FD2] =	sst s25  }
0xa6: {  	s5 =	sshll.u32 s26, $0x1;
	_ =	strace $0x8000004C;
	[dreg:$0x1] =	wrdreg $0xFFFFFFFF  }
0xa7: {  	s28 =	simm.s32 $_size_execute0_lowered;
	s3 =	sadd.s32 s3, s5;
	[dreg:$0x0] =	wrdreg $0x0  }
0xa8: {  	s5 =	sshll.u32 s28, $0x1;
	[dreg:$0x2] =	wrdreg s3  }
0xa9: {  	[dreg:$0x3] =	wrdreg s5  }
0xaa: {  	[dreg:$0x4] =	wrdreg $0xC0  }
0xab: {  	_ =	task [dreg:s7], $0x5FFFF  }
0xac: {  	[dreg:$0x1] =	wrdreg $0xFFFFFFFF  }
0xad: {  	[dreg:$0x0] =	wrdreg $0x60  }
0xae: {  	[dreg:$0x2] =	wrdreg s2  }
0xaf: {  	[dreg:$0x3] =	wrdreg s24  }
0xb0: {  	[dreg:$0x4] =	wrdreg $0xB8000  }
0xb1: {  	[dreg:$0x5] =	wrdreg $0x9  }
0xb2: {  	_ =	task.clear_ibuf [dreg:s7], $0x6FFFF;
	_ =	strace $0x9000004C  }
0xb3: {  	s29 =	simm.s32 $0x9;
	_ =	strace $0x8000004E  }
0xb4: {  	_ =	swait.ge [sflag:s29], $0x1  }
0xb5: {  	[sflag:s29] =	ssyncadd.s32 $0xFFFFFFFF  }
0xb6: {  	_ =	strace $0x9000004E  }
0xb7: {  	_ =	sfence  }
0xb8: {  	s30 =	sld [smem:$0x0];
	_ =	sdelay $0x2  }
0xb9: {  	s31 =	sshll.u32 s1, $0xD;
	s1 =	sshrl.u32 s1, $0x2  }
0xba: {  	s3 =	sand.u32 $0x4000, s31;
	s1 =	sadd.s32 s1, s30  }
0xbb: {  	s0 =	sor.u32 s3, s0;
	s1 =	sshll.u32 s1, $0x11  }
0xbc: {  	s0 =	sor.u32 s1, s0  }
0xbd: {  	s0 =	sadd.s32 $0x8F2B, s0  }
0xbe: {  	[sflag:s0] =	ssyncadd.remote.s32 $0x1  }
0xbf: {  	_ =	sfence.sel $0xFFFF  }
0xc0: {  	[dreg:$0x0] =	wrdreg $0xFFFFFFFF;
	(pc) =	sbr.abs _section_cstart, $3  }
0xc1: {  	[dreg:$0x1] =	wrdreg $0xFFFFFFFF  }
0xc2: {  	_ =	task.clear_ibuf [dreg:s7], $0x2FFFF;
	_ =	strace $0x9FFFFFFF  }
0xc3: {  	(tm) =	ssettm $0x7FFFFFFF  }
tec
execute0_lowered:
.L_overlay_start_1:
0x0: {  	(tag) =	ssettag $0x1  }
0x1: {  	s12 =	rddreg [dreg:$0x0]  }
0x2: {  	s5 =	rddreg [dreg:$0x1]  }
0x3: {  	s1 =	rddreg [dreg:$0x2]  }
0x4: {  	s2 =	srdreg.scid;
	s0 =	rddreg [dreg:$0x3]  }
0x5: {  	s3 =	simm.s32 $0x0;
	s18 =	simm.s32 $0x1C00;
	s19 =	simm.s32 $0x80  }
0x6: {  	s20 =	simm.s32 $0x1;
	s21 =	simm.s32 $0x7800;
	s22 =	simm.s32 $0x1B80  }
0x7: {  	s23 =	simm.s32 $0x3700;
	s24 =	simm.s32 $0x3780;
	s25 =	simm.s32 $0xB80  }
0x8: {  	s26 =	simm.s32 $0x2700;
	s6 =	sand.u32 $0x1, s2;
	s2 =	stileid.u32  }
0x9: {  	s28 =	simm.s32 $0x2780;
	[smem:$0x7FF] =	sst s3;
	s7 =	smul.u32 $0x140000, s6  }
0xa: {  	s13 =	sadd.s32 $0x2600, s5;
	s4 =	sadd.s32 $0x16E00, s5;
	s8 =	smul.u32 $0x14000, s2  }
0xb: {  	_ =	strace $0x8000004D;
	s30 =	ssub.s32 $0x2, s6;
	s11 =	smul.u32 $0x500, s2  }
0xc: {  	s9 =	smul.u32 $0x50000, s2;
	p0 =	seq.s32 s6, $0x0;
	s10 =	sshrl.u32 s30, $0x1  }
0xd: {  	s7 =	sadd.s32 s8, s7;
	s15 =	ssub.s32 s30, s10;
	s16 =	sadd.s32 $0x5000, s11  }
0xe: {  	s31 =	sshrl.u32 s9, $0x2;
	s7 =	sshrl.u32 s7, $0x3;
	s16 =	smov.u32 @p0 s11  }
0xf: {  	s15 =	smax.u32 s15, $0x1;
	s14 =	sadd.s32 s7, s5;
	s5 =	sadd.s32 s31, s1  }
0x10: {  	s17 =	sadd.s32 $0x380, s16;
	s10 =	sadd.s32 s12, s16;
	s11 =	sadd.s32 s13, s16  }
0x11: {  	s16 =	simm.s32 $0x3800;
	s6 =	sadd.s32 $0x4000, s5;
	s7 =	sadd.s32 $0x8000, s5  }
0x12: {  	s8 =	sadd.s32 $0xC000, s5;
	s9 =	sadd.s32 $0x10000, s5;
	s12 =	sadd.s32 s12, s17  }
0x13: {  	v0 =	vimm.f32 $0.0e+00;
	s13 =	sadd.s32 s13, s17;
	s14 =	sadd.s32 $0x3EE00, s14;
	s17 =	simm.s32 $0x2  }
.LBB2_1:
0x14: {  	s29 =	simm.s32 $0x0;
	s30 =	simm.s32 $0x200  }
.LBB2_2:
0x15: {  	p0 =	sne.s32 s30, $0xFE00;
	[tilespmem:s29+$0x3870] =	vst v0  }
0x16: {  	[tilespmem:s29+$0x3800] =	vst v0  }
0x17: {  	[tilespmem:s29+$0x3810] =	vst v0  }
.Ltmp0:
0x18: {  	[tilespmem:s29+$0x3820] =	vst v0;
	(pc) =	sbr.rel @p0 .LBB2_2-.Ltmp0, $4  }
0x19: {  	[tilespmem:s29+$0x3830] =	vst v0  }
0x1a: {  	[tilespmem:s29+$0x3840] =	vst v0  }
0x1b: {  	[tilespmem:s29+$0x3850] =	vst v0  }
0x1c: {  	[tilespmem:s29+$0x3860] =	vst v0;
	s29 =	sshra.s32 s30, $0x2;
	s30 =	sadd.s32 $0x200, s30  }
0x1d: {  	[tilespmem:s29+$0x3870] =	vst v0  }
0x1e: {  	[tilespmem:s29+$0x3800] =	vst v0  }
0x1f: {  	[tilespmem:s29+$0x3810] =	vst v0  }
0x20: {  	[tilespmem:s29+$0x3820] =	vst v0  }
0x21: {  	[tilespmem:s29+$0x3830] =	vst v0  }
0x22: {  	[tilespmem:s29+$0x3840] =	vst v0  }
0x23: {  	[tilespmem:s29+$0x3850] =	vst v0  }
0x24: {  	[tilespmem:s29+$0x3860] =	vst v0  }
0x25: {  	[spmem:s5] =	stream.linear.scatter [tilespmem:s16], [sflag:$0x2], $0x4000, $0x38;
	[tilespmem:$0x1F800] =	vst v63  }
0x26: {  	_ =	swait.ge [sflag:s17], $0x4000  }
0x27: {  	[sflag:s17] =	ssyncset.done $0x0  }
0x28: {  	[sflag:s17] =	ssyncadd.s32 $0xFFFFC000  }
0x29: {  	[spmem:s6] =	stream.linear.scatter [tilespmem:s16], [sflag:$0x2], $0x4000, $0x38;
	[tilespmem:$0x1F800] =	vst v63  }
0x2a: {  	_ =	swait.ge [sflag:s17], $0x4000  }
0x2b: {  	[sflag:s17] =	ssyncset.done $0x0  }
0x2c: {  	[sflag:s17] =	ssyncadd.s32 $0xFFFFC000  }
0x2d: {  	[spmem:s7] =	stream.linear.scatter [tilespmem:s16], [sflag:$0x2], $0x4000, $0x38;
	[tilespmem:$0x1F800] =	vst v63  }
0x2e: {  	_ =	swait.ge [sflag:s17], $0x4000  }
0x2f: {  	[sflag:s17] =	ssyncset.done $0x0  }
0x30: {  	[sflag:s17] =	ssyncadd.s32 $0xFFFFC000  }
0x31: {  	[spmem:s8] =	stream.linear.scatter [tilespmem:s16], [sflag:$0x2], $0x4000, $0x38;
	[tilespmem:$0x1F800] =	vst v63  }
0x32: {  	_ =	swait.ge [sflag:s17], $0x4000  }
0x33: {  	[sflag:s17] =	ssyncset.done $0x0  }
0x34: {  	[sflag:s17] =	ssyncadd.s32 $0xFFFFC000  }
0x35: {  	[spmem:s9] =	stream.linear.scatter [tilespmem:s16], [sflag:$0x2], $0x4000, $0x38;
	[tilespmem:$0x1F800] =	vst v63  }
0x36: {  	_ =	swait.ge [sflag:s17], $0x4000  }
0x37: {  	[sflag:s17] =	ssyncset.done $0x0  }
0x38: {  	[sflag:s17] =	ssyncadd.s32 $0xFFFFC000  }
0x39: {  	s29 =	simm.s32 $0x0;
	[bflag:$0x0] =	sbarrier.arrive $0xFFFF  }
0x3a: {  	[tilespmem:s29], [sflag:$0x2] =	stream.linear.gather [hbm4b:s10+s29], $0x1C00, $0x38;
	[tilespmem:$0x1F800] =	vst v63  }
0x3b: {  	_ =	swait.ge [sflag:s17], $0x1C00  }
0x3c: {  	[sflag:s17] =	ssyncset.done $0x0  }
0x3d: {  	[sflag:s17] =	ssyncadd.s32 $0xFFFFE400  }
0x3e: {  	[tilespmem:s18], [sflag:$0x2] =	stream.linear.gather [hbm4b:s11+s29], $0x1C00, $0x38;
	[tilespmem:$0x1F800] =	vst v63  }
0x3f: {  	_ =	swait.ge [sflag:s17], $0x1C00  }
0x40: {  	[sflag:s17] =	ssyncset.done $0x0  }
0x41: {  	[sflag:s17] =	ssyncadd.s32 $0xFFFFE400  }
0x42: {  	[tilespmem:s16], [sflag:$0x1] =	stream.indirect.gather [hbm4b:s4+s19], $0x80, s29, s19, $0xb8;
	[tilespmem:$0x1F800] =	vst v63  }
0x43: {  	_ =	swait.ge [sflag:s20], $0x4000  }
0x44: {  	[sflag:s20] =	ssyncset.done $0x0  }
0x45: {  	s29 =	simm.s32 $0x80;
	[sflag:s20] =	ssyncadd.s32 $0xFFFFC000  }
0x46: {  	[tilespmem:s21], [sflag:$0x1] =	stream.indirect.gather [hbm4b:s4+s19], $0x80, s29, s19, $0xb8;
	[tilespmem:$0x1F800] =	vst v63  }
0x47: {  	s29 =	simm.s32 $0x1C00  }
0x48: {  	[spmem:s1] =	stream.indirect.scatter.add.f32 [tilespmem:s16], [sflag:$0x2], $0x80, s29, s19, $0xb8;
	[tilespmem:$0x1F800] =	vst v63  }
0x49: {  	_ =	swait.ge [sflag:s17], $0x4000  }
0x4a: {  	[sflag:s17] =	ssyncset.done $0x0  }
0x4b: {  	[sflag:s17] =	ssyncadd.s32 $0xFFFFC000  }
0x4c: {  	_ =	swait.ge [sflag:s20], $0x4000  }
0x4d: {  	[sflag:s20] =	ssyncset.done $0x0  }
0x4e: {  	s29 =	simm.s32 $0x100;
	[sflag:s20] =	ssyncadd.s32 $0xFFFFC000  }
0x4f: {  	[tilespmem:s16], [sflag:$0x1] =	stream.indirect.gather [hbm4b:s4+s19], $0x80, s29, s19, $0xb8;
	[tilespmem:$0x1F800] =	vst v63  }
0x50: {  	s29 =	simm.s32 $0x1C80  }
0x51: {  	[spmem:s1] =	stream.indirect.scatter.add.f32 [tilespmem:s21], [sflag:$0x2], $0x80, s29, s19, $0xb8;
	[tilespmem:$0x1F800] =	vst v63  }
0x52: {  	_ =	swait.ge [sflag:s17], $0x4000  }
0x53: {  	s29 =	simm.s32 $0x400;
	[sflag:s17] =	ssyncset.done $0x0  }
.LBB2_4:
0x54: {  	p0 =	sne.s32 s29, $0x6800  }
0x55: {  	[sflag:s17] =	ssyncadd.s32 $0xFFFFC000;
	s30 =	smov.u32 s29;
	s29 =	sadd.s32 $0x400, s29  }
0x56: {  	_ = 	snop  }
0x57: {  	_ =	swait.ge [sflag:s20], $0x4000  }
0x58: {  	s30 =	sshra.s32 s30, $0x2;
	[sflag:s20] =	ssyncset.done $0x0  }
0x59: {  	s31 =	sadd.s32 $0x80, s30;
	[sflag:s20] =	ssyncadd.s32 $0xFFFFC000  }
0x5a: {  	[tilespmem:s21], [sflag:$0x1] =	stream.indirect.gather [hbm4b:s4+s19], $0x80, s31, s19, $0xb8;
	[tilespmem:$0x1F800] =	vst v63  }
0x5b: {  	s31 =	sadd.s32 $0x1C00, s30  }
0x5c: {  	[spmem:s1] =	stream.indirect.scatter.add.f32 [tilespmem:s16], [sflag:$0x2], $0x80, s31, s19, $0xb8;
	[tilespmem:$0x1F800] =	vst v63  }
0x5d: {  	_ =	swait.ge [sflag:s17], $0x4000  }
0x5e: {  	[sflag:s17] =	ssyncset.done $0x0  }
0x5f: {  	[sflag:s17] =	ssyncadd.s32 $0xFFFFC000  }
0x60: {  	_ =	swait.ge [sflag:s20], $0x4000  }
0x61: {  	[sflag:s20] =	ssyncset.done $0x0  }
0x62: {  	s31 =	sadd.s32 $0x100, s30;
	[sflag:s20] =	ssyncadd.s32 $0xFFFFC000  }
0x63: {  	[tilespmem:s16], [sflag:$0x1] =	stream.indirect.gather [hbm4b:s4+s19], $0x80, s31, s19, $0xb8;
	[tilespmem:$0x1F800] =	vst v63  }
.Ltmp1:
0x64: {  	_ = 	snop;
	(pc) =	sbr.rel @p0 .LBB2_4-.Ltmp1, $4  }
0x65: {  	s30 =	sadd.s32 $0x1C80, s30  }
0x66: {  	[spmem:s1] =	stream.indirect.scatter.add.f32 [tilespmem:s21], [sflag:$0x2], $0x80, s30, s19, $0xb8;
	[tilespmem:$0x1F800] =	vst v63  }
0x67: {  	_ =	swait.ge [sflag:s17], $0x4000  }
0x68: {  	[sflag:s17] =	ssyncset.done $0x0  }
0x69: {  	[sflag:s17] =	ssyncadd.s32 $0xFFFFC000  }
0x6a: {  	_ =	swait.ge [sflag:s20], $0x4000  }
0x6b: {  	[sflag:s20] =	ssyncset.done $0x0  }
0x6c: {  	[sflag:s20] =	ssyncadd.s32 $0xFFFFC000  }
0x6d: {  	[tilespmem:s21], [sflag:$0x1] =	stream.indirect.gather [hbm4b:s4+s19], $0x80, s22, s19, $0xb8;
	[tilespmem:$0x1F800] =	vst v63  }
0x6e: {  	_ = 	snop  }
0x6f: {  	[spmem:s1] =	stream.indirect.scatter.add.f32 [tilespmem:s16], [sflag:$0x2], $0x80, s23, s19, $0xb8;
	[tilespmem:$0x1F800] =	vst v63  }
0x70: {  	_ =	swait.ge [sflag:s17], $0x4000  }
0x71: {  	[sflag:s17] =	ssyncset.done $0x0  }
0x72: {  	[sflag:s17] =	ssyncadd.s32 $0xFFFFC000  }
0x73: {  	_ =	swait.ge [sflag:s20], $0x4000  }
0x74: {  	[sflag:s20] =	ssyncset.done $0x0  }
0x75: {  	[sflag:s20] =	ssyncadd.s32 $0xFFFFC000  }
0x76: {  	[spmem:s1] =	stream.indirect.scatter.add.f32 [tilespmem:s21], [sflag:$0x2], $0x80, s24, s19, $0xb8;
	[tilespmem:$0x1F800] =	vst v63  }
0x77: {  	_ =	swait.ge [sflag:s17], $0x4000  }
0x78: {  	[sflag:s17] =	ssyncset.done $0x0  }
0x79: {  	s29 =	simm.s32 $0x0;
	[sflag:s17] =	ssyncadd.s32 $0xFFFFC000  }
0x7a: {  	[tilespmem:s29], [sflag:$0x2] =	stream.linear.gather [hbm4b:s12+s29], $0x1C00, $0x38;
	[tilespmem:$0x1F800] =	vst v63  }
0x7b: {  	_ =	swait.ge [sflag:s17], $0x1C00  }
0x7c: {  	[sflag:s17] =	ssyncset.done $0x0  }
0x7d: {  	[sflag:s17] =	ssyncadd.s32 $0xFFFFE400  }
0x7e: {  	[tilespmem:s18], [sflag:$0x2] =	stream.linear.gather [hbm4b:s13+s29], $0x1C00, $0x38;
	[tilespmem:$0x1F800] =	vst v63  }
0x7f: {  	_ =	swait.ge [sflag:s17], $0x1C00  }
0x80: {  	[sflag:s17] =	ssyncset.done $0x0  }
0x81: {  	[sflag:s17] =	ssyncadd.s32 $0xFFFFE400  }
0x82: {  	[tilespmem:s16], [sflag:$0x1] =	stream.indirect.gather [hbm4b:s4+s19], $0x80, s29, s19, $0xb8;
	[tilespmem:$0x1F800] =	vst v63  }
0x83: {  	_ =	swait.ge [sflag:s20], $0x4000  }
0x84: {  	[sflag:s20] =	ssyncset.done $0x0  }
0x85: {  	s29 =	simm.s32 $0x80;
	[sflag:s20] =	ssyncadd.s32 $0xFFFFC000  }
0x86: {  	[tilespmem:s21], [sflag:$0x1] =	stream.indirect.gather [hbm4b:s4+s19], $0x80, s29, s19, $0xb8;
	[tilespmem:$0x1F800] =	vst v63  }
0x87: {  	s29 =	simm.s32 $0x1C00  }
0x88: {  	[spmem:s1] =	stream.indirect.scatter.add.f32 [tilespmem:s16], [sflag:$0x2], $0x80, s29, s19, $0xb8;
	[tilespmem:$0x1F800] =	vst v63  }
0x89: {  	_ =	swait.ge [sflag:s17], $0x4000  }
0x8a: {  	[sflag:s17] =	ssyncset.done $0x0  }
0x8b: {  	[sflag:s17] =	ssyncadd.s32 $0xFFFFC000  }
0x8c: {  	_ =	swait.ge [sflag:s20], $0x4000  }
0x8d: {  	[sflag:s20] =	ssyncset.done $0x0  }
0x8e: {  	s29 =	simm.s32 $0x100;
	[sflag:s20] =	ssyncadd.s32 $0xFFFFC000  }
0x8f: {  	[tilespmem:s16], [sflag:$0x1] =	stream.indirect.gather [hbm4b:s4+s19], $0x80, s29, s19, $0xb8;
	[tilespmem:$0x1F800] =	vst v63  }
0x90: {  	s29 =	simm.s32 $0x1C80  }
0x91: {  	[spmem:s1] =	stream.indirect.scatter.add.f32 [tilespmem:s21], [sflag:$0x2], $0x80, s29, s19, $0xb8;
	[tilespmem:$0x1F800] =	vst v63  }
0x92: {  	_ =	swait.ge [sflag:s17], $0x4000  }
0x93: {  	s29 =	simm.s32 $0x400;
	[sflag:s17] =	ssyncset.done $0x0  }
.LBB2_6:
0x94: {  	p0 =	sne.s32 s29, $0x2800  }
0x95: {  	[sflag:s17] =	ssyncadd.s32 $0xFFFFC000;
	s30 =	smov.u32 s29;
	s29 =	sadd.s32 $0x400, s29  }
0x96: {  	_ = 	snop  }
0x97: {  	_ =	swait.ge [sflag:s20], $0x4000  }
0x98: {  	s30 =	sshra.s32 s30, $0x2;
	[sflag:s20] =	ssyncset.done $0x0  }
0x99: {  	s31 =	sadd.s32 $0x80, s30;
	[sflag:s20] =	ssyncadd.s32 $0xFFFFC000  }
0x9a: {  	[tilespmem:s21], [sflag:$0x1] =	stream.indirect.gather [hbm4b:s4+s19], $0x80, s31, s19, $0xb8;
	[tilespmem:$0x1F800] =	vst v63  }
0x9b: {  	s31 =	sadd.s32 $0x1C00, s30  }
0x9c: {  	[spmem:s1] =	stream.indirect.scatter.add.f32 [tilespmem:s16], [sflag:$0x2], $0x80, s31, s19, $0xb8;
	[tilespmem:$0x1F800] =	vst v63  }
0x9d: {  	_ =	swait.ge [sflag:s17], $0x4000  }
0x9e: {  	[sflag:s17] =	ssyncset.done $0x0  }
0x9f: {  	[sflag:s17] =	ssyncadd.s32 $0xFFFFC000  }
0xa0: {  	_ =	swait.ge [sflag:s20], $0x4000  }
0xa1: {  	[sflag:s20] =	ssyncset.done $0x0  }
0xa2: {  	s31 =	sadd.s32 $0x100, s30;
	[sflag:s20] =	ssyncadd.s32 $0xFFFFC000  }
0xa3: {  	[tilespmem:s16], [sflag:$0x1] =	stream.indirect.gather [hbm4b:s4+s19], $0x80, s31, s19, $0xb8;
	[tilespmem:$0x1F800] =	vst v63  }
.Ltmp2:
0xa4: {  	_ = 	snop;
	(pc) =	sbr.rel @p0 .LBB2_6-.Ltmp2, $4  }
0xa5: {  	s30 =	sadd.s32 $0x1C80, s30  }
0xa6: {  	[spmem:s1] =	stream.indirect.scatter.add.f32 [tilespmem:s21], [sflag:$0x2], $0x80, s30, s19, $0xb8;
	[tilespmem:$0x1F800] =	vst v63  }
0xa7: {  	_ =	swait.ge [sflag:s17], $0x4000  }
0xa8: {  	[sflag:s17] =	ssyncset.done $0x0  }
0xa9: {  	[sflag:s17] =	ssyncadd.s32 $0xFFFFC000  }
0xaa: {  	_ =	swait.ge [sflag:s20], $0x4000  }
0xab: {  	[sflag:s20] =	ssyncset.done $0x0  }
0xac: {  	[sflag:s20] =	ssyncadd.s32 $0xFFFFC000  }
0xad: {  	[tilespmem:s21], [sflag:$0x1] =	stream.indirect.gather [hbm4b:s4+s19], $0x80, s25, s19, $0xb8;
	[tilespmem:$0x1F800] =	vst v63  }
0xae: {  	_ = 	snop  }
0xaf: {  	[spmem:s1] =	stream.indirect.scatter.add.f32 [tilespmem:s16], [sflag:$0x2], $0x80, s26, s19, $0xb8;
	[tilespmem:$0x1F800] =	vst v63  }
0xb0: {  	_ =	swait.ge [sflag:s17], $0x4000  }
0xb1: {  	[sflag:s17] =	ssyncset.done $0x0  }
0xb2: {  	[sflag:s17] =	ssyncadd.s32 $0xFFFFC000  }
0xb3: {  	_ =	swait.ge [sflag:s20], $0x4000  }
0xb4: {  	[sflag:s20] =	ssyncset.done $0x0  }
0xb5: {  	[sflag:s20] =	ssyncadd.s32 $0xFFFFC000  }
0xb6: {  	[spmem:s1] =	stream.indirect.scatter.add.f32 [tilespmem:s21], [sflag:$0x2], $0x80, s28, s19, $0xb8;
	[tilespmem:$0x1F800] =	vst v63  }
0xb7: {  	_ =	swait.ge [sflag:s17], $0x4000  }
0xb8: {  	s29 =	sshll.u32 s2, $0x6;
	s3 =	sadd.s32 $0x1, s3;
	[sflag:s17] =	ssyncset.done $0x0  }
0xb9: {  	s30 =	sshrl.u32 s5, $0x3;
	p0 =	sne.s32 s3, s15;
	[sflag:s17] =	ssyncadd.s32 $0xFFFFC000  }
.Ltmp3:
0xba: {  	s29 =	sor.u32 $0x1C02, s29;
	[bflag:$0x0] =	sbarrier.arrive $0xFFFF;
	(pc) =	sbr.rel @p0 .LBB2_1-.Ltmp3, $4  }
0xbb: {  	[hbm:s14], [sflag:s29] =	dma.local [spmem:s30], $0x2800  }
0xbc: {  	_ =	swait.ge [sflag:s17], $0x2800  }
0xbd: {  	[sflag:s17] =	ssyncset.done $0x0  }
0xbe: {  	[sflag:s17] =	ssyncadd.s32 $0xFFFFD800  }
0xbf: {  	_ =	sfence.sel $0x180000  }
0xc0: {  	[bflag:$0x0] =	sbarrier.arrive $0xFFFF  }
0xc1: {  	p0 =	sne.s32 s2, $0x0;
	_ =	strace $0x9000004D  }
0xc2: {  	s0 =	sadd.s32 @!p0 $0x100000, s0;
	[bflag:$0x2] =	sbarrier.arrive $0xFFFF  }
0xc3: {  	[sflag:s0] =	ssyncadd.tile.s32 @!p0 $0x1;
	_ =	shalt  }
.Lfunc_end2:
_tile_overlayer_lowered:
.L_overlay_start_2:
0xc4: {  	(tag) =	ssettag $0x2  }
0xc5: {  	s0 =	rddreg [dreg:$0x0];
	s2 =	stileid.u32  }
0xc6: {  	s1 =	rddreg [dreg:$0x1];
	p0 =	sne.s32 s2, $0x0  }
0xc7: {  	s3 =	rddreg [dreg:$0x2];
	[bflag:$0x3] =	sbarrier.arrive $0xFFFF;
	s2 =	simm.s32 @!p0 $0x1C02  }
0xc8: {  	[timem:s3], [sflag:s2] =	dma.local @!p0 [hbm:s0], s1  }
0xc9: {  	s0 =	simm.s32 @!p0 $0x2  }
0xca: {  	_ =	swait.ge @!p0 [sflag:s0], s1  }
0xcb: {  	s1 =	ssub.s32 @!p0 $0x0, s1;
	[sflag:s0] =	ssyncset.done @!p0 $0x0  }
0xcc: {  	[sflag:s0] =	ssyncadd.s32 @!p0 s1  }
0xcd: {  	[bflag:$0x3] =	sbarrier.arrive $0xFFFF  }
0xce: {  	_ =	shalt  }

// kernel: kernel.8.cloned.1.call-start
scs
__scs_entry_jumppad:
0x0: {  	(pc) =	sbr.rel $0x88, $3  }
0x1: {  	(tag) =	ssettag $0x0;
	lr =	simm.s32 $0x1  }
0x2: {  	[smem:$0x3F99] =	sst lr;
	_ =	strace $0xD0000000  }
0x3: {  	_ = 	snop  }
0x4: {  	_ = 	snop  }
0x5: {  	_ = 	snop  }
0x6: {  	_ = 	snop  }
0x7: {  	_ = 	snop  }
__scs_overlays_trampoline_lowered:
0x8: {  	[smem:$0x3FA8] =	sst s0  }
0x9: {  	[smem:$0x3FA9] =	sst s1  }
0xa: {  	[smem:$0x3FAA] =	sst s2  }
0xb: {  	[smem:$0x3FAB] =	sst s3  }
0xc: {  	[smem:$0x3FAC] =	sst s4  }
0xd: {  	[smem:$0x3FAD] =	sst s5  }
0xe: {  	[smem:$0x3FAE] =	sst s6  }
0xf: {  	[smem:$0x3FAF] =	sst s7  }
0x10: {  	[smem:$0x3FB0] =	sst s8  }
0x11: {  	[smem:$0x3FB1] =	sst s9;
	s0 =	simm.s32 @!p0 $0x0  }
0x12: {  	s1 =	sld [smem:$0x3F97];
	s0 =	simm.s32 @p0 $0x1  }
0x13: {  	[smem:$0x3FB2] =	sst s0;
	s0 =	simm.s32 @!p1 $0x0  }
0x14: {  	s2 =	sld [smem:$0x3F96];
	s0 =	simm.s32 @p1 $0x1  }
0x15: {  	[smem:$0x3FB3] =	sst s0;
	s0 =	simm.s32 @!p2 $0x0  }
0x16: {  	s3 =	sld [smem:$0x3FDB];
	s0 =	simm.s32 @p2 $0x1  }
0x17: {  	s4 =	simm.s32 $0x1BF5;
	[smem:$0x3FB5] =	sst s0  }
0x18: {  	s0 =	sld [smem:$0x3F98];
	_ =	swait.ge [sflag:s4], $0x0  }
0x19: {  	s7 =	sld [smem:$0x3F99]  }
0x1a: {  	s8 =	sadd.s32 $0xFFFFE003, lr  }
0x1b: {  	s9 =	sadd.s32 $0xFFFFFEF7, lr;
	s5 =	simm.s32 $0xFFFFFFFF;
	p2 =	slt.u32 s8, $0xFFFFF086  }
0x1c: {  	p1 =	slt.u32 s9, $0xF7A;
	s5 =	simm.s32 @!p2 $0x0  }
0x1d: {  	s5 =	simm.s32 @p1 $0x1;
	p0 =	seq.s32 s7, s2  }
0x1e: {  	s7 =	smul.u32 @!p0 $0xF7A, s2;
	p2 =	seq.s32 @!p0 s5, $0x0  }
0x1f: {  	s9 =	smul.u32 $0xF7A, s1;
	s8 =	simm.s32 @!p0 $0x1BF5;
	p2 =	por !p2, p0  }
0x20: {  	[sflag:s8] =	ssyncset.s32 @!p0 $0xFFFFF086;
	s6 =	sadd.s32 @!p0 s3, s7;
	s7 =	simm.s32 @!p0 $0x108  }
0x21: {  	s3 =	sadd.s32 s3, s9;
	s6 =	sadd.s32 @!p0 $0x88, s6;
	s7 =	simm.s32 @p2 $0x1082  }
0x22: {  	[simem:s7], [sflag:s8] =	dma.local @!p0 [hbm:s6], $0xF7A  }
0x23: {  	s9 =	sor.u32 $0xD0000000, s2;
	s6 =	simm.s32 $0x108;
	_ =	swait.ge @!p0 [sflag:s8], $0x0  }
0x24: {  	s3 =	sadd.s32 $0x88, s3;
	s6 =	simm.s32 @!p1 $0x1082;
	[sflag:s4] =	ssyncset.s32 $0xFFFFF086  }
0x25: {  	[simem:s6], [sflag:s4] =	dma.local [hbm:s3], $0xF7A  }
0x26: {  	[smem:$0x3F99] =	sst s1;
	(tag) =	ssettag s2;
	_ =	strace s9  }
0x27: {  	s1 =	sld [smem:$0x3FA9]  }
0x28: {  	s2 =	sld [smem:$0x3FAA]  }
0x29: {  	s4 =	sld [smem:$0x3FAC]  }
0x2a: {  	p0 =	seq.s32 s5, $0x0;
	s5 =	sld [smem:$0x3FAD]  }
0x2b: {  	s6 =	sld [smem:$0x3FAE]  }
0x2c: {  	s7 =	sld [smem:$0x3FAF]  }
0x2d: {  	s3 =	simm.s32 $0x108;
	s8 =	sld [smem:$0x3FB0]  }
0x2e: {  	s3 =	simm.s32 @!p0 $0x1082;
	s9 =	sld [smem:$0x3FB1]  }
0x2f: {  	lr =	sadd.s32 s0, s3;
	s0 =	sld [smem:$0x3FA8]  }
0x30: {  	s3 =	sld [smem:$0x3FAB]  }
0x31: {  	[smem:$0x3FB4] =	sst s10  }
0x32: {  	s10 =	sld [smem:$0x3FB2];
	_ =	sdelay $0x3  }
0x33: {  	p0 =	seq.s32 s10, $0x1;
	s10 =	sld [smem:$0x3FB4];
	_ =	sdelay $0x3  }
0x34: {  	[smem:$0x3FB4] =	sst s10  }
0x35: {  	s10 =	sld [smem:$0x3FB3];
	_ =	sdelay $0x3  }
0x36: {  	p1 =	seq.s32 s10, $0x1;
	s10 =	sld [smem:$0x3FB4];
	_ =	sdelay $0x3  }
0x37: {  	[smem:$0x3FB4] =	sst s10  }
0x38: {  	s10 =	sld [smem:$0x3FB5]  }
0x39: {  	_ = 	snop;
	(pc) =	sbr.ind lr, $3  }
0x3a: {  	_ = 	snop  }
0x3b: {  	_ = 	snop  }
0x3c: {  	p2 =	seq.s32 s10, $0x1;
	s10 =	sld [smem:$0x3FB4]  }
0x3d: {  	_ =	shalt  }
0x3e: {  	_ =	shalt  }
0x3f: {  	_ =	shalt  }
0x40: {  	_ =	shalt  }
0x41: {  	_ =	shalt  }
0x42: {  	_ =	shalt  }
0x43: {  	_ =	shalt  }
0x44: {  	_ =	shalt  }
0x45: {  	_ =	shalt  }
0x46: {  	_ =	shalt  }
0x47: {  	_ =	shalt  }
0x48: {  	_ =	shalt  }
0x49: {  	_ =	shalt  }
0x4a: {  	_ =	shalt  }
0x4b: {  	_ =	shalt  }
0x4c: {  	_ =	shalt  }
0x4d: {  	_ =	shalt  }
0x4e: {  	_ =	shalt  }
0x4f: {  	_ =	shalt  }
0x50: {  	_ =	shalt  }
0x51: {  	_ =	shalt  }
0x52: {  	_ =	shalt  }
0x53: {  	_ =	shalt  }
0x54: {  	_ =	shalt  }
0x55: {  	_ =	shalt  }
0x56: {  	_ =	shalt  }
0x57: {  	_ =	shalt  }
0x58: {  	_ =	shalt  }
0x59: {  	_ =	shalt  }
0x5a: {  	_ =	shalt  }
0x5b: {  	_ =	shalt  }
0x5c: {  	_ =	shalt  }
0x5d: {  	_ =	shalt  }
0x5e: {  	_ =	shalt  }
0x5f: {  	_ =	shalt  }
0x60: {  	_ =	shalt  }
0x61: {  	_ =	shalt  }
0x62: {  	_ =	shalt  }
0x63: {  	_ =	shalt  }
0x64: {  	_ =	shalt  }
0x65: {  	_ =	shalt  }
0x66: {  	_ =	shalt  }
0x67: {  	_ =	shalt  }
0x68: {  	_ =	shalt  }
0x69: {  	_ =	shalt  }
0x6a: {  	_ =	shalt  }
0x6b: {  	_ =	shalt  }
0x6c: {  	_ =	shalt  }
0x6d: {  	_ =	shalt  }
0x6e: {  	_ =	shalt  }
0x6f: {  	_ =	shalt  }
0x70: {  	_ =	shalt  }
0x71: {  	_ =	shalt  }
0x72: {  	_ =	shalt  }
0x73: {  	_ =	shalt  }
0x74: {  	_ =	shalt  }
0x75: {  	_ =	shalt  }
0x76: {  	_ =	shalt  }
0x77: {  	_ =	shalt  }
0x78: {  	_ =	shalt  }
0x79: {  	_ =	shalt  }
0x7a: {  	_ =	shalt  }
0x7b: {  	_ =	shalt  }
0x7c: {  	_ =	shalt  }
0x7d: {  	_ =	shalt  }
0x7e: {  	_ =	shalt  }
0x7f: {  	_ =	shalt  }
0x80: {  	_ =	shalt  }
0x81: {  	_ =	shalt  }
0x82: {  	_ =	shalt  }
0x83: {  	_ =	shalt  }
0x84: {  	_ =	shalt  }
0x85: {  	_ =	shalt  }
0x86: {  	_ =	shalt  }
0x87: {  	_ =	shalt  }
.Lfunc_end0:
.L_simem_size_0:
called_computation_lowered:
.L_overlay_start_0:
0x88: {  	s2 =	sld [smem:$0x3FD9]  }
0x89: {  	s3 =	sld [smem:$0x3FFE];
	_ =	sdelay $0x1  }
0x8a: {  	s1 =	srdreg.scid  }
0x8b: {  	s0 =	sand.u32 $0x1, s1  }
0x8c: {  	s16 =	sshll.u32 s0, $0xA;
	s2 =	sadd.s32 s3, s2  }
0x8d: {  	s2 =	sadd.s32 s2, s16  }
0x8e: {  	[smem:$0x3FC0] =	sst s2  }
0x8f: {  	_ = 	snop  }
0x90: {  	(tm) =	ssettm $0x1  }
0x91: {  	s17 =	sld [smem:$0x3FFB];
	_ =	sdelay $0x3  }
0x92: {  	_ =	strace s17  }
0x93: {  	s2 =	sld [smem:$0x3FFC];
	_ =	sdelay $0x3  }
0x94: {  	_ =	strace s2  }
0x95: {  	s2 =	sld [smem:$0x3FFD];
	_ =	sdelay $0x3  }
0x96: {  	_ =	strace s2  }
0x97: {  	_ =	strace $0x8FFFFFFF  }
0x98: {  	s18 =	sld [smem:$0x3FDB];
	_ =	sdelay $0x1  }
0x99: {  	s19 =	simm.s32 $_scs_section_size  }
0x9a: {  	s4 =	simm.s32 $_size__tile_overlayer_lowered;
	s5 =	simm.s32 $_tile_overlayer_lowered  }
0x9b: {  	s22 =	simm.s32 $0x1BFF;
	s21 =	sshll.u32 s5, $0x1;
	s2 =	sadd.s32 s19, s18  }
0x9c: {  	s6 =	simm.s32 $0x0;
	s20 =	sshll.u32 s4, $0x1;
	s4 =	sadd.s32 s21, s2  }
0x9d: {  	[timem:s6], [sflag:s22] =	dma.local [hbm:s4], s20  }
0x9e: {  	_ =	swait.ge [sflag:s22], s20  }
0x9f: {  	s3 =	ssub.s32 $0x0, s20;
	[sflag:s22] =	ssyncset.done $0x0  }
0xa0: {  	[sflag:s22] =	ssyncadd.s32 s3;
	_ =	sdelay $0x1  }
0xa1: {  	s23 =	simm.s32 $0x1B8B  }
0xa2: {  	_ =	swait.ge [sflag:s23], $0x1  }
0xa3: {  	[sflag:s23] =	ssyncset.done $0x0  }
0xa4: {  	s25 =	simm.s32 $0x1B8E;
	s24 =	sld [smem:$0x3FFE];
	[sflag:s23] =	ssyncadd.s32 $0xFFFFFFFF  }
0xa5: {  	s26 =	simm.s32 $execute0_lowered;
	[smem:$0x3FD2] =	sst s25  }
0xa6: {  	s4 =	sshll.u32 s26, $0x1;
	_ =	strace $0x80000046;
	[dreg:$0x1] =	wrdreg $0xFFFFFFFF  }
0xa7: {  	s28 =	simm.s32 $_size_execute0_lowered;
	s2 =	sadd.s32 s2, s4;
	[dreg:$0x0] =	wrdreg $0x0  }
0xa8: {  	s4 =	sshll.u32 s28, $0x1;
	[dreg:$0x2] =	wrdreg s2  }
0xa9: {  	[dreg:$0x3] =	wrdreg s4  }
0xaa: {  	[dreg:$0x4] =	wrdreg $0xC0  }
0xab: {  	_ =	task [dreg:s6], $0x5FFFF  }
0xac: {  	[dreg:$0x1] =	wrdreg $0xFFFFFFFF  }
0xad: {  	[dreg:$0x0] =	wrdreg $0x60  }
0xae: {  	[dreg:$0x2] =	wrdreg s24  }
0xaf: {  	[dreg:$0x3] =	wrdreg $0x9  }
0xb0: {  	_ =	task.clear_ibuf [dreg:s6], $0x4FFFF;
	_ =	strace $0x90000046  }
0xb1: {  	s29 =	simm.s32 $0x9;
	_ =	strace $0x80000048  }
0xb2: {  	_ =	swait.ge [sflag:s29], $0x1  }
0xb3: {  	[sflag:s29] =	ssyncadd.s32 $0xFFFFFFFF  }
0xb4: {  	_ =	strace $0x90000048  }
0xb5: {  	_ =	sfence  }
0xb6: {  	s30 =	sld [smem:$0x0];
	_ =	sdelay $0x2  }
0xb7: {  	s31 =	sshll.u32 s1, $0xD;
	s1 =	sshrl.u32 s1, $0x2  }
0xb8: {  	s3 =	sand.u32 $0x4000, s31;
	s1 =	sadd.s32 s1, s30  }
0xb9: {  	s0 =	sor.u32 s3, s0;
	s1 =	sshll.u32 s1, $0x11  }
0xba: {  	s0 =	sor.u32 s1, s0  }
0xbb: {  	s0 =	sadd.s32 $0x8F2B, s0  }
0xbc: {  	[sflag:s0] =	ssyncadd.remote.s32 $0x1  }
0xbd: {  	_ =	sfence.sel $0xFFFF  }
0xbe: {  	[dreg:$0x0] =	wrdreg $0xFFFFFFFF;
	(pc) =	sbr.abs _section_cstart, $3  }
0xbf: {  	[dreg:$0x1] =	wrdreg $0xFFFFFFFF  }
0xc0: {  	_ =	task.clear_ibuf [dreg:s6], $0x2FFFF;
	_ =	strace $0x9FFFFFFF  }
0xc1: {  	(tm) =	ssettm $0x7FFFFFFF  }
tec
execute0_lowered:
.L_overlay_start_1:
0x0: {  	(tag) =	ssettag $0x1  }
0x1: {  	s0 =	srdreg.scid  }
0x2: {  	s4 =	rddreg [dreg:$0x0];
	s3 =	sand.u32 $0x1, s0  }
0x3: {  	s1 =	stileid.u32;
	s7 =	simm.s32 $0x2800;
	s2 =	sshll.u32 s3, $0x4  }
0x4: {  	s0 =	rddreg [dreg:$0x1];
	s3 =	ssub.s32 $0x2, s3;
	s5 =	sor.u32 s1, s2  }
0x5: {  	s2 =	simm.s32 $0x0;
	s6 =	sshrl.u32 s3, $0x1;
	s5 =	smul.u32 $0x500, s5  }
0x6: {  	s8 =	simm.s32 $0x0;
	[smem:$0x7FF] =	sst s2;
	s31 =	ssub.s32 s3, s6  }
0x7: {  	s6 =	simm.s32 $0x1;
	_ =	strace $0x80000047;
	s4 =	sadd.s32 s5, s4  }
0x8: {  	v0 =	vimm.f32 $0.0e+00;
	v1 =	vimm.f32 $1.000000000e+00;
	s5 =	smax.u32 s31, $0x1;
	s3 =	sadd.s32 $0x2600, s4;
	s4 =	sadd.s32 $0xCE00, s4  }
.LBB2_1:
0x9: {  	s9 =	simm.s32 $0x0;
	s10 =	simm.s32 $0x200  }
.LBB2_2:
0xa: {  	p0 =	sne.s32 s10, $0x9E00;
	[tilespmem:s9+$0x2870] =	vst v0  }
0xb: {  	[tilespmem:s9+$0x2800] =	vst v0  }
0xc: {  	[tilespmem:s9+$0x2810] =	vst v0  }
.Ltmp0:
0xd: {  	[tilespmem:s9+$0x2820] =	vst v0;
	(pc) =	sbr.rel @p0 .LBB2_2-.Ltmp0, $4  }
0xe: {  	[tilespmem:s9+$0x2830] =	vst v0  }
0xf: {  	[tilespmem:s9+$0x2840] =	vst v0  }
0x10: {  	[tilespmem:s9+$0x2850] =	vst v0  }
0x11: {  	[tilespmem:s9+$0x2860] =	vst v0;
	s9 =	sshra.s32 s10, $0x2;
	s10 =	sadd.s32 $0x200, s10  }
0x12: {  	[tilespmem:s9+$0x2870] =	vst v0  }
0x13: {  	[tilespmem:s9+$0x2800] =	vst v0  }
0x14: {  	[tilespmem:s9+$0x2810] =	vst v0  }
0x15: {  	[tilespmem:s9+$0x2820] =	vst v0  }
0x16: {  	[tilespmem:s9+$0x2830] =	vst v0  }
0x17: {  	[tilespmem:s9+$0x2840] =	vst v0  }
0x18: {  	[tilespmem:s9+$0x2850] =	vst v0  }
0x19: {  	[tilespmem:s9+$0x2860] =	vst v0;
	s9 =	simm.s32 $0x0  }
0x1a: {  	[tilespmem:s9], [sflag:$0x1] =	stream.linear.gather [hbm4b:s3+s9], $0x2800, $0x38;
	[tilespmem:$0x5000] =	vst v63  }
0x1b: {  	_ =	swait.ge [sflag:s6], $0x2800  }
0x1c: {  	[sflag:s6] =	ssyncset.done $0x0  }
0x1d: {  	[sflag:s6] =	ssyncadd.s32 $0xFFFFD800  }
.LBB2_4:
0x1e: {  	s10 =	sshra.s32 s9, $0x2  }
0x1f: {  	v2 =	vld [tilespmem:s10+$0x0];
	_ =	sdelay $0x7  }
0x20: {  	[tilespmem:v2+s7+$0x0] =	vst.idx.add.f32.msk $0xffff, v1  }
0x21: {  	v2 =	vld [tilespmem:s10+$0x10];
	_ =	sdelay $0x7  }
0x22: {  	[tilespmem:v2+s7+$0x0] =	vst.idx.add.f32.msk $0xffff, v1  }
0x23: {  	v2 =	vld [tilespmem:s10+$0x20];
	_ =	sdelay $0x7  }
0x24: {  	[tilespmem:v2+s7+$0x0] =	vst.idx.add.f32.msk $0xffff, v1  }
0x25: {  	v2 =	vld [tilespmem:s10+$0x30];
	_ =	sdelay $0x7  }
0x26: {  	[tilespmem:v2+s7+$0x0] =	vst.idx.add.f32.msk $0xffff, v1  }
0x27: {  	v2 =	vld [tilespmem:s10+$0x40];
	_ =	sdelay $0x7  }
0x28: {  	[tilespmem:v2+s7+$0x0] =	vst.idx.add.f32.msk $0xffff, v1  }
0x29: {  	v2 =	vld [tilespmem:s10+$0x50];
	_ =	sdelay $0x7  }
0x2a: {  	[tilespmem:v2+s7+$0x0] =	vst.idx.add.f32.msk $0xffff, v1  }
0x2b: {  	v2 =	vld [tilespmem:s10+$0x60];
	_ =	sdelay $0x7  }
0x2c: {  	[tilespmem:v2+s7+$0x0] =	vst.idx.add.f32.msk $0xffff, v1  }
0x2d: {  	v2 =	vld [tilespmem:s10+$0x70];
	_ =	sdelay $0x2  }
0x2e: {  	p0 =	sne.s32 s9, $0x9E00  }
.Ltmp1:
0x2f: {  	_ = 	snop;
	(pc) =	sbr.rel @p0 .LBB2_4-.Ltmp1, $2  }
0x30: {  	_ =	sdelay $0x2  }
0x31: {  	s9 =	sadd.s32 $0x200, s9;
	[tilespmem:v2+s7+$0x0] =	vst.idx.add.f32.msk $0xffff, v1  }
0x32: {  	s8 =	sadd.s32 $0x1, s8  }
0x33: {  	p0 =	sne.s32 s8, s5  }
.Ltmp2:
0x34: {  	_ = 	snop;
	(pc) =	sbr.rel @p0 .LBB2_1-.Ltmp2, $4  }
0x35: {  	[hbm4b:s4+s2] =	stream.linear.scatter [tilespmem:s7], [sflag:$0x1], $0x2800, $0x38;
	[tilespmem:$0x5000] =	vst v63  }
0x36: {  	_ =	swait.ge [sflag:s6], $0x2800  }
0x37: {  	[sflag:s6] =	ssyncset.done $0x0  }
0x38: {  	[sflag:s6] =	ssyncadd.s32 $0xFFFFD800  }
0x39: {  	_ =	sfence.sel $0x180000  }
0x3a: {  	[bflag:$0x0] =	sbarrier.arrive $0xFFFF  }
0x3b: {  	p0 =	sne.s32 s1, $0x0;
	_ =	strace $0x90000047  }
0x3c: {  	s0 =	sadd.s32 @!p0 $0x100000, s0;
	[bflag:$0x2] =	sbarrier.arrive $0xFFFF  }
0x3d: {  	[sflag:s0] =	ssyncadd.tile.s32 @!p0 $0x1;
	_ =	shalt  }
.Lfunc_end2:
_tile_overlayer_lowered:
.L_overlay_start_2:
0x3e: {  	(tag) =	ssettag $0x2  }
0x3f: {  	s0 =	rddreg [dreg:$0x0];
	s2 =	stileid.u32  }
0x40: {  	s1 =	rddreg [dreg:$0x1];
	p0 =	sne.s32 s2, $0x0  }
0x41: {  	s3 =	rddreg [dreg:$0x2];
	[bflag:$0x3] =	sbarrier.arrive $0xFFFF;
	s2 =	simm.s32 @!p0 $0x1C01  }
0x42: {  	[timem:s3], [sflag:s2] =	dma.local @!p0 [hbm:s0], s1  }
0x43: {  	s0 =	simm.s32 @!p0 $0x1  }
0x44: {  	_ =	swait.ge @!p0 [sflag:s0], s1  }
0x45: {  	s1 =	ssub.s32 @!p0 $0x0, s1;
	[sflag:s0] =	ssyncset.done @!p0 $0x0  }
0x46: {  	[sflag:s0] =	ssyncadd.s32 @!p0 s1  }
0x47: {  	[bflag:$0x3] =	sbarrier.arrive $0xFFFF  }
0x48: {  	_ =	shalt  }

</sc_bundles>
